<compile_context>
chip_gen: v7x
topology: tpu7x:2x2x1
jax: 0.10.2.dev20260603
libtpu: 0.0.44.dev20260713+nightly
codegen_flags: <defaults>
</compile_context>

<pallas_src>
import functools

import jax
import jax.numpy as jnp
from jax import lax
from jax.experimental import pallas as pl
from jax.experimental.pallas import tpu as pltpu
from jax.experimental.pallas import tpu_sc as plsc

_N = 10000
_E = 320000
_D = 128
_H = 64
_G = 64
_EPS = 1e-5

_NC = 2
_NS = 16
_NW = _NC * _NS
_CH = 512
_NG = 20
_TILE_E = _NG * _CH
_EP = _NW * _TILE_E
_AR = 11136
_RPS = _N // _NS
_BR = 2000
_NB = _N // _BR



def _make_sc_degree():
    mesh = plsc.VectorSubcoreMesh(core_axis_name="c", subcore_axis_name="s")

    @functools.partial(
        pl.kernel,
        out_type=jax.ShapeDtypeStruct((_NC * _N, 128), jnp.float32),
        mesh=mesh,
        compiler_params=pltpu.CompilerParams(use_tc_tiling_on_sc=False),
        scratch_types=[
            pltpu.VMEM((_NG, _CH), jnp.int32),
            pltpu.VMEM((_CH, 16), jnp.float32),
            pltpu.VMEM_SHARED((_AR, 16), jnp.float32),
        ],
    )
    def deg_kernel(dst3, ones_h, zeros_h, out, dst_v, ones_v, acc_sh):
        c = lax.axis_index("c")
        s = lax.axis_index("s")
        wid = c * _NS + s
        pltpu.sync_copy(dst3.at[wid], dst_v)
        pltpu.sync_copy(ones_h, ones_v)
        pltpu.sync_copy(zeros_h.at[pl.ds(s * _RPS, _RPS)],
                        acc_sh.at[pl.ds(s * _RPS, _RPS)])
        plsc.subcore_barrier()

        @pl.loop(0, _NG)
        def _(j):
            pltpu.sync_copy(ones_v, acc_sh.at[dst_v.at[j]], add=True)

        plsc.subcore_barrier()
        pltpu.sync_copy(acc_sh.at[pl.ds(s * _RPS, _RPS)],
                        out.at[pl.ds(c * _N + s * _RPS, _RPS), pl.ds(0, 16)])

    return deg_kernel


def _make_sc_agg():
    mesh = plsc.VectorSubcoreMesh(core_axis_name="c", subcore_axis_name="s")

    @functools.partial(
        pl.kernel,
        out_type=jax.ShapeDtypeStruct((_NC * _N, 128), jnp.float32),
        mesh=mesh,
        compiler_params=pltpu.CompilerParams(use_tc_tiling_on_sc=False),
        scratch_types=[
            pltpu.VMEM((_NG, _CH), jnp.int32),
            pltpu.VMEM((_NG, _CH), jnp.int32),
            pltpu.VMEM((_CH, _H), jnp.float32),
            pltpu.VMEM((_CH, _H), jnp.float32),
            pltpu.VMEM_SHARED((_AR, _H), jnp.float32),
            pltpu.SemaphoreType.DMA,
            pltpu.SemaphoreType.DMA,
        ],
    )
    def agg_kernel(hs, src3, dst3, zeros_h, out, src_v, dst_v,
                   r0, r1, acc_sh, g0, g1):
        rows = (r0, r1)
        gsem = (g0, g1)
        c = lax.axis_index("c")
        s = lax.axis_index("s")
        wid = c * _NS + s
        pltpu.sync_copy(src3.at[wid], src_v)
        pltpu.sync_copy(dst3.at[wid], dst_v)
        pltpu.sync_copy(zeros_h.at[pl.ds(s * _RPS, _RPS)],
                        acc_sh.at[pl.ds(s * _RPS, _RPS)])
        plsc.subcore_barrier()

        def gfire(g, k):
            pltpu.async_copy(hs.at[src_v.at[g]], rows[k], gsem[k])

        def gwait(g, k):
            pltpu.make_async_copy(hs.at[src_v.at[g]], rows[k],
                                  gsem[k]).wait()

        def step(g, k, last):
            gwait(g, k)
            if not last:
                gfire(g + 1, 1 - k)
            pltpu.sync_copy(rows[k], acc_sh.at[dst_v.at[g]], add=True)

        gfire(0, 0)

        @pl.loop(0, _NG // 2 - 1)
        def _(h):
            step(2 * h, 0, False)
            step(2 * h + 1, 1, False)

        step(_NG - 2, 0, False)
        step(_NG - 1, 1, True)
        plsc.subcore_barrier()
        pltpu.sync_copy(acc_sh.at[pl.ds(s * _RPS, _RPS)],
                        out.at[pl.ds(c * _N + s * _RPS, _RPS), pl.ds(0, _H)])

    return agg_kernel


_sc_degree = _make_sc_degree()
_sc_agg = _make_sc_agg()



def _dinv_from_deg(deg_ref):
    d = deg_ref[0, :, 0:16] + deg_ref[1, :, 0:16]
    ones16 = jnp.ones((16, 1), jnp.float32)
    deg_col = lax.dot_general(d, ones16, (((1,), (0,)), ((), ())),
                              preferred_element_type=jnp.float32) * (1.0 / 16.0)
    return lax.rsqrt(deg_col + 1.0)


def _prep_body(deg_ref, x_ref, w_ref, hs_ref):
    dinv = _dinv_from_deg(deg_ref)
    h = jnp.dot(x_ref[...], w_ref[...], preferred_element_type=jnp.float32)
    hs_ref[:, 0:_H] = h * dinv
    hs_ref[:, _H:128] = jnp.zeros((_BR, 128 - _H), jnp.float32)


_tc_prep = pl.pallas_call(
    _prep_body,
    grid=(_NB,),
    in_specs=[
        pl.BlockSpec((2, _BR, 128), lambda i: (0, i, 0)),
        pl.BlockSpec((_BR, _D), lambda i: (i, 0)),
        pl.BlockSpec((_D, _H), lambda i: (0, 0)),
    ],
    out_specs=pl.BlockSpec((_BR, 128), lambda i: (i, 0)),
    out_shape=jax.ShapeDtypeStruct((_N, 128), jnp.float32),
)


def _mid_body(deg_ref, acc_ref, hs_ref, b_ref, w_ref, out_ref):
    dinv = _dinv_from_deg(deg_ref)
    z = (acc_ref[0, :, 0:_H] + acc_ref[1, :, 0:_H]
         + hs_ref[:, 0:_H]) * dinv + b_ref[0:1, :]
    a = jnp.maximum(z, 0.0)
    out_ref[:, 0:_H] = jnp.dot(a, w_ref[...],
                               preferred_element_type=jnp.float32) * dinv
    out_ref[:, _H:128] = jnp.zeros((_BR, 128 - _H), jnp.float32)


_tc_mid = pl.pallas_call(
    _mid_body,
    grid=(_NB,),
    in_specs=[
        pl.BlockSpec((2, _BR, 128), lambda i: (0, i, 0)),
        pl.BlockSpec((2, _BR, 128), lambda i: (0, i, 0)),
        pl.BlockSpec((_BR, 128), lambda i: (i, 0)),
        pl.BlockSpec((8, _H), lambda i: (0, 0)),
        pl.BlockSpec((_H, _H), lambda i: (0, 0)),
    ],
    out_specs=pl.BlockSpec((_BR, 128), lambda i: (i, 0)),
    out_shape=jax.ShapeDtypeStruct((_N, 128), jnp.float32),
)


def _final_body(deg_ref, acc_ref, hs_ref, b_ref, oneh_ref, out_ref,
                sums_ref, cnts_ref):
    i = pl.program_id(0)

    @pl.when(i == 0)
    def _():
        sums_ref[...] = jnp.zeros_like(sums_ref)
        cnts_ref[...] = jnp.zeros_like(cnts_ref)

    dinv = _dinv_from_deg(deg_ref)
    z = (acc_ref[0, :, 0:_H] + acc_ref[1, :, 0:_H]
         + hs_ref[:, 0:_H]) * dinv + b_ref[0:1, :]
    a = jnp.maximum(z, 0.0)
    bl = oneh_ref[0]
    oh_t = (lax.broadcasted_iota(jnp.int32, (_G, _BR), 0) == bl)
    oh_t = oh_t.astype(jnp.float32)
    sums_ref[...] += lax.dot_general(oh_t, a, (((1,), (0,)), ((), ())),
                                     preferred_element_type=jnp.float32)
    cnts_ref[...] += lax.dot_general(oh_t, jnp.ones((_BR, 1), jnp.float32),
                                     (((1,), (0,)), ((), ())),
                                     preferred_element_type=jnp.float32)

    @pl.when(i == _NB - 1)
    def _():
        out_ref[...] = sums_ref[...] / jnp.maximum(cnts_ref[...], 1.0)


_tc_final = pl.pallas_call(
    _final_body,
    grid=(_NB,),
    in_specs=[
        pl.BlockSpec((2, _BR, 128), lambda i: (0, i, 0)),
        pl.BlockSpec((2, _BR, 128), lambda i: (0, i, 0)),
        pl.BlockSpec((_BR, 128), lambda i: (i, 0)),
        pl.BlockSpec((8, _H), lambda i: (0, 0)),
        pl.BlockSpec((1, 1, _BR), lambda i: (i, 0, 0)),
    ],
    out_specs=pl.BlockSpec((_G, _H), lambda i: (0, 0)),
    out_shape=jax.ShapeDtypeStruct((_G, _H), jnp.float32),
    scratch_shapes=[
        pltpu.VMEM((_G, _H), jnp.float32),
        pltpu.VMEM((_G, 1), jnp.float32),
    ],
)



def kernel(x, edge_index, batch, W1, b1, gamma1, beta1, rm1, rv1,
           W2, b2, gamma2, beta2, rm2, rv2):
    f32 = jnp.float32
    s1 = gamma1 * lax.rsqrt(rv1 + _EPS)
    W1f = W1 * s1[None, :]
    b1f = jnp.tile((b1 * s1 + beta1 - rm1 * s1)[None, :], (8, 1))
    s2 = gamma2 * lax.rsqrt(rv2 + _EPS)
    W2f = W2 * s2[None, :]
    b2f = jnp.tile((b2 * s2 + beta2 - rm2 * s2)[None, :], (8, 1))

    pad_e = _EP - _E
    pad_ar = jnp.arange(pad_e, dtype=jnp.int32)
    src_p = jnp.concatenate([edge_index[0], pad_ar % _N])
    dst_p = jnp.concatenate([edge_index[1], _N + pad_ar % (_AR - _N)])
    src3 = (src_p * 2).reshape(_NW, _NG, _CH)
    dst3 = dst_p.reshape(_NW, _NG, _CH)

    batch2 = batch.reshape(_NB, 1, _BR)

    ones16 = jnp.ones((_CH, 16), f32)
    zeros16 = jnp.zeros((_N, 16), f32)
    zeros64 = jnp.zeros((_N, _H), f32)

    degacc = _sc_degree(dst3, ones16, zeros16).reshape(_NC, _N, 128)
    hs1 = _tc_prep(degacc, x, W1f)
    acc1 = _sc_agg(hs1.reshape(2 * _N, _H), src3, dst3,
                   zeros64).reshape(_NC, _N, 128)
    hs2 = _tc_mid(degacc, acc1, hs1, b1f, W2f)
    acc2 = _sc_agg(hs2.reshape(2 * _N, _H), src3, dst3,
                   zeros64).reshape(_NC, _N, 128)
    return _tc_final(degacc, acc2, hs2, b2f, batch2)

# --- scband reference (transcript-rebuilt; emitter-appended) ---
"""Pipeline reference for scband-gcnencoder-69509750718464 (READ-ONLY COPY).

The authoritative reference and input builder live on the scoring server;
editing this copy changes nothing except your own understanding.
"""

import jax, jax.numpy as jnp
import numpy as np

N = 10000
E = 320000
D = 128
H = 64
G = 64
EPS = 1e-5


def setup_inputs(seed: int = 0) -> dict:
    key = jax.random.key(seed)
    ks = jax.random.split(key, 16)
    x = jax.random.normal(ks[0], (N, D), dtype=jnp.float32)
    edge_index = jax.random.randint(ks[1], (2, E), 0, N, dtype=jnp.int32)
    batch = jnp.sort(jax.random.randint(ks[2], (N,), 0, G, dtype=jnp.int32))
    W1 = jax.random.normal(ks[3], (D, H), dtype=jnp.float32) * 0.05
    b1 = jnp.zeros((H,), dtype=jnp.float32)
    gamma1 = jnp.ones((H,), dtype=jnp.float32)
    beta1 = jnp.zeros((H,), dtype=jnp.float32)
    rm1 = jnp.zeros((H,), dtype=jnp.float32)
    rv1 = jnp.ones((H,), dtype=jnp.float32)
    W2 = jax.random.normal(ks[4], (H, H), dtype=jnp.float32) * 0.05
    b2 = jnp.zeros((H,), dtype=jnp.float32)
    gamma2 = jnp.ones((H,), dtype=jnp.float32)
    beta2 = jnp.zeros((H,), dtype=jnp.float32)
    rm2 = jnp.zeros((H,), dtype=jnp.float32)
    rv2 = jnp.ones((H,), dtype=jnp.float32)
    return {"x": x, "edge_index": edge_index, "batch": batch,
            "W1": W1, "b1": b1, "gamma1": gamma1, "beta1": beta1, "rm1": rm1, "rv1": rv1,
            "W2": W2, "b2": b2, "gamma2": gamma2, "beta2": beta2, "rm2": rm2, "rv2": rv2}


def _gcn_conv(x, edge_index, W, b):
    loop = jnp.arange(N, dtype=edge_index.dtype)
    src = jnp.concatenate([edge_index[0], loop])
    dst = jnp.concatenate([edge_index[1], loop])
    h = x @ W
    ones = jnp.ones((src.shape[0],), dtype=h.dtype)
    deg = jax.ops.segment_sum(ones, dst, num_segments=N)
    dinv = jax.lax.rsqrt(jnp.maximum(deg, 1.0))
    norm = dinv[src] * dinv[dst]
    msg = h[src] * norm[:, None]
    out = jax.ops.segment_sum(msg, dst, num_segments=N) + b
    return out


def _bn(x, gamma, beta, rm, rv):
    return (x - rm) * jax.lax.rsqrt(rv + EPS) * gamma + beta


def _global_mean_pool(x, batch):
    sums = jax.ops.segment_sum(x, batch, num_segments=G)
    counts = jax.ops.segment_sum(jnp.ones((x.shape[0],), dtype=x.dtype), batch, num_segments=G)
    return sums / jnp.maximum(counts, 1.0)[:, None]


def reference(x, edge_index, batch, W1, b1, gamma1, beta1, rm1, rv1, W2, b2, gamma2, beta2, rm2, rv2):
    h = jax.nn.relu(_bn(_gcn_conv(x, edge_index, W1, b1), gamma1, beta1, rm1, rv1))
    # dropout is a no-op in eval mode
    h = jax.nn.relu(_bn(_gcn_conv(h, edge_index, W2, b2), gamma2, beta2, rm2, rv2))
    return _global_mean_pool(h, batch)

if __name__ == "__main__":
    import jax
    _d = setup_inputs()
    print(jax.jit(kernel)(*tuple(_d.values())))

</pallas_src>

<mosaic_0001>
#map = affine_map<(d0, d1) -> (0, 0, 0)>
#map1 = affine_map<(d0, d1) -> (0, 0)>
module attributes {stable_mosaic.version = 14 : i64} {
  func.func @deg_kernel(%arg0: i32, %arg1: i32, %arg2: memref<32x20x512xi32, #tpu.memory_space<hbm>>, %arg3: memref<512x16xf32, #tpu.memory_space<hbm>>, %arg4: memref<10000x16xf32, #tpu.memory_space<hbm>>, %arg5: memref<20000x128xf32, #tpu.memory_space<hbm>>, %arg6: memref<20x512xi32, #tpu.memory_space<vmem>>, %arg7: memref<512x16xf32, #tpu.memory_space<vmem>>, %arg8: memref<11136x16xf32, #tpu.memory_space<vmem_shared>>) attributes {dimension_semantics = [#tpu.dimension_semantics<core_parallel>, #tpu.dimension_semantics<subcore_parallel>], iteration_bounds = array<i64: 2, 16>, scalar_prefetch = 0 : i64, scratch_operands = 3 : i64, tpu.core_type = #tpu.core_type<sc_vector_subcore>, window_params = [{transform_indices = #map}, {transform_indices = #map1}, {transform_indices = #map1}, {transform_indices = #map1}]} {
    %mul3A = arith.constant 16 : i32
    %mul3A_0 = arith.muli %arg0, %mul3A : i32
    %add3A = arith.addi %mul3A_0, %arg1 : i32
    "tpu.region"() ({
      %run_scoped3A = tpu.sem_alloc : memref<!tpu.dma_semaphore, #tpu.memory_space<semaphore_mem>>
      %dma_start3A = arith.constant 0 : i32
      %dma_start3A_17 = arith.constant 0 : i32
      %dma_start3A_18 = tpu.memref_slice %arg2[%add3A, %dma_start3A, %dma_start3A_17] : memref<32x20x512xi32, #tpu.memory_space<hbm>> -> memref<1x20x512xi32, #tpu.memory_space<hbm>>
      %dma_start3A_19 = tpu.memref_squeeze %dma_start3A_18 : memref<1x20x512xi32, #tpu.memory_space<hbm>> -> memref<20x512xi32, #tpu.memory_space<hbm>>
      %dma_start3A_20 = arith.constant 0 : i32
      %dma_start3A_21 = arith.constant 0 : i32
      %dma_start3A_22 = tpu.memref_slice %arg2[%add3A, %dma_start3A_20, %dma_start3A_21] : memref<32x20x512xi32, #tpu.memory_space<hbm>> -> memref<1x20x512xi32, #tpu.memory_space<hbm>>
      %dma_start3A_23 = tpu.memref_squeeze %dma_start3A_22 : memref<1x20x512xi32, #tpu.memory_space<hbm>> -> memref<20x512xi32, #tpu.memory_space<hbm>>
      tpu.enqueue_dma source(%dma_start3A_23 : memref<20x512xi32, #tpu.memory_space<hbm>>) target(%arg6 : memref<20x512xi32, #tpu.memory_space<vmem>>) target_semaphore(%run_scoped3A : memref<!tpu.dma_semaphore, #tpu.memory_space<semaphore_mem>>)
      %dma_wait3A = arith.constant 0 : i32
      %dma_wait3A_24 = arith.constant 0 : i32
      %dma_wait3A_25 = tpu.memref_slice %arg2[%add3A, %dma_wait3A, %dma_wait3A_24] : memref<32x20x512xi32, #tpu.memory_space<hbm>> -> memref<1x20x512xi32, #tpu.memory_space<hbm>>
      %dma_wait3A_26 = tpu.memref_squeeze %dma_wait3A_25 : memref<1x20x512xi32, #tpu.memory_space<hbm>> -> memref<20x512xi32, #tpu.memory_space<hbm>>
      %dma_wait3A_27 = arith.constant 0 : i32
      %dma_wait3A_28 = arith.constant 0 : i32
      %dma_wait3A_29 = tpu.memref_slice %arg2[%add3A, %dma_wait3A_27, %dma_wait3A_28] : memref<32x20x512xi32, #tpu.memory_space<hbm>> -> memref<1x20x512xi32, #tpu.memory_space<hbm>>
      %dma_wait3A_30 = tpu.memref_squeeze %dma_wait3A_29 : memref<1x20x512xi32, #tpu.memory_space<hbm>> -> memref<20x512xi32, #tpu.memory_space<hbm>>
      tpu.wait_dma2 semaphore(%run_scoped3A : memref<!tpu.dma_semaphore, #tpu.memory_space<semaphore_mem>>) src(%dma_wait3A_30 : memref<20x512xi32, #tpu.memory_space<hbm>>) dst(%arg6 : memref<20x512xi32, #tpu.memory_space<vmem>>)
      tpu.yield
    }) : () -> ()
    "tpu.region"() ({
      %run_scoped3A = tpu.sem_alloc : memref<!tpu.dma_semaphore, #tpu.memory_space<semaphore_mem>>
      tpu.enqueue_dma source(%arg3 : memref<512x16xf32, #tpu.memory_space<hbm>>) target(%arg7 : memref<512x16xf32, #tpu.memory_space<vmem>>) target_semaphore(%run_scoped3A : memref<!tpu.dma_semaphore, #tpu.memory_space<semaphore_mem>>)
      tpu.wait_dma2 semaphore(%run_scoped3A : memref<!tpu.dma_semaphore, #tpu.memory_space<semaphore_mem>>) src(%arg3 : memref<512x16xf32, #tpu.memory_space<hbm>>) dst(%arg7 : memref<512x16xf32, #tpu.memory_space<vmem>>)
      tpu.yield
    }) : () -> ()
    %mul3A_1 = arith.constant 625 : i32
    %mul3A_2 = arith.muli %arg1, %mul3A_1 : i32
    %mul3A_3 = arith.constant 625 : i32
    %mul3A_4 = arith.muli %arg1, %mul3A_3 : i32
    "tpu.region"() ({
      %run_scoped3A = tpu.sem_alloc : memref<!tpu.dma_semaphore, #tpu.memory_space<semaphore_mem>>
      %dma_start3A = arith.constant 0 : i32
      %dma_start3A_17 = tpu.memref_slice %arg8[%mul3A_4, %dma_start3A] : memref<11136x16xf32, #tpu.memory_space<vmem_shared>> -> memref<625x16xf32, #tpu.memory_space<vmem_shared>>
      %dma_start3A_18 = arith.constant 0 : i32
      %dma_start3A_19 = tpu.memref_slice %arg4[%mul3A_2, %dma_start3A_18] : memref<10000x16xf32, #tpu.memory_space<hbm>> -> memref<625x16xf32, #tpu.memory_space<hbm>>
      tpu.enqueue_dma source(%dma_start3A_19 : memref<625x16xf32, #tpu.memory_space<hbm>>) target(%dma_start3A_17 : memref<625x16xf32, #tpu.memory_space<vmem_shared>>) target_semaphore(%run_scoped3A : memref<!tpu.dma_semaphore, #tpu.memory_space<semaphore_mem>>)
      %dma_wait3A = arith.constant 0 : i32
      %dma_wait3A_20 = tpu.memref_slice %arg8[%mul3A_4, %dma_wait3A] : memref<11136x16xf32, #tpu.memory_space<vmem_shared>> -> memref<625x16xf32, #tpu.memory_space<vmem_shared>>
      %dma_wait3A_21 = arith.constant 0 : i32
      %dma_wait3A_22 = tpu.memref_slice %arg4[%mul3A_2, %dma_wait3A_21] : memref<10000x16xf32, #tpu.memory_space<hbm>> -> memref<625x16xf32, #tpu.memory_space<hbm>>
      tpu.wait_dma2 semaphore(%run_scoped3A : memref<!tpu.dma_semaphore, #tpu.memory_space<semaphore_mem>>) src(%dma_wait3A_22 : memref<625x16xf32, #tpu.memory_space<hbm>>) dst(%dma_wait3A_20 : memref<625x16xf32, #tpu.memory_space<vmem_shared>>)
      tpu.yield
    }) : () -> ()
    %barrier3A = arith.constant 0 : index
    tpu.barrier barrier_id(%barrier3A)
    %scan3A = arith.constant 0 : i32
    %scan3A_5 = arith.constant 20 : i32
    %scan3A_6 = arith.addi %scan3A, %scan3A_5 : i32
    %scan3A_7 = arith.constant 1 : i32
    scf.for %scan3A_17 = %scan3A to %scan3A_6 step %scan3A_7  : i32 {
      %mul3A_18 = arith.constant 1 : i32
      %mul3A_19 = arith.muli %scan3A_17, %mul3A_18 : i32
      %add3A_20 = arith.constant 0 : i32
      %add3A_21 = arith.addi %add3A_20, %mul3A_19 : i32
      "tpu.region"() ({
        %run_scoped3A = tpu.sem_alloc : memref<!tpu.dma_semaphore, #tpu.memory_space<semaphore_mem>>
        %dma_start3A = arith.constant 0 : i32
        %dma_start3A_22 = tpu.memref_slice %arg6[%add3A_21, %dma_start3A] : memref<20x512xi32, #tpu.memory_space<vmem>> -> memref<1x512xi32, #tpu.memory_space<vmem>>
        %dma_start3A_23 = tpu.memref_squeeze %dma_start3A_22 : memref<1x512xi32, #tpu.memory_space<vmem>> -> memref<512xi32, #tpu.memory_space<vmem>>
        %dma_start3A_24 = arith.constant 0 : i32
        %dma_start3A_25 = arith.constant 0 : i32
        %dma_start3A_26 = tpu.memref_slice %arg8[%dma_start3A_24, %dma_start3A_25] : memref<11136x16xf32, #tpu.memory_space<vmem_shared>> -> memref<11136x16xf32, #tpu.memory_space<vmem_shared>>
        tpu.enqueue_indirect_dma source(%arg7 : memref<512x16xf32, #tpu.memory_space<vmem>>) target(%dma_start3A_26 : memref<11136x16xf32, #tpu.memory_space<vmem_shared>>) offsets(%dma_start3A_23 : memref<512xi32, #tpu.memory_space<vmem>>) semaphore(%run_scoped3A : memref<!tpu.dma_semaphore, #tpu.memory_space<semaphore_mem>>) {add = true}
        %dma_wait3A = arith.constant 0 : i32
        %dma_wait3A_27 = tpu.memref_slice %arg6[%add3A_21, %dma_wait3A] : memref<20x512xi32, #tpu.memory_space<vmem>> -> memref<1x512xi32, #tpu.memory_space<vmem>>
        %dma_wait3A_28 = tpu.memref_squeeze %dma_wait3A_27 : memref<1x512xi32, #tpu.memory_space<vmem>> -> memref<512xi32, #tpu.memory_space<vmem>>
        %dma_wait3A_29 = arith.constant 0 : i32
        %dma_wait3A_30 = arith.constant 0 : i32
        %dma_wait3A_31 = tpu.memref_slice %arg8[%dma_wait3A_29, %dma_wait3A_30] : memref<11136x16xf32, #tpu.memory_space<vmem_shared>> -> memref<11136x16xf32, #tpu.memory_space<vmem_shared>>
        tpu.wait_indirect_dma semaphore(%run_scoped3A : memref<!tpu.dma_semaphore, #tpu.memory_space<semaphore_mem>>) src(%arg7 : memref<512x16xf32, #tpu.memory_space<vmem>>) dst(%dma_wait3A_31 : memref<11136x16xf32, #tpu.memory_space<vmem_shared>>)
        tpu.yield
      }) : () -> ()
    }
    %scan3A_8 = arith.constant 20 : i32
    %barrier3A_9 = arith.constant 0 : index
    tpu.barrier barrier_id(%barrier3A_9)
    %mul3A_10 = arith.constant 625 : i32
    %mul3A_11 = arith.muli %arg1, %mul3A_10 : i32
    %mul3A_12 = arith.constant 10000 : i32
    %mul3A_13 = arith.muli %arg0, %mul3A_12 : i32
    %mul3A_14 = arith.constant 625 : i32
    %mul3A_15 = arith.muli %arg1, %mul3A_14 : i32
    %add3A_16 = arith.addi %mul3A_13, %mul3A_15 : i32
    "tpu.region"() ({
      %run_scoped3A = tpu.sem_alloc : memref<!tpu.dma_semaphore, #tpu.memory_space<semaphore_mem>>
      %dma_start3A = arith.constant 0 : i32
      %dma_start3A_17 = tpu.memref_slice %arg5[%add3A_16, %dma_start3A] : memref<20000x128xf32, #tpu.memory_space<hbm>> -> memref<625x16xf32, #tpu.memory_space<hbm>>
      %dma_start3A_18 = arith.constant 0 : i32
      %dma_start3A_19 = tpu.memref_slice %arg8[%mul3A_11, %dma_start3A_18] : memref<11136x16xf32, #tpu.memory_space<vmem_shared>> -> memref<625x16xf32, #tpu.memory_space<vmem_shared>>
      tpu.enqueue_dma source(%dma_start3A_19 : memref<625x16xf32, #tpu.memory_space<vmem_shared>>) target(%dma_start3A_17 : memref<625x16xf32, #tpu.memory_space<hbm>>) target_semaphore(%run_scoped3A : memref<!tpu.dma_semaphore, #tpu.memory_space<semaphore_mem>>)
      %dma_wait3A = arith.constant 0 : i32
      %dma_wait3A_20 = tpu.memref_slice %arg5[%add3A_16, %dma_wait3A] : memref<20000x128xf32, #tpu.memory_space<hbm>> -> memref<625x16xf32, #tpu.memory_space<hbm>>
      %dma_wait3A_21 = arith.constant 0 : i32
      %dma_wait3A_22 = tpu.memref_slice %arg8[%mul3A_11, %dma_wait3A_21] : memref<11136x16xf32, #tpu.memory_space<vmem_shared>> -> memref<625x16xf32, #tpu.memory_space<vmem_shared>>
      tpu.wait_dma2 semaphore(%run_scoped3A : memref<!tpu.dma_semaphore, #tpu.memory_space<semaphore_mem>>) src(%dma_wait3A_22 : memref<625x16xf32, #tpu.memory_space<vmem_shared>>) dst(%dma_wait3A_20 : memref<625x16xf32, #tpu.memory_space<hbm>>)
      tpu.yield
    }) : () -> ()
    return
  }
}

#map = affine_map<(d0, d1) -> (0, 0)>
#map1 = affine_map<(d0, d1) -> (0, 0, 0)>
module attributes {stable_mosaic.version = 14 : i64} {
  func.func @agg_kernel(%arg0: i32, %arg1: i32, %arg2: memref<20000x64xf32, #tpu.memory_space<hbm>>, %arg3: memref<32x20x512xi32, #tpu.memory_space<hbm>>, %arg4: memref<32x20x512xi32, #tpu.memory_space<hbm>>, %arg5: memref<10000x64xf32, #tpu.memory_space<hbm>>, %arg6: memref<20000x128xf32, #tpu.memory_space<hbm>>, %arg7: memref<20x512xi32, #tpu.memory_space<vmem>>, %arg8: memref<20x512xi32, #tpu.memory_space<vmem>>, %arg9: memref<512x64xf32, #tpu.memory_space<vmem>>, %arg10: memref<512x64xf32, #tpu.memory_space<vmem>>, %arg11: memref<11136x64xf32, #tpu.memory_space<vmem_shared>>, %arg12: memref<!tpu.dma_semaphore, #tpu.memory_space<semaphore_mem>>, %arg13: memref<!tpu.dma_semaphore, #tpu.memory_space<semaphore_mem>>) attributes {dimension_semantics = [#tpu.dimension_semantics<core_parallel>, #tpu.dimension_semantics<subcore_parallel>], iteration_bounds = array<i64: 2, 16>, scalar_prefetch = 0 : i64, scratch_operands = 7 : i64, tpu.core_type = #tpu.core_type<sc_vector_subcore>, window_params = [{transform_indices = #map}, {transform_indices = #map1}, {transform_indices = #map1}, {transform_indices = #map}, {transform_indices = #map}]} {
    %mul3A = arith.constant 16 : i32
    %mul3A_0 = arith.muli %arg0, %mul3A : i32
    %add3A = arith.addi %mul3A_0, %arg1 : i32
    "tpu.region"() ({
      %run_scoped3A_44 = tpu.sem_alloc : memref<!tpu.dma_semaphore, #tpu.memory_space<semaphore_mem>>
      %dma_start3A_45 = arith.constant 0 : i32
      %dma_start3A_46 = arith.constant 0 : i32
      %dma_start3A_47 = tpu.memref_slice %arg3[%add3A, %dma_start3A_45, %dma_start3A_46] : memref<32x20x512xi32, #tpu.memory_space<hbm>> -> memref<1x20x512xi32, #tpu.memory_space<hbm>>
      %dma_start3A_48 = tpu.memref_squeeze %dma_start3A_47 : memref<1x20x512xi32, #tpu.memory_space<hbm>> -> memref<20x512xi32, #tpu.memory_space<hbm>>
      %dma_start3A_49 = arith.constant 0 : i32
      %dma_start3A_50 = arith.constant 0 : i32
      %dma_start3A_51 = tpu.memref_slice %arg3[%add3A, %dma_start3A_49, %dma_start3A_50] : memref<32x20x512xi32, #tpu.memory_space<hbm>> -> memref<1x20x512xi32, #tpu.memory_space<hbm>>
      %dma_start3A_52 = tpu.memref_squeeze %dma_start3A_51 : memref<1x20x512xi32, #tpu.memory_space<hbm>> -> memref<20x512xi32, #tpu.memory_space<hbm>>
      tpu.enqueue_dma source(%dma_start3A_52 : memref<20x512xi32, #tpu.memory_space<hbm>>) target(%arg7 : memref<20x512xi32, #tpu.memory_space<vmem>>) target_semaphore(%run_scoped3A_44 : memref<!tpu.dma_semaphore, #tpu.memory_space<semaphore_mem>>)
      %dma_wait3A_53 = arith.constant 0 : i32
      %dma_wait3A_54 = arith.constant 0 : i32
      %dma_wait3A_55 = tpu.memref_slice %arg3[%add3A, %dma_wait3A_53, %dma_wait3A_54] : memref<32x20x512xi32, #tpu.memory_space<hbm>> -> memref<1x20x512xi32, #tpu.memory_space<hbm>>
      %dma_wait3A_56 = tpu.memref_squeeze %dma_wait3A_55 : memref<1x20x512xi32, #tpu.memory_space<hbm>> -> memref<20x512xi32, #tpu.memory_space<hbm>>
      %dma_wait3A_57 = arith.constant 0 : i32
      %dma_wait3A_58 = arith.constant 0 : i32
      %dma_wait3A_59 = tpu.memref_slice %arg3[%add3A, %dma_wait3A_57, %dma_wait3A_58] : memref<32x20x512xi32, #tpu.memory_space<hbm>> -> memref<1x20x512xi32, #tpu.memory_space<hbm>>
      %dma_wait3A_60 = tpu.memref_squeeze %dma_wait3A_59 : memref<1x20x512xi32, #tpu.memory_space<hbm>> -> memref<20x512xi32, #tpu.memory_space<hbm>>
      tpu.wait_dma2 semaphore(%run_scoped3A_44 : memref<!tpu.dma_semaphore, #tpu.memory_space<semaphore_mem>>) src(%dma_wait3A_60 : memref<20x512xi32, #tpu.memory_space<hbm>>) dst(%arg7 : memref<20x512xi32, #tpu.memory_space<vmem>>)
      tpu.yield
    }) : () -> ()
    "tpu.region"() ({
      %run_scoped3A_44 = tpu.sem_alloc : memref<!tpu.dma_semaphore, #tpu.memory_space<semaphore_mem>>
      %dma_start3A_45 = arith.constant 0 : i32
      %dma_start3A_46 = arith.constant 0 : i32
      %dma_start3A_47 = tpu.memref_slice %arg4[%add3A, %dma_start3A_45, %dma_start3A_46] : memref<32x20x512xi32, #tpu.memory_space<hbm>> -> memref<1x20x512xi32, #tpu.memory_space<hbm>>
      %dma_start3A_48 = tpu.memref_squeeze %dma_start3A_47 : memref<1x20x512xi32, #tpu.memory_space<hbm>> -> memref<20x512xi32, #tpu.memory_space<hbm>>
      %dma_start3A_49 = arith.constant 0 : i32
      %dma_start3A_50 = arith.constant 0 : i32
      %dma_start3A_51 = tpu.memref_slice %arg4[%add3A, %dma_start3A_49, %dma_start3A_50] : memref<32x20x512xi32, #tpu.memory_space<hbm>> -> memref<1x20x512xi32, #tpu.memory_space<hbm>>
      %dma_start3A_52 = tpu.memref_squeeze %dma_start3A_51 : memref<1x20x512xi32, #tpu.memory_space<hbm>> -> memref<20x512xi32, #tpu.memory_space<hbm>>
      tpu.enqueue_dma source(%dma_start3A_52 : memref<20x512xi32, #tpu.memory_space<hbm>>) target(%arg8 : memref<20x512xi32, #tpu.memory_space<vmem>>) target_semaphore(%run_scoped3A_44 : memref<!tpu.dma_semaphore, #tpu.memory_space<semaphore_mem>>)
      %dma_wait3A_53 = arith.constant 0 : i32
      %dma_wait3A_54 = arith.constant 0 : i32
      %dma_wait3A_55 = tpu.memref_slice %arg4[%add3A, %dma_wait3A_53, %dma_wait3A_54] : memref<32x20x512xi32, #tpu.memory_space<hbm>> -> memref<1x20x512xi32, #tpu.memory_space<hbm>>
      %dma_wait3A_56 = tpu.memref_squeeze %dma_wait3A_55 : memref<1x20x512xi32, #tpu.memory_space<hbm>> -> memref<20x512xi32, #tpu.memory_space<hbm>>
      %dma_wait3A_57 = arith.constant 0 : i32
      %dma_wait3A_58 = arith.constant 0 : i32
      %dma_wait3A_59 = tpu.memref_slice %arg4[%add3A, %dma_wait3A_57, %dma_wait3A_58] : memref<32x20x512xi32, #tpu.memory_space<hbm>> -> memref<1x20x512xi32, #tpu.memory_space<hbm>>
      %dma_wait3A_60 = tpu.memref_squeeze %dma_wait3A_59 : memref<1x20x512xi32, #tpu.memory_space<hbm>> -> memref<20x512xi32, #tpu.memory_space<hbm>>
      tpu.wait_dma2 semaphore(%run_scoped3A_44 : memref<!tpu.dma_semaphore, #tpu.memory_space<semaphore_mem>>) src(%dma_wait3A_60 : memref<20x512xi32, #tpu.memory_space<hbm>>) dst(%arg8 : memref<20x512xi32, #tpu.memory_space<vmem>>)
      tpu.yield
    }) : () -> ()
    %mul3A_1 = arith.constant 625 : i32
    %mul3A_2 = arith.muli %arg1, %mul3A_1 : i32
    %mul3A_3 = arith.constant 625 : i32
    %mul3A_4 = arith.muli %arg1, %mul3A_3 : i32
    "tpu.region"() ({
      %run_scoped3A_44 = tpu.sem_alloc : memref<!tpu.dma_semaphore, #tpu.memory_space<semaphore_mem>>
      %dma_start3A_45 = arith.constant 0 : i32
      %dma_start3A_46 = tpu.memref_slice %arg11[%mul3A_4, %dma_start3A_45] : memref<11136x64xf32, #tpu.memory_space<vmem_shared>> -> memref<625x64xf32, #tpu.memory_space<vmem_shared>>
      %dma_start3A_47 = arith.constant 0 : i32
      %dma_start3A_48 = tpu.memref_slice %arg5[%mul3A_2, %dma_start3A_47] : memref<10000x64xf32, #tpu.memory_space<hbm>> -> memref<625x64xf32, #tpu.memory_space<hbm>>
      tpu.enqueue_dma source(%dma_start3A_48 : memref<625x64xf32, #tpu.memory_space<hbm>>) target(%dma_start3A_46 : memref<625x64xf32, #tpu.memory_space<vmem_shared>>) target_semaphore(%run_scoped3A_44 : memref<!tpu.dma_semaphore, #tpu.memory_space<semaphore_mem>>)
      %dma_wait3A_49 = arith.constant 0 : i32
      %dma_wait3A_50 = tpu.memref_slice %arg11[%mul3A_4, %dma_wait3A_49] : memref<11136x64xf32, #tpu.memory_space<vmem_shared>> -> memref<625x64xf32, #tpu.memory_space<vmem_shared>>
      %dma_wait3A_51 = arith.constant 0 : i32
      %dma_wait3A_52 = tpu.memref_slice %arg5[%mul3A_2, %dma_wait3A_51] : memref<10000x64xf32, #tpu.memory_space<hbm>> -> memref<625x64xf32, #tpu.memory_space<hbm>>
      tpu.wait_dma2 semaphore(%run_scoped3A_44 : memref<!tpu.dma_semaphore, #tpu.memory_space<semaphore_mem>>) src(%dma_wait3A_52 : memref<625x64xf32, #tpu.memory_space<hbm>>) dst(%dma_wait3A_50 : memref<625x64xf32, #tpu.memory_space<vmem_shared>>)
      tpu.yield
    }) : () -> ()
    %barrier3A = arith.constant 0 : index
    tpu.barrier barrier_id(%barrier3A)
    %dma_start3A = arith.constant 0 : i32
    %dma_start3A_5 = arith.constant 0 : i32
    %dma_start3A_6 = tpu.memref_slice %arg7[%dma_start3A, %dma_start3A_5] : memref<20x512xi32, #tpu.memory_space<vmem>> -> memref<1x512xi32, #tpu.memory_space<vmem>>
    %dma_start3A_7 = tpu.memref_squeeze %dma_start3A_6 : memref<1x512xi32, #tpu.memory_space<vmem>> -> memref<512xi32, #tpu.memory_space<vmem>>
    %dma_start3A_8 = arith.constant 0 : i32
    %dma_start3A_9 = arith.constant 0 : i32
    %dma_start3A_10 = tpu.memref_slice %arg2[%dma_start3A_8, %dma_start3A_9] : memref<20000x64xf32, #tpu.memory_space<hbm>> -> memref<20000x64xf32, #tpu.memory_space<hbm>>
    tpu.enqueue_indirect_dma source(%dma_start3A_10 : memref<20000x64xf32, #tpu.memory_space<hbm>>) target(%arg9 : memref<512x64xf32, #tpu.memory_space<vmem>>) offsets(%dma_start3A_7 : memref<512xi32, #tpu.memory_space<vmem>>) semaphore(%arg12 : memref<!tpu.dma_semaphore, #tpu.memory_space<semaphore_mem>>)
    %scan3A = arith.constant 0 : i32
    %scan3A_11 = arith.constant 9 : i32
    %scan3A_12 = arith.addi %scan3A, %scan3A_11 : i32
    %scan3A_13 = arith.constant 1 : i32
    scf.for %scan3A_44 = %scan3A to %scan3A_12 step %scan3A_13  : i32 {
      %mul3A_45 = arith.constant 1 : i32
      %mul3A_46 = arith.muli %scan3A_44, %mul3A_45 : i32
      %add3A_47 = arith.constant 0 : i32
      %add3A_48 = arith.addi %add3A_47, %mul3A_46 : i32
      %mul3A_49 = arith.constant 2 : i32
      %mul3A_50 = arith.muli %mul3A_49, %add3A_48 : i32
      %dma_wait3A_51 = arith.constant 0 : i32
      %dma_wait3A_52 = tpu.memref_slice %arg7[%mul3A_50, %dma_wait3A_51] : memref<20x512xi32, #tpu.memory_space<vmem>> -> memref<1x512xi32, #tpu.memory_space<vmem>>
      %dma_wait3A_53 = tpu.memref_squeeze %dma_wait3A_52 : memref<1x512xi32, #tpu.memory_space<vmem>> -> memref<512xi32, #tpu.memory_space<vmem>>
      %dma_wait3A_54 = arith.constant 0 : i32
      %dma_wait3A_55 = arith.constant 0 : i32
      %dma_wait3A_56 = tpu.memref_slice %arg2[%dma_wait3A_54, %dma_wait3A_55] : memref<20000x64xf32, #tpu.memory_space<hbm>> -> memref<20000x64xf32, #tpu.memory_space<hbm>>
      tpu.wait_indirect_dma semaphore(%arg12 : memref<!tpu.dma_semaphore, #tpu.memory_space<semaphore_mem>>) src(%dma_wait3A_56 : memref<20000x64xf32, #tpu.memory_space<hbm>>) dst(%arg9 : memref<512x64xf32, #tpu.memory_space<vmem>>)
      %add3A_57 = arith.constant 1 : i32
      %add3A_58 = arith.addi %mul3A_50, %add3A_57 : i32
      %dma_start3A_59 = arith.constant 0 : i32
      %dma_start3A_60 = tpu.memref_slice %arg7[%add3A_58, %dma_start3A_59] : memref<20x512xi32, #tpu.memory_space<vmem>> -> memref<1x512xi32, #tpu.memory_space<vmem>>
      %dma_start3A_61 = tpu.memref_squeeze %dma_start3A_60 : memref<1x512xi32, #tpu.memory_space<vmem>> -> memref<512xi32, #tpu.memory_space<vmem>>
      %dma_start3A_62 = arith.constant 0 : i32
      %dma_start3A_63 = arith.constant 0 : i32
      %dma_start3A_64 = tpu.memref_slice %arg2[%dma_start3A_62, %dma_start3A_63] : memref<20000x64xf32, #tpu.memory_space<hbm>> -> memref<20000x64xf32, #tpu.memory_space<hbm>>
      tpu.enqueue_indirect_dma source(%dma_start3A_64 : memref<20000x64xf32, #tpu.memory_space<hbm>>) target(%arg10 : memref<512x64xf32, #tpu.memory_space<vmem>>) offsets(%dma_start3A_61 : memref<512xi32, #tpu.memory_space<vmem>>) semaphore(%arg13 : memref<!tpu.dma_semaphore, #tpu.memory_space<semaphore_mem>>)
      "tpu.region"() ({
        %run_scoped3A_83 = tpu.sem_alloc : memref<!tpu.dma_semaphore, #tpu.memory_space<semaphore_mem>>
        %dma_start3A_84 = arith.constant 0 : i32
        %dma_start3A_85 = tpu.memref_slice %arg8[%mul3A_50, %dma_start3A_84] : memref<20x512xi32, #tpu.memory_space<vmem>> -> memref<1x512xi32, #tpu.memory_space<vmem>>
        %dma_start3A_86 = tpu.memref_squeeze %dma_start3A_85 : memref<1x512xi32, #tpu.memory_space<vmem>> -> memref<512xi32, #tpu.memory_space<vmem>>
        %dma_start3A_87 = arith.constant 0 : i32
        %dma_start3A_88 = arith.constant 0 : i32
        %dma_start3A_89 = tpu.memref_slice %arg11[%dma_start3A_87, %dma_start3A_88] : memref<11136x64xf32, #tpu.memory_space<vmem_shared>> -> memref<11136x64xf32, #tpu.memory_space<vmem_shared>>
        tpu.enqueue_indirect_dma source(%arg9 : memref<512x64xf32, #tpu.memory_space<vmem>>) target(%dma_start3A_89 : memref<11136x64xf32, #tpu.memory_space<vmem_shared>>) offsets(%dma_start3A_86 : memref<512xi32, #tpu.memory_space<vmem>>) semaphore(%run_scoped3A_83 : memref<!tpu.dma_semaphore, #tpu.memory_space<semaphore_mem>>) {add = true}
        %dma_wait3A_90 = arith.constant 0 : i32
        %dma_wait3A_91 = tpu.memref_slice %arg8[%mul3A_50, %dma_wait3A_90] : memref<20x512xi32, #tpu.memory_space<vmem>> -> memref<1x512xi32, #tpu.memory_space<vmem>>
        %dma_wait3A_92 = tpu.memref_squeeze %dma_wait3A_91 : memref<1x512xi32, #tpu.memory_space<vmem>> -> memref<512xi32, #tpu.memory_space<vmem>>
        %dma_wait3A_93 = arith.constant 0 : i32
        %dma_wait3A_94 = arith.constant 0 : i32
        %dma_wait3A_95 = tpu.memref_slice %arg11[%dma_wait3A_93, %dma_wait3A_94] : memref<11136x64xf32, #tpu.memory_space<vmem_shared>> -> memref<11136x64xf32, #tpu.memory_space<vmem_shared>>
        tpu.wait_indirect_dma semaphore(%run_scoped3A_83 : memref<!tpu.dma_semaphore, #tpu.memory_space<semaphore_mem>>) src(%arg9 : memref<512x64xf32, #tpu.memory_space<vmem>>) dst(%dma_wait3A_95 : memref<11136x64xf32, #tpu.memory_space<vmem_shared>>)
        tpu.yield
      }) : () -> ()
      %mul3A_65 = arith.constant 2 : i32
      %mul3A_66 = arith.muli %mul3A_65, %add3A_48 : i32
      %add3A_67 = arith.constant 1 : i32
      %add3A_68 = arith.addi %mul3A_66, %add3A_67 : i32
      %dma_wait3A_69 = arith.constant 0 : i32
      %dma_wait3A_70 = tpu.memref_slice %arg7[%add3A_68, %dma_wait3A_69] : memref<20x512xi32, #tpu.memory_space<vmem>> -> memref<1x512xi32, #tpu.memory_space<vmem>>
      %dma_wait3A_71 = tpu.memref_squeeze %dma_wait3A_70 : memref<1x512xi32, #tpu.memory_space<vmem>> -> memref<512xi32, #tpu.memory_space<vmem>>
      %dma_wait3A_72 = arith.constant 0 : i32
      %dma_wait3A_73 = arith.constant 0 : i32
      %dma_wait3A_74 = tpu.memref_slice %arg2[%dma_wait3A_72, %dma_wait3A_73] : memref<20000x64xf32, #tpu.memory_space<hbm>> -> memref<20000x64xf32, #tpu.memory_space<hbm>>
      tpu.wait_indirect_dma semaphore(%arg13 : memref<!tpu.dma_semaphore, #tpu.memory_space<semaphore_mem>>) src(%dma_wait3A_74 : memref<20000x64xf32, #tpu.memory_space<hbm>>) dst(%arg10 : memref<512x64xf32, #tpu.memory_space<vmem>>)
      %add3A_75 = arith.constant 1 : i32
      %add3A_76 = arith.addi %add3A_68, %add3A_75 : i32
      %dma_start3A_77 = arith.constant 0 : i32
      %dma_start3A_78 = tpu.memref_slice %arg7[%add3A_76, %dma_start3A_77] : memref<20x512xi32, #tpu.memory_space<vmem>> -> memref<1x512xi32, #tpu.memory_space<vmem>>
      %dma_start3A_79 = tpu.memref_squeeze %dma_start3A_78 : memref<1x512xi32, #tpu.memory_space<vmem>> -> memref<512xi32, #tpu.memory_space<vmem>>
      %dma_start3A_80 = arith.constant 0 : i32
      %dma_start3A_81 = arith.constant 0 : i32
      %dma_start3A_82 = tpu.memref_slice %arg2[%dma_start3A_80, %dma_start3A_81] : memref<20000x64xf32, #tpu.memory_space<hbm>> -> memref<20000x64xf32, #tpu.memory_space<hbm>>
      tpu.enqueue_indirect_dma source(%dma_start3A_82 : memref<20000x64xf32, #tpu.memory_space<hbm>>) target(%arg9 : memref<512x64xf32, #tpu.memory_space<vmem>>) offsets(%dma_start3A_79 : memref<512xi32, #tpu.memory_space<vmem>>) semaphore(%arg12 : memref<!tpu.dma_semaphore, #tpu.memory_space<semaphore_mem>>)
      "tpu.region"() ({
        %run_scoped3A_83 = tpu.sem_alloc : memref<!tpu.dma_semaphore, #tpu.memory_space<semaphore_mem>>
        %dma_start3A_84 = arith.constant 0 : i32
        %dma_start3A_85 = tpu.memref_slice %arg8[%add3A_68, %dma_start3A_84] : memref<20x512xi32, #tpu.memory_space<vmem>> -> memref<1x512xi32, #tpu.memory_space<vmem>>
        %dma_start3A_86 = tpu.memref_squeeze %dma_start3A_85 : memref<1x512xi32, #tpu.memory_space<vmem>> -> memref<512xi32, #tpu.memory_space<vmem>>
        %dma_start3A_87 = arith.constant 0 : i32
        %dma_start3A_88 = arith.constant 0 : i32
        %dma_start3A_89 = tpu.memref_slice %arg11[%dma_start3A_87, %dma_start3A_88] : memref<11136x64xf32, #tpu.memory_space<vmem_shared>> -> memref<11136x64xf32, #tpu.memory_space<vmem_shared>>
        tpu.enqueue_indirect_dma source(%arg10 : memref<512x64xf32, #tpu.memory_space<vmem>>) target(%dma_start3A_89 : memref<11136x64xf32, #tpu.memory_space<vmem_shared>>) offsets(%dma_start3A_86 : memref<512xi32, #tpu.memory_space<vmem>>) semaphore(%run_scoped3A_83 : memref<!tpu.dma_semaphore, #tpu.memory_space<semaphore_mem>>) {add = true}
        %dma_wait3A_90 = arith.constant 0 : i32
        %dma_wait3A_91 = tpu.memref_slice %arg8[%add3A_68, %dma_wait3A_90] : memref<20x512xi32, #tpu.memory_space<vmem>> -> memref<1x512xi32, #tpu.memory_space<vmem>>
        %dma_wait3A_92 = tpu.memref_squeeze %dma_wait3A_91 : memref<1x512xi32, #tpu.memory_space<vmem>> -> memref<512xi32, #tpu.memory_space<vmem>>
        %dma_wait3A_93 = arith.constant 0 : i32
        %dma_wait3A_94 = arith.constant 0 : i32
        %dma_wait3A_95 = tpu.memref_slice %arg11[%dma_wait3A_93, %dma_wait3A_94] : memref<11136x64xf32, #tpu.memory_space<vmem_shared>> -> memref<11136x64xf32, #tpu.memory_space<vmem_shared>>
        tpu.wait_indirect_dma semaphore(%run_scoped3A_83 : memref<!tpu.dma_semaphore, #tpu.memory_space<semaphore_mem>>) src(%arg10 : memref<512x64xf32, #tpu.memory_space<vmem>>) dst(%dma_wait3A_95 : memref<11136x64xf32, #tpu.memory_space<vmem_shared>>)
        tpu.yield
      }) : () -> ()
    }
    %scan3A_14 = arith.constant 9 : i32
    %dma_wait3A = arith.constant 18 : i32
    %dma_wait3A_15 = arith.constant 0 : i32
    %dma_wait3A_16 = tpu.memref_slice %arg7[%dma_wait3A, %dma_wait3A_15] : memref<20x512xi32, #tpu.memory_space<vmem>> -> memref<1x512xi32, #tpu.memory_space<vmem>>
    %dma_wait3A_17 = tpu.memref_squeeze %dma_wait3A_16 : memref<1x512xi32, #tpu.memory_space<vmem>> -> memref<512xi32, #tpu.memory_space<vmem>>
    %dma_wait3A_18 = arith.constant 0 : i32
    %dma_wait3A_19 = arith.constant 0 : i32
    %dma_wait3A_20 = tpu.memref_slice %arg2[%dma_wait3A_18, %dma_wait3A_19] : memref<20000x64xf32, #tpu.memory_space<hbm>> -> memref<20000x64xf32, #tpu.memory_space<hbm>>
    tpu.wait_indirect_dma semaphore(%arg12 : memref<!tpu.dma_semaphore, #tpu.memory_space<semaphore_mem>>) src(%dma_wait3A_20 : memref<20000x64xf32, #tpu.memory_space<hbm>>) dst(%arg9 : memref<512x64xf32, #tpu.memory_space<vmem>>)
    %dma_start3A_21 = arith.constant 19 : i32
    %dma_start3A_22 = arith.constant 0 : i32
    %dma_start3A_23 = tpu.memref_slice %arg7[%dma_start3A_21, %dma_start3A_22] : memref<20x512xi32, #tpu.memory_space<vmem>> -> memref<1x512xi32, #tpu.memory_space<vmem>>
    %dma_start3A_24 = tpu.memref_squeeze %dma_start3A_23 : memref<1x512xi32, #tpu.memory_space<vmem>> -> memref<512xi32, #tpu.memory_space<vmem>>
    %dma_start3A_25 = arith.constant 0 : i32
    %dma_start3A_26 = arith.constant 0 : i32
    %dma_start3A_27 = tpu.memref_slice %arg2[%dma_start3A_25, %dma_start3A_26] : memref<20000x64xf32, #tpu.memory_space<hbm>> -> memref<20000x64xf32, #tpu.memory_space<hbm>>
    tpu.enqueue_indirect_dma source(%dma_start3A_27 : memref<20000x64xf32, #tpu.memory_space<hbm>>) target(%arg10 : memref<512x64xf32, #tpu.memory_space<vmem>>) offsets(%dma_start3A_24 : memref<512xi32, #tpu.memory_space<vmem>>) semaphore(%arg13 : memref<!tpu.dma_semaphore, #tpu.memory_space<semaphore_mem>>)
    %run_scoped3A = arith.constant 18 : i32
    "tpu.region"() ({
      %run_scoped3A_44 = tpu.sem_alloc : memref<!tpu.dma_semaphore, #tpu.memory_space<semaphore_mem>>
      %dma_start3A_45 = arith.constant 0 : i32
      %dma_start3A_46 = tpu.memref_slice %arg8[%run_scoped3A, %dma_start3A_45] : memref<20x512xi32, #tpu.memory_space<vmem>> -> memref<1x512xi32, #tpu.memory_space<vmem>>
      %dma_start3A_47 = tpu.memref_squeeze %dma_start3A_46 : memref<1x512xi32, #tpu.memory_space<vmem>> -> memref<512xi32, #tpu.memory_space<vmem>>
      %dma_start3A_48 = arith.constant 0 : i32
      %dma_start3A_49 = arith.constant 0 : i32
      %dma_start3A_50 = tpu.memref_slice %arg11[%dma_start3A_48, %dma_start3A_49] : memref<11136x64xf32, #tpu.memory_space<vmem_shared>> -> memref<11136x64xf32, #tpu.memory_space<vmem_shared>>
      tpu.enqueue_indirect_dma source(%arg9 : memref<512x64xf32, #tpu.memory_space<vmem>>) target(%dma_start3A_50 : memref<11136x64xf32, #tpu.memory_space<vmem_shared>>) offsets(%dma_start3A_47 : memref<512xi32, #tpu.memory_space<vmem>>) semaphore(%run_scoped3A_44 : memref<!tpu.dma_semaphore, #tpu.memory_space<semaphore_mem>>) {add = true}
      %dma_wait3A_51 = arith.constant 0 : i32
      %dma_wait3A_52 = tpu.memref_slice %arg8[%run_scoped3A, %dma_wait3A_51] : memref<20x512xi32, #tpu.memory_space<vmem>> -> memref<1x512xi32, #tpu.memory_space<vmem>>
      %dma_wait3A_53 = tpu.memref_squeeze %dma_wait3A_52 : memref<1x512xi32, #tpu.memory_space<vmem>> -> memref<512xi32, #tpu.memory_space<vmem>>
      %dma_wait3A_54 = arith.constant 0 : i32
      %dma_wait3A_55 = arith.constant 0 : i32
      %dma_wait3A_56 = tpu.memref_slice %arg11[%dma_wait3A_54, %dma_wait3A_55] : memref<11136x64xf32, #tpu.memory_space<vmem_shared>> -> memref<11136x64xf32, #tpu.memory_space<vmem_shared>>
      tpu.wait_indirect_dma semaphore(%run_scoped3A_44 : memref<!tpu.dma_semaphore, #tpu.memory_space<semaphore_mem>>) src(%arg9 : memref<512x64xf32, #tpu.memory_space<vmem>>) dst(%dma_wait3A_56 : memref<11136x64xf32, #tpu.memory_space<vmem_shared>>)
      tpu.yield
    }) : () -> ()
    %dma_wait3A_28 = arith.constant 19 : i32
    %dma_wait3A_29 = arith.constant 0 : i32
    %dma_wait3A_30 = tpu.memref_slice %arg7[%dma_wait3A_28, %dma_wait3A_29] : memref<20x512xi32, #tpu.memory_space<vmem>> -> memref<1x512xi32, #tpu.memory_space<vmem>>
    %dma_wait3A_31 = tpu.memref_squeeze %dma_wait3A_30 : memref<1x512xi32, #tpu.memory_space<vmem>> -> memref<512xi32, #tpu.memory_space<vmem>>
    %dma_wait3A_32 = arith.constant 0 : i32
    %dma_wait3A_33 = arith.constant 0 : i32
    %dma_wait3A_34 = tpu.memref_slice %arg2[%dma_wait3A_32, %dma_wait3A_33] : memref<20000x64xf32, #tpu.memory_space<hbm>> -> memref<20000x64xf32, #tpu.memory_space<hbm>>
    tpu.wait_indirect_dma semaphore(%arg13 : memref<!tpu.dma_semaphore, #tpu.memory_space<semaphore_mem>>) src(%dma_wait3A_34 : memref<20000x64xf32, #tpu.memory_space<hbm>>) dst(%arg10 : memref<512x64xf32, #tpu.memory_space<vmem>>)
    %run_scoped3A_35 = arith.constant 19 : i32
    "tpu.region"() ({
      %run_scoped3A_44 = tpu.sem_alloc : memref<!tpu.dma_semaphore, #tpu.memory_space<semaphore_mem>>
      %dma_start3A_45 = arith.constant 0 : i32
      %dma_start3A_46 = tpu.memref_slice %arg8[%run_scoped3A_35, %dma_start3A_45] : memref<20x512xi32, #tpu.memory_space<vmem>> -> memref<1x512xi32, #tpu.memory_space<vmem>>
      %dma_start3A_47 = tpu.memref_squeeze %dma_start3A_46 : memref<1x512xi32, #tpu.memory_space<vmem>> -> memref<512xi32, #tpu.memory_space<vmem>>
      %dma_start3A_48 = arith.constant 0 : i32
      %dma_start3A_49 = arith.constant 0 : i32
      %dma_start3A_50 = tpu.memref_slice %arg11[%dma_start3A_48, %dma_start3A_49] : memref<11136x64xf32, #tpu.memory_space<vmem_shared>> -> memref<11136x64xf32, #tpu.memory_space<vmem_shared>>
      tpu.enqueue_indirect_dma source(%arg10 : memref<512x64xf32, #tpu.memory_space<vmem>>) target(%dma_start3A_50 : memref<11136x64xf32, #tpu.memory_space<vmem_shared>>) offsets(%dma_start3A_47 : memref<512xi32, #tpu.memory_space<vmem>>) semaphore(%run_scoped3A_44 : memref<!tpu.dma_semaphore, #tpu.memory_space<semaphore_mem>>) {add = true}
      %dma_wait3A_51 = arith.constant 0 : i32
      %dma_wait3A_52 = tpu.memref_slice %arg8[%run_scoped3A_35, %dma_wait3A_51] : memref<20x512xi32, #tpu.memory_space<vmem>> -> memref<1x512xi32, #tpu.memory_space<vmem>>
      %dma_wait3A_53 = tpu.memref_squeeze %dma_wait3A_52 : memref<1x512xi32, #tpu.memory_space<vmem>> -> memref<512xi32, #tpu.memory_space<vmem>>
      %dma_wait3A_54 = arith.constant 0 : i32
      %dma_wait3A_55 = arith.constant 0 : i32
      %dma_wait3A_56 = tpu.memref_slice %arg11[%dma_wait3A_54, %dma_wait3A_55] : memref<11136x64xf32, #tpu.memory_space<vmem_shared>> -> memref<11136x64xf32, #tpu.memory_space<vmem_shared>>
      tpu.wait_indirect_dma semaphore(%run_scoped3A_44 : memref<!tpu.dma_semaphore, #tpu.memory_space<semaphore_mem>>) src(%arg10 : memref<512x64xf32, #tpu.memory_space<vmem>>) dst(%dma_wait3A_56 : memref<11136x64xf32, #tpu.memory_space<vmem_shared>>)
      tpu.yield
    }) : () -> ()
    %barrier3A_36 = arith.constant 0 : index
    tpu.barrier barrier_id(%barrier3A_36)
    %mul3A_37 = arith.constant 625 : i32
    %mul3A_38 = arith.muli %arg1, %mul3A_37 : i32
    %mul3A_39 = arith.constant 10000 : i32
    %mul3A_40 = arith.muli %arg0, %mul3A_39 : i32
    %mul3A_41 = arith.constant 625 : i32
    %mul3A_42 = arith.muli %arg1, %mul3A_41 : i32
    %add3A_43 = arith.addi %mul3A_40, %mul3A_42 : i32
    "tpu.region"() ({
      %run_scoped3A_44 = tpu.sem_alloc : memref<!tpu.dma_semaphore, #tpu.memory_space<semaphore_mem>>
      %dma_start3A_45 = arith.constant 0 : i32
      %dma_start3A_46 = tpu.memref_slice %arg6[%add3A_43, %dma_start3A_45] : memref<20000x128xf32, #tpu.memory_space<hbm>> -> memref<625x64xf32, #tpu.memory_space<hbm>>
      %dma_start3A_47 = arith.constant 0 : i32
      %dma_start3A_48 = tpu.memref_slice %arg11[%mul3A_38, %dma_start3A_47] : memref<11136x64xf32, #tpu.memory_space<vmem_shared>> -> memref<625x64xf32, #tpu.memory_space<vmem_shared>>
      tpu.enqueue_dma source(%dma_start3A_48 : memref<625x64xf32, #tpu.memory_space<vmem_shared>>) target(%dma_start3A_46 : memref<625x64xf32, #tpu.memory_space<hbm>>) target_semaphore(%run_scoped3A_44 : memref<!tpu.dma_semaphore, #tpu.memory_space<semaphore_mem>>)
      %dma_wait3A_49 = arith.constant 0 : i32
      %dma_wait3A_50 = tpu.memref_slice %arg6[%add3A_43, %dma_wait3A_49] : memref<20000x128xf32, #tpu.memory_space<hbm>> -> memref<625x64xf32, #tpu.memory_space<hbm>>
      %dma_wait3A_51 = arith.constant 0 : i32
      %dma_wait3A_52 = tpu.memref_slice %arg11[%mul3A_38, %dma_wait3A_51] : memref<11136x64xf32, #tpu.memory_space<vmem_shared>> -> memref<625x64xf32, #tpu.memory_space<vmem_shared>>
      tpu.wait_dma2 semaphore(%run_scoped3A_44 : memref<!tpu.dma_semaphore, #tpu.memory_space<semaphore_mem>>) src(%dma_wait3A_52 : memref<625x64xf32, #tpu.memory_space<vmem_shared>>) dst(%dma_wait3A_50 : memref<625x64xf32, #tpu.memory_space<hbm>>)
      tpu.yield
    }) : () -> ()
    return
  }
}

#map = affine_map<(d0, d1) -> (0, 0)>
#map1 = affine_map<(d0, d1) -> (0, 0, 0)>
module attributes {stable_mosaic.version = 14 : i64} {
  func.func @agg_kernel(%arg0: i32, %arg1: i32, %arg2: memref<20000x64xf32, #tpu.memory_space<hbm>>, %arg3: memref<32x20x512xi32, #tpu.memory_space<hbm>>, %arg4: memref<32x20x512xi32, #tpu.memory_space<hbm>>, %arg5: memref<10000x64xf32, #tpu.memory_space<hbm>>, %arg6: memref<20000x128xf32, #tpu.memory_space<hbm>>, %arg7: memref<20x512xi32, #tpu.memory_space<vmem>>, %arg8: memref<20x512xi32, #tpu.memory_space<vmem>>, %arg9: memref<512x64xf32, #tpu.memory_space<vmem>>, %arg10: memref<512x64xf32, #tpu.memory_space<vmem>>, %arg11: memref<11136x64xf32, #tpu.memory_space<vmem_shared>>, %arg12: memref<!tpu.dma_semaphore, #tpu.memory_space<semaphore_mem>>, %arg13: memref<!tpu.dma_semaphore, #tpu.memory_space<semaphore_mem>>) attributes {dimension_semantics = [#tpu.dimension_semantics<core_parallel>, #tpu.dimension_semantics<subcore_parallel>], iteration_bounds = array<i64: 2, 16>, scalar_prefetch = 0 : i64, scratch_operands = 7 : i64, tpu.core_type = #tpu.core_type<sc_vector_subcore>, window_params = [{transform_indices = #map}, {transform_indices = #map1}, {transform_indices = #map1}, {transform_indices = #map}, {transform_indices = #map}]} {
    %mul3A = arith.constant 16 : i32
    %mul3A_0 = arith.muli %arg0, %mul3A : i32
    %add3A = arith.addi %mul3A_0, %arg1 : i32
    "tpu.region"() ({
      %run_scoped3A_44 = tpu.sem_alloc : memref<!tpu.dma_semaphore, #tpu.memory_space<semaphore_mem>>
      %dma_start3A_45 = arith.constant 0 : i32
      %dma_start3A_46 = arith.constant 0 : i32
      %dma_start3A_47 = tpu.memref_slice %arg3[%add3A, %dma_start3A_45, %dma_start3A_46] : memref<32x20x512xi32, #tpu.memory_space<hbm>> -> memref<1x20x512xi32, #tpu.memory_space<hbm>>
      %dma_start3A_48 = tpu.memref_squeeze %dma_start3A_47 : memref<1x20x512xi32, #tpu.memory_space<hbm>> -> memref<20x512xi32, #tpu.memory_space<hbm>>
      %dma_start3A_49 = arith.constant 0 : i32
      %dma_start3A_50 = arith.constant 0 : i32
      %dma_start3A_51 = tpu.memref_slice %arg3[%add3A, %dma_start3A_49, %dma_start3A_50] : memref<32x20x512xi32, #tpu.memory_space<hbm>> -> memref<1x20x512xi32, #tpu.memory_space<hbm>>
      %dma_start3A_52 = tpu.memref_squeeze %dma_start3A_51 : memref<1x20x512xi32, #tpu.memory_space<hbm>> -> memref<20x512xi32, #tpu.memory_space<hbm>>
      tpu.enqueue_dma source(%dma_start3A_52 : memref<20x512xi32, #tpu.memory_space<hbm>>) target(%arg7 : memref<20x512xi32, #tpu.memory_space<vmem>>) target_semaphore(%run_scoped3A_44 : memref<!tpu.dma_semaphore, #tpu.memory_space<semaphore_mem>>)
      %dma_wait3A_53 = arith.constant 0 : i32
      %dma_wait3A_54 = arith.constant 0 : i32
      %dma_wait3A_55 = tpu.memref_slice %arg3[%add3A, %dma_wait3A_53, %dma_wait3A_54] : memref<32x20x512xi32, #tpu.memory_space<hbm>> -> memref<1x20x512xi32, #tpu.memory_space<hbm>>
      %dma_wait3A_56 = tpu.memref_squeeze %dma_wait3A_55 : memref<1x20x512xi32, #tpu.memory_space<hbm>> -> memref<20x512xi32, #tpu.memory_space<hbm>>
      %dma_wait3A_57 = arith.constant 0 : i32
      %dma_wait3A_58 = arith.constant 0 : i32
      %dma_wait3A_59 = tpu.memref_slice %arg3[%add3A, %dma_wait3A_57, %dma_wait3A_58] : memref<32x20x512xi32, #tpu.memory_space<hbm>> -> memref<1x20x512xi32, #tpu.memory_space<hbm>>
      %dma_wait3A_60 = tpu.memref_squeeze %dma_wait3A_59 : memref<1x20x512xi32, #tpu.memory_space<hbm>> -> memref<20x512xi32, #tpu.memory_space<hbm>>
      tpu.wait_dma2 semaphore(%run_scoped3A_44 : memref<!tpu.dma_semaphore, #tpu.memory_space<semaphore_mem>>) src(%dma_wait3A_60 : memref<20x512xi32, #tpu.memory_space<hbm>>) dst(%arg7 : memref<20x512xi32, #tpu.memory_space<vmem>>)
      tpu.yield
    }) : () -> ()
    "tpu.region"() ({
      %run_scoped3A_44 = tpu.sem_alloc : memref<!tpu.dma_semaphore, #tpu.memory_space<semaphore_mem>>
      %dma_start3A_45 = arith.constant 0 : i32
      %dma_start3A_46 = arith.constant 0 : i32
      %dma_start3A_47 = tpu.memref_slice %arg4[%add3A, %dma_start3A_45, %dma_start3A_46] : memref<32x20x512xi32, #tpu.memory_space<hbm>> -> memref<1x20x512xi32, #tpu.memory_space<hbm>>
      %dma_start3A_48 = tpu.memref_squeeze %dma_start3A_47 : memref<1x20x512xi32, #tpu.memory_space<hbm>> -> memref<20x512xi32, #tpu.memory_space<hbm>>
      %dma_start3A_49 = arith.constant 0 : i32
      %dma_start3A_50 = arith.constant 0 : i32
      %dma_start3A_51 = tpu.memref_slice %arg4[%add3A, %dma_start3A_49, %dma_start3A_50] : memref<32x20x512xi32, #tpu.memory_space<hbm>> -> memref<1x20x512xi32, #tpu.memory_space<hbm>>
      %dma_start3A_52 = tpu.memref_squeeze %dma_start3A_51 : memref<1x20x512xi32, #tpu.memory_space<hbm>> -> memref<20x512xi32, #tpu.memory_space<hbm>>
      tpu.enqueue_dma source(%dma_start3A_52 : memref<20x512xi32, #tpu.memory_space<hbm>>) target(%arg8 : memref<20x512xi32, #tpu.memory_space<vmem>>) target_semaphore(%run_scoped3A_44 : memref<!tpu.dma_semaphore, #tpu.memory_space<semaphore_mem>>)
      %dma_wait3A_53 = arith.constant 0 : i32
      %dma_wait3A_54 = arith.constant 0 : i32
      %dma_wait3A_55 = tpu.memref_slice %arg4[%add3A, %dma_wait3A_53, %dma_wait3A_54] : memref<32x20x512xi32, #tpu.memory_space<hbm>> -> memref<1x20x512xi32, #tpu.memory_space<hbm>>
      %dma_wait3A_56 = tpu.memref_squeeze %dma_wait3A_55 : memref<1x20x512xi32, #tpu.memory_space<hbm>> -> memref<20x512xi32, #tpu.memory_space<hbm>>
      %dma_wait3A_57 = arith.constant 0 : i32
      %dma_wait3A_58 = arith.constant 0 : i32
      %dma_wait3A_59 = tpu.memref_slice %arg4[%add3A, %dma_wait3A_57, %dma_wait3A_58] : memref<32x20x512xi32, #tpu.memory_space<hbm>> -> memref<1x20x512xi32, #tpu.memory_space<hbm>>
      %dma_wait3A_60 = tpu.memref_squeeze %dma_wait3A_59 : memref<1x20x512xi32, #tpu.memory_space<hbm>> -> memref<20x512xi32, #tpu.memory_space<hbm>>
      tpu.wait_dma2 semaphore(%run_scoped3A_44 : memref<!tpu.dma_semaphore, #tpu.memory_space<semaphore_mem>>) src(%dma_wait3A_60 : memref<20x512xi32, #tpu.memory_space<hbm>>) dst(%arg8 : memref<20x512xi32, #tpu.memory_space<vmem>>)
      tpu.yield
    }) : () -> ()
    %mul3A_1 = arith.constant 625 : i32
    %mul3A_2 = arith.muli %arg1, %mul3A_1 : i32
    %mul3A_3 = arith.constant 625 : i32
    %mul3A_4 = arith.muli %arg1, %mul3A_3 : i32
    "tpu.region"() ({
      %run_scoped3A_44 = tpu.sem_alloc : memref<!tpu.dma_semaphore, #tpu.memory_space<semaphore_mem>>
      %dma_start3A_45 = arith.constant 0 : i32
      %dma_start3A_46 = tpu.memref_slice %arg11[%mul3A_4, %dma_start3A_45] : memref<11136x64xf32, #tpu.memory_space<vmem_shared>> -> memref<625x64xf32, #tpu.memory_space<vmem_shared>>
      %dma_start3A_47 = arith.constant 0 : i32
      %dma_start3A_48 = tpu.memref_slice %arg5[%mul3A_2, %dma_start3A_47] : memref<10000x64xf32, #tpu.memory_space<hbm>> -> memref<625x64xf32, #tpu.memory_space<hbm>>
      tpu.enqueue_dma source(%dma_start3A_48 : memref<625x64xf32, #tpu.memory_space<hbm>>) target(%dma_start3A_46 : memref<625x64xf32, #tpu.memory_space<vmem_shared>>) target_semaphore(%run_scoped3A_44 : memref<!tpu.dma_semaphore, #tpu.memory_space<semaphore_mem>>)
      %dma_wait3A_49 = arith.constant 0 : i32
      %dma_wait3A_50 = tpu.memref_slice %arg11[%mul3A_4, %dma_wait3A_49] : memref<11136x64xf32, #tpu.memory_space<vmem_shared>> -> memref<625x64xf32, #tpu.memory_space<vmem_shared>>
      %dma_wait3A_51 = arith.constant 0 : i32
      %dma_wait3A_52 = tpu.memref_slice %arg5[%mul3A_2, %dma_wait3A_51] : memref<10000x64xf32, #tpu.memory_space<hbm>> -> memref<625x64xf32, #tpu.memory_space<hbm>>
      tpu.wait_dma2 semaphore(%run_scoped3A_44 : memref<!tpu.dma_semaphore, #tpu.memory_space<semaphore_mem>>) src(%dma_wait3A_52 : memref<625x64xf32, #tpu.memory_space<hbm>>) dst(%dma_wait3A_50 : memref<625x64xf32, #tpu.memory_space<vmem_shared>>)
      tpu.yield
    }) : () -> ()
    %barrier3A = arith.constant 0 : index
    tpu.barrier barrier_id(%barrier3A)
    %dma_start3A = arith.constant 0 : i32
    %dma_start3A_5 = arith.constant 0 : i32
    %dma_start3A_6 = tpu.memref_slice %arg7[%dma_start3A, %dma_start3A_5] : memref<20x512xi32, #tpu.memory_space<vmem>> -> memref<1x512xi32, #tpu.memory_space<vmem>>
    %dma_start3A_7 = tpu.memref_squeeze %dma_start3A_6 : memref<1x512xi32, #tpu.memory_space<vmem>> -> memref<512xi32, #tpu.memory_space<vmem>>
    %dma_start3A_8 = arith.constant 0 : i32
    %dma_start3A_9 = arith.constant 0 : i32
    %dma_start3A_10 = tpu.memref_slice %arg2[%dma_start3A_8, %dma_start3A_9] : memref<20000x64xf32, #tpu.memory_space<hbm>> -> memref<20000x64xf32, #tpu.memory_space<hbm>>
    tpu.enqueue_indirect_dma source(%dma_start3A_10 : memref<20000x64xf32, #tpu.memory_space<hbm>>) target(%arg9 : memref<512x64xf32, #tpu.memory_space<vmem>>) offsets(%dma_start3A_7 : memref<512xi32, #tpu.memory_space<vmem>>) semaphore(%arg12 : memref<!tpu.dma_semaphore, #tpu.memory_space<semaphore_mem>>)
    %scan3A = arith.constant 0 : i32
    %scan3A_11 = arith.constant 9 : i32
    %scan3A_12 = arith.addi %scan3A, %scan3A_11 : i32
    %scan3A_13 = arith.constant 1 : i32
    scf.for %scan3A_44 = %scan3A to %scan3A_12 step %scan3A_13  : i32 {
      %mul3A_45 = arith.constant 1 : i32
      %mul3A_46 = arith.muli %scan3A_44, %mul3A_45 : i32
      %add3A_47 = arith.constant 0 : i32
      %add3A_48 = arith.addi %add3A_47, %mul3A_46 : i32
      %mul3A_49 = arith.constant 2 : i32
      %mul3A_50 = arith.muli %mul3A_49, %add3A_48 : i32
      %dma_wait3A_51 = arith.constant 0 : i32
      %dma_wait3A_52 = tpu.memref_slice %arg7[%mul3A_50, %dma_wait3A_51] : memref<20x512xi32, #tpu.memory_space<vmem>> -> memref<1x512xi32, #tpu.memory_space<vmem>>
      %dma_wait3A_53 = tpu.memref_squeeze %dma_wait3A_52 : memref<1x512xi32, #tpu.memory_space<vmem>> -> memref<512xi32, #tpu.memory_space<vmem>>
      %dma_wait3A_54 = arith.constant 0 : i32
      %dma_wait3A_55 = arith.constant 0 : i32
      %dma_wait3A_56 = tpu.memref_slice %arg2[%dma_wait3A_54, %dma_wait3A_55] : memref<20000x64xf32, #tpu.memory_space<hbm>> -> memref<20000x64xf32, #tpu.memory_space<hbm>>
      tpu.wait_indirect_dma semaphore(%arg12 : memref<!tpu.dma_semaphore, #tpu.memory_space<semaphore_mem>>) src(%dma_wait3A_56 : memref<20000x64xf32, #tpu.memory_space<hbm>>) dst(%arg9 : memref<512x64xf32, #tpu.memory_space<vmem>>)
      %add3A_57 = arith.constant 1 : i32
      %add3A_58 = arith.addi %mul3A_50, %add3A_57 : i32
      %dma_start3A_59 = arith.constant 0 : i32
      %dma_start3A_60 = tpu.memref_slice %arg7[%add3A_58, %dma_start3A_59] : memref<20x512xi32, #tpu.memory_space<vmem>> -> memref<1x512xi32, #tpu.memory_space<vmem>>
      %dma_start3A_61 = tpu.memref_squeeze %dma_start3A_60 : memref<1x512xi32, #tpu.memory_space<vmem>> -> memref<512xi32, #tpu.memory_space<vmem>>
      %dma_start3A_62 = arith.constant 0 : i32
      %dma_start3A_63 = arith.constant 0 : i32
      %dma_start3A_64 = tpu.memref_slice %arg2[%dma_start3A_62, %dma_start3A_63] : memref<20000x64xf32, #tpu.memory_space<hbm>> -> memref<20000x64xf32, #tpu.memory_space<hbm>>
      tpu.enqueue_indirect_dma source(%dma_start3A_64 : memref<20000x64xf32, #tpu.memory_space<hbm>>) target(%arg10 : memref<512x64xf32, #tpu.memory_space<vmem>>) offsets(%dma_start3A_61 : memref<512xi32, #tpu.memory_space<vmem>>) semaphore(%arg13 : memref<!tpu.dma_semaphore, #tpu.memory_space<semaphore_mem>>)
      "tpu.region"() ({
        %run_scoped3A_83 = tpu.sem_alloc : memref<!tpu.dma_semaphore, #tpu.memory_space<semaphore_mem>>
        %dma_start3A_84 = arith.constant 0 : i32
        %dma_start3A_85 = tpu.memref_slice %arg8[%mul3A_50, %dma_start3A_84] : memref<20x512xi32, #tpu.memory_space<vmem>> -> memref<1x512xi32, #tpu.memory_space<vmem>>
        %dma_start3A_86 = tpu.memref_squeeze %dma_start3A_85 : memref<1x512xi32, #tpu.memory_space<vmem>> -> memref<512xi32, #tpu.memory_space<vmem>>
        %dma_start3A_87 = arith.constant 0 : i32
        %dma_start3A_88 = arith.constant 0 : i32
        %dma_start3A_89 = tpu.memref_slice %arg11[%dma_start3A_87, %dma_start3A_88] : memref<11136x64xf32, #tpu.memory_space<vmem_shared>> -> memref<11136x64xf32, #tpu.memory_space<vmem_shared>>
        tpu.enqueue_indirect_dma source(%arg9 : memref<512x64xf32, #tpu.memory_space<vmem>>) target(%dma_start3A_89 : memref<11136x64xf32, #tpu.memory_space<vmem_shared>>) offsets(%dma_start3A_86 : memref<512xi32, #tpu.memory_space<vmem>>) semaphore(%run_scoped3A_83 : memref<!tpu.dma_semaphore, #tpu.memory_space<semaphore_mem>>) {add = true}
        %dma_wait3A_90 = arith.constant 0 : i32
        %dma_wait3A_91 = tpu.memref_slice %arg8[%mul3A_50, %dma_wait3A_90] : memref<20x512xi32, #tpu.memory_space<vmem>> -> memref<1x512xi32, #tpu.memory_space<vmem>>
        %dma_wait3A_92 = tpu.memref_squeeze %dma_wait3A_91 : memref<1x512xi32, #tpu.memory_space<vmem>> -> memref<512xi32, #tpu.memory_space<vmem>>
        %dma_wait3A_93 = arith.constant 0 : i32
        %dma_wait3A_94 = arith.constant 0 : i32
        %dma_wait3A_95 = tpu.memref_slice %arg11[%dma_wait3A_93, %dma_wait3A_94] : memref<11136x64xf32, #tpu.memory_space<vmem_shared>> -> memref<11136x64xf32, #tpu.memory_space<vmem_shared>>
        tpu.wait_indirect_dma semaphore(%run_scoped3A_83 : memref<!tpu.dma_semaphore, #tpu.memory_space<semaphore_mem>>) src(%arg9 : memref<512x64xf32, #tpu.memory_space<vmem>>) dst(%dma_wait3A_95 : memref<11136x64xf32, #tpu.memory_space<vmem_shared>>)
        tpu.yield
      }) : () -> ()
      %mul3A_65 = arith.constant 2 : i32
      %mul3A_66 = arith.muli %mul3A_65, %add3A_48 : i32
      %add3A_67 = arith.constant 1 : i32
      %add3A_68 = arith.addi %mul3A_66, %add3A_67 : i32
      %dma_wait3A_69 = arith.constant 0 : i32
      %dma_wait3A_70 = tpu.memref_slice %arg7[%add3A_68, %dma_wait3A_69] : memref<20x512xi32, #tpu.memory_space<vmem>> -> memref<1x512xi32, #tpu.memory_space<vmem>>
      %dma_wait3A_71 = tpu.memref_squeeze %dma_wait3A_70 : memref<1x512xi32, #tpu.memory_space<vmem>> -> memref<512xi32, #tpu.memory_space<vmem>>
      %dma_wait3A_72 = arith.constant 0 : i32
      %dma_wait3A_73 = arith.constant 0 : i32
      %dma_wait3A_74 = tpu.memref_slice %arg2[%dma_wait3A_72, %dma_wait3A_73] : memref<20000x64xf32, #tpu.memory_space<hbm>> -> memref<20000x64xf32, #tpu.memory_space<hbm>>
      tpu.wait_indirect_dma semaphore(%arg13 : memref<!tpu.dma_semaphore, #tpu.memory_space<semaphore_mem>>) src(%dma_wait3A_74 : memref<20000x64xf32, #tpu.memory_space<hbm>>) dst(%arg10 : memref<512x64xf32, #tpu.memory_space<vmem>>)
      %add3A_75 = arith.constant 1 : i32
      %add3A_76 = arith.addi %add3A_68, %add3A_75 : i32
      %dma_start3A_77 = arith.constant 0 : i32
      %dma_start3A_78 = tpu.memref_slice %arg7[%add3A_76, %dma_start3A_77] : memref<20x512xi32, #tpu.memory_space<vmem>> -> memref<1x512xi32, #tpu.memory_space<vmem>>
      %dma_start3A_79 = tpu.memref_squeeze %dma_start3A_78 : memref<1x512xi32, #tpu.memory_space<vmem>> -> memref<512xi32, #tpu.memory_space<vmem>>
      %dma_start3A_80 = arith.constant 0 : i32
      %dma_start3A_81 = arith.constant 0 : i32
      %dma_start3A_82 = tpu.memref_slice %arg2[%dma_start3A_80, %dma_start3A_81] : memref<20000x64xf32, #tpu.memory_space<hbm>> -> memref<20000x64xf32, #tpu.memory_space<hbm>>
      tpu.enqueue_indirect_dma source(%dma_start3A_82 : memref<20000x64xf32, #tpu.memory_space<hbm>>) target(%arg9 : memref<512x64xf32, #tpu.memory_space<vmem>>) offsets(%dma_start3A_79 : memref<512xi32, #tpu.memory_space<vmem>>) semaphore(%arg12 : memref<!tpu.dma_semaphore, #tpu.memory_space<semaphore_mem>>)
      "tpu.region"() ({
        %run_scoped3A_83 = tpu.sem_alloc : memref<!tpu.dma_semaphore, #tpu.memory_space<semaphore_mem>>
        %dma_start3A_84 = arith.constant 0 : i32
        %dma_start3A_85 = tpu.memref_slice %arg8[%add3A_68, %dma_start3A_84] : memref<20x512xi32, #tpu.memory_space<vmem>> -> memref<1x512xi32, #tpu.memory_space<vmem>>
        %dma_start3A_86 = tpu.memref_squeeze %dma_start3A_85 : memref<1x512xi32, #tpu.memory_space<vmem>> -> memref<512xi32, #tpu.memory_space<vmem>>
        %dma_start3A_87 = arith.constant 0 : i32
        %dma_start3A_88 = arith.constant 0 : i32
        %dma_start3A_89 = tpu.memref_slice %arg11[%dma_start3A_87, %dma_start3A_88] : memref<11136x64xf32, #tpu.memory_space<vmem_shared>> -> memref<11136x64xf32, #tpu.memory_space<vmem_shared>>
        tpu.enqueue_indirect_dma source(%arg10 : memref<512x64xf32, #tpu.memory_space<vmem>>) target(%dma_start3A_89 : memref<11136x64xf32, #tpu.memory_space<vmem_shared>>) offsets(%dma_start3A_86 : memref<512xi32, #tpu.memory_space<vmem>>) semaphore(%run_scoped3A_83 : memref<!tpu.dma_semaphore, #tpu.memory_space<semaphore_mem>>) {add = true}
        %dma_wait3A_90 = arith.constant 0 : i32
        %dma_wait3A_91 = tpu.memref_slice %arg8[%add3A_68, %dma_wait3A_90] : memref<20x512xi32, #tpu.memory_space<vmem>> -> memref<1x512xi32, #tpu.memory_space<vmem>>
        %dma_wait3A_92 = tpu.memref_squeeze %dma_wait3A_91 : memref<1x512xi32, #tpu.memory_space<vmem>> -> memref<512xi32, #tpu.memory_space<vmem>>
        %dma_wait3A_93 = arith.constant 0 : i32
        %dma_wait3A_94 = arith.constant 0 : i32
        %dma_wait3A_95 = tpu.memref_slice %arg11[%dma_wait3A_93, %dma_wait3A_94] : memref<11136x64xf32, #tpu.memory_space<vmem_shared>> -> memref<11136x64xf32, #tpu.memory_space<vmem_shared>>
        tpu.wait_indirect_dma semaphore(%run_scoped3A_83 : memref<!tpu.dma_semaphore, #tpu.memory_space<semaphore_mem>>) src(%arg10 : memref<512x64xf32, #tpu.memory_space<vmem>>) dst(%dma_wait3A_95 : memref<11136x64xf32, #tpu.memory_space<vmem_shared>>)
        tpu.yield
      }) : () -> ()
    }
    %scan3A_14 = arith.constant 9 : i32
    %dma_wait3A = arith.constant 18 : i32
    %dma_wait3A_15 = arith.constant 0 : i32
    %dma_wait3A_16 = tpu.memref_slice %arg7[%dma_wait3A, %dma_wait3A_15] : memref<20x512xi32, #tpu.memory_space<vmem>> -> memref<1x512xi32, #tpu.memory_space<vmem>>
    %dma_wait3A_17 = tpu.memref_squeeze %dma_wait3A_16 : memref<1x512xi32, #tpu.memory_space<vmem>> -> memref<512xi32, #tpu.memory_space<vmem>>
    %dma_wait3A_18 = arith.constant 0 : i32
    %dma_wait3A_19 = arith.constant 0 : i32
    %dma_wait3A_20 = tpu.memref_slice %arg2[%dma_wait3A_18, %dma_wait3A_19] : memref<20000x64xf32, #tpu.memory_space<hbm>> -> memref<20000x64xf32, #tpu.memory_space<hbm>>
    tpu.wait_indirect_dma semaphore(%arg12 : memref<!tpu.dma_semaphore, #tpu.memory_space<semaphore_mem>>) src(%dma_wait3A_20 : memref<20000x64xf32, #tpu.memory_space<hbm>>) dst(%arg9 : memref<512x64xf32, #tpu.memory_space<vmem>>)
    %dma_start3A_21 = arith.constant 19 : i32
    %dma_start3A_22 = arith.constant 0 : i32
    %dma_start3A_23 = tpu.memref_slice %arg7[%dma_start3A_21, %dma_start3A_22] : memref<20x512xi32, #tpu.memory_space<vmem>> -> memref<1x512xi32, #tpu.memory_space<vmem>>
    %dma_start3A_24 = tpu.memref_squeeze %dma_start3A_23 : memref<1x512xi32, #tpu.memory_space<vmem>> -> memref<512xi32, #tpu.memory_space<vmem>>
    %dma_start3A_25 = arith.constant 0 : i32
    %dma_start3A_26 = arith.constant 0 : i32
    %dma_start3A_27 = tpu.memref_slice %arg2[%dma_start3A_25, %dma_start3A_26] : memref<20000x64xf32, #tpu.memory_space<hbm>> -> memref<20000x64xf32, #tpu.memory_space<hbm>>
    tpu.enqueue_indirect_dma source(%dma_start3A_27 : memref<20000x64xf32, #tpu.memory_space<hbm>>) target(%arg10 : memref<512x64xf32, #tpu.memory_space<vmem>>) offsets(%dma_start3A_24 : memref<512xi32, #tpu.memory_space<vmem>>) semaphore(%arg13 : memref<!tpu.dma_semaphore, #tpu.memory_space<semaphore_mem>>)
    %run_scoped3A = arith.constant 18 : i32
    "tpu.region"() ({
      %run_scoped3A_44 = tpu.sem_alloc : memref<!tpu.dma_semaphore, #tpu.memory_space<semaphore_mem>>
      %dma_start3A_45 = arith.constant 0 : i32
      %dma_start3A_46 = tpu.memref_slice %arg8[%run_scoped3A, %dma_start3A_45] : memref<20x512xi32, #tpu.memory_space<vmem>> -> memref<1x512xi32, #tpu.memory_space<vmem>>
      %dma_start3A_47 = tpu.memref_squeeze %dma_start3A_46 : memref<1x512xi32, #tpu.memory_space<vmem>> -> memref<512xi32, #tpu.memory_space<vmem>>
      %dma_start3A_48 = arith.constant 0 : i32
      %dma_start3A_49 = arith.constant 0 : i32
      %dma_start3A_50 = tpu.memref_slice %arg11[%dma_start3A_48, %dma_start3A_49] : memref<11136x64xf32, #tpu.memory_space<vmem_shared>> -> memref<11136x64xf32, #tpu.memory_space<vmem_shared>>
      tpu.enqueue_indirect_dma source(%arg9 : memref<512x64xf32, #tpu.memory_space<vmem>>) target(%dma_start3A_50 : memref<11136x64xf32, #tpu.memory_space<vmem_shared>>) offsets(%dma_start3A_47 : memref<512xi32, #tpu.memory_space<vmem>>) semaphore(%run_scoped3A_44 : memref<!tpu.dma_semaphore, #tpu.memory_space<semaphore_mem>>) {add = true}
      %dma_wait3A_51 = arith.constant 0 : i32
      %dma_wait3A_52 = tpu.memref_slice %arg8[%run_scoped3A, %dma_wait3A_51] : memref<20x512xi32, #tpu.memory_space<vmem>> -> memref<1x512xi32, #tpu.memory_space<vmem>>
      %dma_wait3A_53 = tpu.memref_squeeze %dma_wait3A_52 : memref<1x512xi32, #tpu.memory_space<vmem>> -> memref<512xi32, #tpu.memory_space<vmem>>
      %dma_wait3A_54 = arith.constant 0 : i32
      %dma_wait3A_55 = arith.constant 0 : i32
      %dma_wait3A_56 = tpu.memref_slice %arg11[%dma_wait3A_54, %dma_wait3A_55] : memref<11136x64xf32, #tpu.memory_space<vmem_shared>> -> memref<11136x64xf32, #tpu.memory_space<vmem_shared>>
      tpu.wait_indirect_dma semaphore(%run_scoped3A_44 : memref<!tpu.dma_semaphore, #tpu.memory_space<semaphore_mem>>) src(%arg9 : memref<512x64xf32, #tpu.memory_space<vmem>>) dst(%dma_wait3A_56 : memref<11136x64xf32, #tpu.memory_space<vmem_shared>>)
      tpu.yield
    }) : () -> ()
    %dma_wait3A_28 = arith.constant 19 : i32
    %dma_wait3A_29 = arith.constant 0 : i32
    %dma_wait3A_30 = tpu.memref_slice %arg7[%dma_wait3A_28, %dma_wait3A_29] : memref<20x512xi32, #tpu.memory_space<vmem>> -> memref<1x512xi32, #tpu.memory_space<vmem>>
    %dma_wait3A_31 = tpu.memref_squeeze %dma_wait3A_30 : memref<1x512xi32, #tpu.memory_space<vmem>> -> memref<512xi32, #tpu.memory_space<vmem>>
    %dma_wait3A_32 = arith.constant 0 : i32
    %dma_wait3A_33 = arith.constant 0 : i32
    %dma_wait3A_34 = tpu.memref_slice %arg2[%dma_wait3A_32, %dma_wait3A_33] : memref<20000x64xf32, #tpu.memory_space<hbm>> -> memref<20000x64xf32, #tpu.memory_space<hbm>>
    tpu.wait_indirect_dma semaphore(%arg13 : memref<!tpu.dma_semaphore, #tpu.memory_space<semaphore_mem>>) src(%dma_wait3A_34 : memref<20000x64xf32, #tpu.memory_space<hbm>>) dst(%arg10 : memref<512x64xf32, #tpu.memory_space<vmem>>)
    %run_scoped3A_35 = arith.constant 19 : i32
    "tpu.region"() ({
      %run_scoped3A_44 = tpu.sem_alloc : memref<!tpu.dma_semaphore, #tpu.memory_space<semaphore_mem>>
      %dma_start3A_45 = arith.constant 0 : i32
      %dma_start3A_46 = tpu.memref_slice %arg8[%run_scoped3A_35, %dma_start3A_45] : memref<20x512xi32, #tpu.memory_space<vmem>> -> memref<1x512xi32, #tpu.memory_space<vmem>>
      %dma_start3A_47 = tpu.memref_squeeze %dma_start3A_46 : memref<1x512xi32, #tpu.memory_space<vmem>> -> memref<512xi32, #tpu.memory_space<vmem>>
      %dma_start3A_48 = arith.constant 0 : i32
      %dma_start3A_49 = arith.constant 0 : i32
      %dma_start3A_50 = tpu.memref_slice %arg11[%dma_start3A_48, %dma_start3A_49] : memref<11136x64xf32, #tpu.memory_space<vmem_shared>> -> memref<11136x64xf32, #tpu.memory_space<vmem_shared>>
      tpu.enqueue_indirect_dma source(%arg10 : memref<512x64xf32, #tpu.memory_space<vmem>>) target(%dma_start3A_50 : memref<11136x64xf32, #tpu.memory_space<vmem_shared>>) offsets(%dma_start3A_47 : memref<512xi32, #tpu.memory_space<vmem>>) semaphore(%run_scoped3A_44 : memref<!tpu.dma_semaphore, #tpu.memory_space<semaphore_mem>>) {add = true}
      %dma_wait3A_51 = arith.constant 0 : i32
      %dma_wait3A_52 = tpu.memref_slice %arg8[%run_scoped3A_35, %dma_wait3A_51] : memref<20x512xi32, #tpu.memory_space<vmem>> -> memref<1x512xi32, #tpu.memory_space<vmem>>
      %dma_wait3A_53 = tpu.memref_squeeze %dma_wait3A_52 : memref<1x512xi32, #tpu.memory_space<vmem>> -> memref<512xi32, #tpu.memory_space<vmem>>
      %dma_wait3A_54 = arith.constant 0 : i32
      %dma_wait3A_55 = arith.constant 0 : i32
      %dma_wait3A_56 = tpu.memref_slice %arg11[%dma_wait3A_54, %dma_wait3A_55] : memref<11136x64xf32, #tpu.memory_space<vmem_shared>> -> memref<11136x64xf32, #tpu.memory_space<vmem_shared>>
      tpu.wait_indirect_dma semaphore(%run_scoped3A_44 : memref<!tpu.dma_semaphore, #tpu.memory_space<semaphore_mem>>) src(%arg10 : memref<512x64xf32, #tpu.memory_space<vmem>>) dst(%dma_wait3A_56 : memref<11136x64xf32, #tpu.memory_space<vmem_shared>>)
      tpu.yield
    }) : () -> ()
    %barrier3A_36 = arith.constant 0 : index
    tpu.barrier barrier_id(%barrier3A_36)
    %mul3A_37 = arith.constant 625 : i32
    %mul3A_38 = arith.muli %arg1, %mul3A_37 : i32
    %mul3A_39 = arith.constant 10000 : i32
    %mul3A_40 = arith.muli %arg0, %mul3A_39 : i32
    %mul3A_41 = arith.constant 625 : i32
    %mul3A_42 = arith.muli %arg1, %mul3A_41 : i32
    %add3A_43 = arith.addi %mul3A_40, %mul3A_42 : i32
    "tpu.region"() ({
      %run_scoped3A_44 = tpu.sem_alloc : memref<!tpu.dma_semaphore, #tpu.memory_space<semaphore_mem>>
      %dma_start3A_45 = arith.constant 0 : i32
      %dma_start3A_46 = tpu.memref_slice %arg6[%add3A_43, %dma_start3A_45] : memref<20000x128xf32, #tpu.memory_space<hbm>> -> memref<625x64xf32, #tpu.memory_space<hbm>>
      %dma_start3A_47 = arith.constant 0 : i32
      %dma_start3A_48 = tpu.memref_slice %arg11[%mul3A_38, %dma_start3A_47] : memref<11136x64xf32, #tpu.memory_space<vmem_shared>> -> memref<625x64xf32, #tpu.memory_space<vmem_shared>>
      tpu.enqueue_dma source(%dma_start3A_48 : memref<625x64xf32, #tpu.memory_space<vmem_shared>>) target(%dma_start3A_46 : memref<625x64xf32, #tpu.memory_space<hbm>>) target_semaphore(%run_scoped3A_44 : memref<!tpu.dma_semaphore, #tpu.memory_space<semaphore_mem>>)
      %dma_wait3A_49 = arith.constant 0 : i32
      %dma_wait3A_50 = tpu.memref_slice %arg6[%add3A_43, %dma_wait3A_49] : memref<20000x128xf32, #tpu.memory_space<hbm>> -> memref<625x64xf32, #tpu.memory_space<hbm>>
      %dma_wait3A_51 = arith.constant 0 : i32
      %dma_wait3A_52 = tpu.memref_slice %arg11[%mul3A_38, %dma_wait3A_51] : memref<11136x64xf32, #tpu.memory_space<vmem_shared>> -> memref<625x64xf32, #tpu.memory_space<vmem_shared>>
      tpu.wait_dma2 semaphore(%run_scoped3A_44 : memref<!tpu.dma_semaphore, #tpu.memory_space<semaphore_mem>>) src(%dma_wait3A_52 : memref<625x64xf32, #tpu.memory_space<vmem_shared>>) dst(%dma_wait3A_50 : memref<625x64xf32, #tpu.memory_space<hbm>>)
      tpu.yield
    }) : () -> ()
    return
  }
}

module attributes {stable_mosaic.version = 14 : i64} {
  func.func @_prep_body(%arg0: i32, %arg1: memref<2x2000x128xf32, #tpu.memory_space<vmem>>, %arg2: memref<2000x128xf32, #tpu.memory_space<vmem>>, %arg3: memref<128x64xf32, #tpu.memory_space<vmem>>, %arg4: memref<2000x128xf32, #tpu.memory_space<vmem>>) attributes {dimension_semantics = [#tpu.dimension_semantics<arbitrary>], iteration_bounds = array<i64: 5>, scalar_prefetch = 0 : i64, scratch_operands = 0 : i64, tpu.core_type = #tpu.core_type<tc>, window_params = [{transform_indices = @transform_0, window_bounds = array<i64: 2, 2000, 128>}, {transform_indices = @transform_1, window_bounds = array<i64: 2000, 128>}, {pipeline_mode = #tpu.pipeline_mode<synchronous>, transform_indices = @transform_2, window_bounds = array<i64: 128, 64>}, {transform_indices = @transform_3, window_bounds = array<i64: 2000, 128>}]} {
    %get3A = arith.constant 0 : index
    %get3A_0 = arith.constant 0 : index
    %get3A_1 = arith.constant 0 : index
    %get3A_2 = vector.load %arg1[%get3A, %get3A_0, %get3A_1] : memref<2x2000x128xf32, #tpu.memory_space<vmem>>, vector<1x2000x16xf32>
    %get3A_3 = vector.shape_cast %get3A_2 : vector<1x2000x16xf32> to vector<2000x16xf32>
    %get3A_4 = arith.constant 1 : index
    %get3A_5 = arith.constant 0 : index
    %get3A_6 = arith.constant 0 : index
    %get3A_7 = vector.load %arg1[%get3A_4, %get3A_5, %get3A_6] : memref<2x2000x128xf32, #tpu.memory_space<vmem>>, vector<1x2000x16xf32>
    %get3A_8 = vector.shape_cast %get3A_7 : vector<1x2000x16xf32> to vector<2000x16xf32>
    %add3A = arith.addf %get3A_3, %get3A_8 : vector<2000x16xf32>
    %broadcast_in_dim3A = arith.constant 1.000000e+00 : f32
    %broadcast_in_dim3A_9 = vector.broadcast %broadcast_in_dim3A : f32 to vector<16x1xf32>
    %dot_general3A = arith.constant dense<0.000000e+00> : vector<2000x1xf32>
    %dot_general3A_10 = tpu.matmul %add3A, %broadcast_in_dim3A_9, %dot_general3A {dimension_numbers = #tpu.dot_dimension_numbers<[1], [0], [0], [1], [0, 0, 1, 1], [], []>, transpose_lhs_hint = false} : vector<2000x16xf32>, vector<16x1xf32>, vector<2000x1xf32> -> vector<2000x1xf32>
    %mul3A = arith.constant 6.250000e-02 : f32
    %mul3A_11 = vector.broadcast %mul3A : f32 to vector<2000x1xf32>
    %mul3A_12 = arith.mulf %dot_general3A_10, %mul3A_11 : vector<2000x1xf32>
    %add3A_13 = arith.constant 1.000000e+00 : f32
    %add3A_14 = vector.broadcast %add3A_13 : f32 to vector<2000x1xf32>
    %add3A_15 = arith.addf %mul3A_12, %add3A_14 : vector<2000x1xf32>
    %rsqrt3A = math.rsqrt %add3A_15 : vector<2000x1xf32>
    %get3A_16 = arith.constant 0 : index
    %get3A_17 = arith.constant 0 : index
    %get3A_18 = vector.load %arg2[%get3A_16, %get3A_17] : memref<2000x128xf32, #tpu.memory_space<vmem>>, vector<2000x128xf32>
    %get3A_19 = arith.constant 0 : index
    %get3A_20 = arith.constant 0 : index
    %get3A_21 = vector.load %arg3[%get3A_19, %get3A_20] : memref<128x64xf32, #tpu.memory_space<vmem>>, vector<128x64xf32>
    %dot_general3A_22 = arith.constant dense<0.000000e+00> : vector<2000x64xf32>
    %dot_general3A_23 = tpu.matmul %get3A_18, %get3A_21, %dot_general3A_22 {dimension_numbers = #tpu.dot_dimension_numbers<[1], [0], [0], [1], [0, 0, 1, 1], [], []>, transpose_lhs_hint = false} : vector<2000x128xf32>, vector<128x64xf32>, vector<2000x64xf32> -> vector<2000x64xf32>
    %mul3A_24 = vector.broadcast %rsqrt3A : vector<2000x1xf32> to vector<2000x64xf32>
    %mul3A_25 = arith.mulf %dot_general3A_23, %mul3A_24 : vector<2000x64xf32>
    %swap3A = arith.constant 0 : index
    %swap3A_26 = arith.constant 0 : index
    %swap3A_27 = vector.load %arg4[%swap3A, %swap3A_26] : memref<2000x128xf32, #tpu.memory_space<vmem>>, vector<2000x64xf32>
    tpu.vector_store %arg4[%swap3A, %swap3A_26], %mul3A_25 {strides = array<i32>} : memref<2000x128xf32, #tpu.memory_space<vmem>>, vector<2000x64xf32>,
    %broadcast_in_dim3A_28 = arith.constant 0.000000e+00 : f32
    %broadcast_in_dim3A_29 = vector.broadcast %broadcast_in_dim3A_28 : f32 to vector<2000x64xf32>
    %swap3A_30 = arith.constant 0 : index
    %swap3A_31 = arith.constant 64 : index
    %swap3A_32 = vector.load %arg4[%swap3A_30, %swap3A_31] : memref<2000x128xf32, #tpu.memory_space<vmem>>, vector<2000x64xf32>
    tpu.vector_store %arg4[%swap3A_30, %swap3A_31], %broadcast_in_dim3A_29 {strides = array<i32>} : memref<2000x128xf32, #tpu.memory_space<vmem>>, vector<2000x64xf32>,
    return
  }
  func.func @transform_0(%arg0: i32) -> (i32, i32, i32) {
    %c0_i32 = arith.constant 0 : i32
    %c0_i32_0 = arith.constant 0 : i32
    %c0_i32_1 = arith.constant 0 : i32
    return %c0_i32, %arg0, %c0_i32_0 : i32, i32, i32
  }
  func.func @transform_1(%arg0: i32) -> (i32, i32) {
    %c0_i32 = arith.constant 0 : i32
    %c0_i32_0 = arith.constant 0 : i32
    return %arg0, %c0_i32 : i32, i32
  }
  func.func @transform_2(%arg0: i32) -> (i32, i32) {
    %c0_i32 = arith.constant 0 : i32
    %c0_i32_0 = arith.constant 0 : i32
    %c0_i32_1 = arith.constant 0 : i32
    return %c0_i32, %c0_i32_0 : i32, i32
  }
  func.func @transform_3(%arg0: i32) -> (i32, i32) {
    %c0_i32 = arith.constant 0 : i32
    %c0_i32_0 = arith.constant 0 : i32
    return %arg0, %c0_i32 : i32, i32
  }
}

module attributes {stable_mosaic.version = 14 : i64} {
  func.func @_mid_body(%arg0: i32, %arg1: memref<2x2000x128xf32, #tpu.memory_space<vmem>>, %arg2: memref<2x2000x128xf32, #tpu.memory_space<vmem>>, %arg3: memref<2000x128xf32, #tpu.memory_space<vmem>>, %arg4: memref<8x64xf32, #tpu.memory_space<vmem>>, %arg5: memref<64x64xf32, #tpu.memory_space<vmem>>, %arg6: memref<2000x128xf32, #tpu.memory_space<vmem>>) attributes {dimension_semantics = [#tpu.dimension_semantics<arbitrary>], iteration_bounds = array<i64: 5>, scalar_prefetch = 0 : i64, scratch_operands = 0 : i64, tpu.core_type = #tpu.core_type<tc>, window_params = [{transform_indices = @transform_0, window_bounds = array<i64: 2, 2000, 128>}, {transform_indices = @transform_1, window_bounds = array<i64: 2, 2000, 128>}, {transform_indices = @transform_2, window_bounds = array<i64: 2000, 128>}, {pipeline_mode = #tpu.pipeline_mode<synchronous>, transform_indices = @transform_3, window_bounds = array<i64: 8, 64>}, {pipeline_mode = #tpu.pipeline_mode<synchronous>, transform_indices = @transform_4, window_bounds = array<i64: 64, 64>}, {transform_indices = @transform_5, window_bounds = array<i64: 2000, 128>}]} {
    %get3A = arith.constant 0 : index
    %get3A_0 = arith.constant 0 : index
    %get3A_1 = arith.constant 0 : index
    %get3A_2 = vector.load %arg1[%get3A, %get3A_0, %get3A_1] : memref<2x2000x128xf32, #tpu.memory_space<vmem>>, vector<1x2000x16xf32>
    %get3A_3 = vector.shape_cast %get3A_2 : vector<1x2000x16xf32> to vector<2000x16xf32>
    %get3A_4 = arith.constant 1 : index
    %get3A_5 = arith.constant 0 : index
    %get3A_6 = arith.constant 0 : index
    %get3A_7 = vector.load %arg1[%get3A_4, %get3A_5, %get3A_6] : memref<2x2000x128xf32, #tpu.memory_space<vmem>>, vector<1x2000x16xf32>
    %get3A_8 = vector.shape_cast %get3A_7 : vector<1x2000x16xf32> to vector<2000x16xf32>
    %add3A = arith.addf %get3A_3, %get3A_8 : vector<2000x16xf32>
    %broadcast_in_dim3A = arith.constant 1.000000e+00 : f32
    %broadcast_in_dim3A_9 = vector.broadcast %broadcast_in_dim3A : f32 to vector<16x1xf32>
    %dot_general3A = arith.constant dense<0.000000e+00> : vector<2000x1xf32>
    %dot_general3A_10 = tpu.matmul %add3A, %broadcast_in_dim3A_9, %dot_general3A {dimension_numbers = #tpu.dot_dimension_numbers<[1], [0], [0], [1], [0, 0, 1, 1], [], []>, transpose_lhs_hint = false} : vector<2000x16xf32>, vector<16x1xf32>, vector<2000x1xf32> -> vector<2000x1xf32>
    %mul3A = arith.constant 6.250000e-02 : f32
    %mul3A_11 = vector.broadcast %mul3A : f32 to vector<2000x1xf32>
    %mul3A_12 = arith.mulf %dot_general3A_10, %mul3A_11 : vector<2000x1xf32>
    %add3A_13 = arith.constant 1.000000e+00 : f32
    %add3A_14 = vector.broadcast %add3A_13 : f32 to vector<2000x1xf32>
    %add3A_15 = arith.addf %mul3A_12, %add3A_14 : vector<2000x1xf32>
    %rsqrt3A = math.rsqrt %add3A_15 : vector<2000x1xf32>
    %get3A_16 = arith.constant 0 : index
    %get3A_17 = arith.constant 0 : index
    %get3A_18 = arith.constant 0 : index
    %get3A_19 = vector.load %arg2[%get3A_16, %get3A_17, %get3A_18] : memref<2x2000x128xf32, #tpu.memory_space<vmem>>, vector<1x2000x64xf32>
    %get3A_20 = vector.shape_cast %get3A_19 : vector<1x2000x64xf32> to vector<2000x64xf32>
    %get3A_21 = arith.constant 1 : index
    %get3A_22 = arith.constant 0 : index
    %get3A_23 = arith.constant 0 : index
    %get3A_24 = vector.load %arg2[%get3A_21, %get3A_22, %get3A_23] : memref<2x2000x128xf32, #tpu.memory_space<vmem>>, vector<1x2000x64xf32>
    %get3A_25 = vector.shape_cast %get3A_24 : vector<1x2000x64xf32> to vector<2000x64xf32>
    %add3A_26 = arith.addf %get3A_20, %get3A_25 : vector<2000x64xf32>
    %get3A_27 = arith.constant 0 : index
    %get3A_28 = arith.constant 0 : index
    %get3A_29 = vector.load %arg3[%get3A_27, %get3A_28] : memref<2000x128xf32, #tpu.memory_space<vmem>>, vector<2000x64xf32>
    %add3A_30 = arith.addf %add3A_26, %get3A_29 : vector<2000x64xf32>
    %mul3A_31 = vector.broadcast %rsqrt3A : vector<2000x1xf32> to vector<2000x64xf32>
    %mul3A_32 = arith.mulf %add3A_30, %mul3A_31 : vector<2000x64xf32>
    %get3A_33 = arith.constant 0 : index
    %get3A_34 = arith.constant 0 : index
    %get3A_35 = vector.load %arg4[%get3A_33, %get3A_34] : memref<8x64xf32, #tpu.memory_space<vmem>>, vector<1x64xf32>
    %add3A_36 = vector.broadcast %get3A_35 : vector<1x64xf32> to vector<2000x64xf32>
    %add3A_37 = arith.addf %mul3A_32, %add3A_36 : vector<2000x64xf32>
    %max3A = arith.constant 0.000000e+00 : f32
    %max3A_38 = vector.broadcast %max3A : f32 to vector<2000x64xf32>
    %max3A_39 = arith.maximumf %add3A_37, %max3A_38 : vector<2000x64xf32>
    %get3A_40 = arith.constant 0 : index
    %get3A_41 = arith.constant 0 : index
    %get3A_42 = vector.load %arg5[%get3A_40, %get3A_41] : memref<64x64xf32, #tpu.memory_space<vmem>>, vector<64x64xf32>
    %dot_general3A_43 = arith.constant dense<0.000000e+00> : vector<2000x64xf32>
    %dot_general3A_44 = tpu.matmul %max3A_39, %get3A_42, %dot_general3A_43 {dimension_numbers = #tpu.dot_dimension_numbers<[1], [0], [0], [1], [0, 0, 1, 1], [], []>, transpose_lhs_hint = false} : vector<2000x64xf32>, vector<64x64xf32>, vector<2000x64xf32> -> vector<2000x64xf32>
    %mul3A_45 = vector.broadcast %rsqrt3A : vector<2000x1xf32> to vector<2000x64xf32>
    %mul3A_46 = arith.mulf %dot_general3A_44, %mul3A_45 : vector<2000x64xf32>
    %swap3A = arith.constant 0 : index
    %swap3A_47 = arith.constant 0 : index
    %swap3A_48 = vector.load %arg6[%swap3A, %swap3A_47] : memref<2000x128xf32, #tpu.memory_space<vmem>>, vector<2000x64xf32>
    tpu.vector_store %arg6[%swap3A, %swap3A_47], %mul3A_46 {strides = array<i32>} : memref<2000x128xf32, #tpu.memory_space<vmem>>, vector<2000x64xf32>,
    %broadcast_in_dim3A_49 = arith.constant 0.000000e+00 : f32
    %broadcast_in_dim3A_50 = vector.broadcast %broadcast_in_dim3A_49 : f32 to vector<2000x64xf32>
    %swap3A_51 = arith.constant 0 : index
    %swap3A_52 = arith.constant 64 : index
    %swap3A_53 = vector.load %arg6[%swap3A_51, %swap3A_52] : memref<2000x128xf32, #tpu.memory_space<vmem>>, vector<2000x64xf32>
    tpu.vector_store %arg6[%swap3A_51, %swap3A_52], %broadcast_in_dim3A_50 {strides = array<i32>} : memref<2000x128xf32, #tpu.memory_space<vmem>>, vector<2000x64xf32>,
    return
  }
  func.func @transform_0(%arg0: i32) -> (i32, i32, i32) {
    %c0_i32 = arith.constant 0 : i32
    %c0_i32_0 = arith.constant 0 : i32
    %c0_i32_1 = arith.constant 0 : i32
    return %c0_i32, %arg0, %c0_i32_0 : i32, i32, i32
  }
  func.func @transform_1(%arg0: i32) -> (i32, i32, i32) {
    %c0_i32 = arith.constant 0 : i32
    %c0_i32_0 = arith.constant 0 : i32
    %c0_i32_1 = arith.constant 0 : i32
    return %c0_i32, %arg0, %c0_i32_0 : i32, i32, i32
  }
  func.func @transform_2(%arg0: i32) -> (i32, i32) {
    %c0_i32 = arith.constant 0 : i32
    %c0_i32_0 = arith.constant 0 : i32
    return %arg0, %c0_i32 : i32, i32
  }
  func.func @transform_3(%arg0: i32) -> (i32, i32) {
    %c0_i32 = arith.constant 0 : i32
    %c0_i32_0 = arith.constant 0 : i32
    %c0_i32_1 = arith.constant 0 : i32
    return %c0_i32, %c0_i32_0 : i32, i32
  }
  func.func @transform_4(%arg0: i32) -> (i32, i32) {
    %c0_i32 = arith.constant 0 : i32
    %c0_i32_0 = arith.constant 0 : i32
    %c0_i32_1 = arith.constant 0 : i32
    return %c0_i32, %c0_i32_0 : i32, i32
  }
  func.func @transform_5(%arg0: i32) -> (i32, i32) {
    %c0_i32 = arith.constant 0 : i32
    %c0_i32_0 = arith.constant 0 : i32
    return %arg0, %c0_i32 : i32, i32
  }
}

module attributes {stable_mosaic.version = 14 : i64} {
  func.func @_final_body(%arg0: i32, %arg1: memref<2x2000x128xf32, #tpu.memory_space<vmem>>, %arg2: memref<2x2000x128xf32, #tpu.memory_space<vmem>>, %arg3: memref<2000x128xf32, #tpu.memory_space<vmem>>, %arg4: memref<8x64xf32, #tpu.memory_space<vmem>>, %arg5: memref<1x1x2000xi32, #tpu.memory_space<vmem>>, %arg6: memref<64x64xf32, #tpu.memory_space<vmem>>, %arg7: memref<64x64xf32, #tpu.memory_space<vmem>>, %arg8: memref<64x1xf32, #tpu.memory_space<vmem>>) attributes {dimension_semantics = [#tpu.dimension_semantics<arbitrary>], iteration_bounds = array<i64: 5>, scalar_prefetch = 0 : i64, scratch_operands = 2 : i64, tpu.core_type = #tpu.core_type<tc>, window_params = [{transform_indices = @transform_0, window_bounds = array<i64: 2, 2000, 128>}, {transform_indices = @transform_1, window_bounds = array<i64: 2, 2000, 128>}, {transform_indices = @transform_2, window_bounds = array<i64: 2000, 128>}, {pipeline_mode = #tpu.pipeline_mode<synchronous>, transform_indices = @transform_3, window_bounds = array<i64: 8, 64>}, {transform_indices = @transform_4, window_bounds = array<i64: 1, 1, 2000>}, {pipeline_mode = #tpu.pipeline_mode<synchronous>, transform_indices = @transform_5, window_bounds = array<i64: 64, 64>}]} {
    %eq3A = arith.constant 0 : i32
    %eq3A_0 = arith.cmpi eq, %arg0, %eq3A : i32
    %convert_element_type3A = arith.extui %eq3A_0 : i1 to i32
    %cond3A = arith.constant 0 : i32
    %cond3A_1 = arith.cmpi ne, %convert_element_type3A, %cond3A : i32
    scf.if %cond3A_1 {
      %broadcast_in_dim3A_75 = arith.constant 0.000000e+00 : f32
      %broadcast_in_dim3A_76 = vector.broadcast %broadcast_in_dim3A_75 : f32 to vector<64x64xf32>
      %swap3A_77 = arith.constant 0 : index
      %swap3A_78 = arith.constant 0 : index
      %swap3A_79 = vector.load %arg7[%swap3A_77, %swap3A_78] : memref<64x64xf32, #tpu.memory_space<vmem>>, vector<64x64xf32>
      tpu.vector_store %arg7[%swap3A_77, %swap3A_78], %broadcast_in_dim3A_76 {strides = array<i32>} : memref<64x64xf32, #tpu.memory_space<vmem>>, vector<64x64xf32>,
      %broadcast_in_dim3A_80 = arith.constant 0.000000e+00 : f32
      %broadcast_in_dim3A_81 = vector.broadcast %broadcast_in_dim3A_80 : f32 to vector<64x1xf32>
      %swap3A_82 = arith.constant 0 : index
      %swap3A_83 = arith.constant 0 : index
      %swap3A_84 = vector.load %arg8[%swap3A_82, %swap3A_83] : memref<64x1xf32, #tpu.memory_space<vmem>>, vector<64x1xf32>
      tpu.vector_store %arg8[%swap3A_82, %swap3A_83], %broadcast_in_dim3A_81 {strides = array<i32>} : memref<64x1xf32, #tpu.memory_space<vmem>>, vector<64x1xf32>,
    } else {
    }
    %get3A = arith.constant 0 : index
    %get3A_2 = arith.constant 0 : index
    %get3A_3 = arith.constant 0 : index
    %get3A_4 = vector.load %arg1[%get3A, %get3A_2, %get3A_3] : memref<2x2000x128xf32, #tpu.memory_space<vmem>>, vector<1x2000x16xf32>
    %get3A_5 = vector.shape_cast %get3A_4 : vector<1x2000x16xf32> to vector<2000x16xf32>
    %get3A_6 = arith.constant 1 : index
    %get3A_7 = arith.constant 0 : index
    %get3A_8 = arith.constant 0 : index
    %get3A_9 = vector.load %arg1[%get3A_6, %get3A_7, %get3A_8] : memref<2x2000x128xf32, #tpu.memory_space<vmem>>, vector<1x2000x16xf32>
    %get3A_10 = vector.shape_cast %get3A_9 : vector<1x2000x16xf32> to vector<2000x16xf32>
    %add3A = arith.addf %get3A_5, %get3A_10 : vector<2000x16xf32>
    %broadcast_in_dim3A = arith.constant 1.000000e+00 : f32
    %broadcast_in_dim3A_11 = vector.broadcast %broadcast_in_dim3A : f32 to vector<16x1xf32>
    %dot_general3A = arith.constant dense<0.000000e+00> : vector<2000x1xf32>
    %dot_general3A_12 = tpu.matmul %add3A, %broadcast_in_dim3A_11, %dot_general3A {dimension_numbers = #tpu.dot_dimension_numbers<[1], [0], [0], [1], [0, 0, 1, 1], [], []>, transpose_lhs_hint = false} : vector<2000x16xf32>, vector<16x1xf32>, vector<2000x1xf32> -> vector<2000x1xf32>
    %mul3A = arith.constant 6.250000e-02 : f32
    %mul3A_13 = vector.broadcast %mul3A : f32 to vector<2000x1xf32>
    %mul3A_14 = arith.mulf %dot_general3A_12, %mul3A_13 : vector<2000x1xf32>
    %add3A_15 = arith.constant 1.000000e+00 : f32
    %add3A_16 = vector.broadcast %add3A_15 : f32 to vector<2000x1xf32>
    %add3A_17 = arith.addf %mul3A_14, %add3A_16 : vector<2000x1xf32>
    %rsqrt3A = math.rsqrt %add3A_17 : vector<2000x1xf32>
    %get3A_18 = arith.constant 0 : index
    %get3A_19 = arith.constant 0 : index
    %get3A_20 = arith.constant 0 : index
    %get3A_21 = vector.load %arg2[%get3A_18, %get3A_19, %get3A_20] : memref<2x2000x128xf32, #tpu.memory_space<vmem>>, vector<1x2000x64xf32>
    %get3A_22 = vector.shape_cast %get3A_21 : vector<1x2000x64xf32> to vector<2000x64xf32>
    %get3A_23 = arith.constant 1 : index
    %get3A_24 = arith.constant 0 : index
    %get3A_25 = arith.constant 0 : index
    %get3A_26 = vector.load %arg2[%get3A_23, %get3A_24, %get3A_25] : memref<2x2000x128xf32, #tpu.memory_space<vmem>>, vector<1x2000x64xf32>
    %get3A_27 = vector.shape_cast %get3A_26 : vector<1x2000x64xf32> to vector<2000x64xf32>
    %add3A_28 = arith.addf %get3A_22, %get3A_27 : vector<2000x64xf32>
    %get3A_29 = arith.constant 0 : index
    %get3A_30 = arith.constant 0 : index
    %get3A_31 = vector.load %arg3[%get3A_29, %get3A_30] : memref<2000x128xf32, #tpu.memory_space<vmem>>, vector<2000x64xf32>
    %add3A_32 = arith.addf %add3A_28, %get3A_31 : vector<2000x64xf32>
    %mul3A_33 = vector.broadcast %rsqrt3A : vector<2000x1xf32> to vector<2000x64xf32>
    %mul3A_34 = arith.mulf %add3A_32, %mul3A_33 : vector<2000x64xf32>
    %get3A_35 = arith.constant 0 : index
    %get3A_36 = arith.constant 0 : index
    %get3A_37 = vector.load %arg4[%get3A_35, %get3A_36] : memref<8x64xf32, #tpu.memory_space<vmem>>, vector<1x64xf32>
    %add3A_38 = vector.broadcast %get3A_37 : vector<1x64xf32> to vector<2000x64xf32>
    %add3A_39 = arith.addf %mul3A_34, %add3A_38 : vector<2000x64xf32>
    %max3A = arith.constant 0.000000e+00 : f32
    %max3A_40 = vector.broadcast %max3A : f32 to vector<2000x64xf32>
    %max3A_41 = arith.maximumf %add3A_39, %max3A_40 : vector<2000x64xf32>
    %get3A_42 = arith.constant 0 : index
    %get3A_43 = arith.constant 0 : index
    %get3A_44 = arith.constant 0 : index
    %get3A_45 = vector.load %arg5[%get3A_42, %get3A_43, %get3A_44] : memref<1x1x2000xi32, #tpu.memory_space<vmem>>, vector<1x1x2000xi32>
    %get3A_46 = vector.shape_cast %get3A_45 : vector<1x1x2000xi32> to vector<1x2000xi32>
    %iota3A = tpu.iota {dimensions = array<i32: 0>} : vector<64x2000xi32>
    %eq3A_47 = vector.broadcast %get3A_46 : vector<1x2000xi32> to vector<64x2000xi32>
    %eq3A_48 = arith.cmpi eq, %iota3A, %eq3A_47 : vector<64x2000xi32>
    %convert_element_type3A_49 = arith.extui %eq3A_48 : vector<64x2000xi1> to vector<64x2000xi32>
    %convert_element_type3A_50 = arith.sitofp %convert_element_type3A_49 : vector<64x2000xi32> to vector<64x2000xf32>
    %get3A_51 = arith.constant 0 : index
    %get3A_52 = arith.constant 0 : index
    %get3A_53 = vector.load %arg7[%get3A_51, %get3A_52] : memref<64x64xf32, #tpu.memory_space<vmem>>, vector<64x64xf32>
    %dot_general3A_54 = arith.constant dense<0.000000e+00> : vector<64x64xf32>
    %dot_general3A_55 = tpu.matmul %convert_element_type3A_50, %max3A_41, %dot_general3A_54 {dimension_numbers = #tpu.dot_dimension_numbers<[1], [0], [0], [1], [0, 0, 1, 1], [], []>, transpose_lhs_hint = false} : vector<64x2000xf32>, vector<2000x64xf32>, vector<64x64xf32> -> vector<64x64xf32>
    %add3A_56 = arith.addf %get3A_53, %dot_general3A_55 : vector<64x64xf32>
    %swap3A = arith.constant 0 : index
    %swap3A_57 = arith.constant 0 : index
    %swap3A_58 = vector.load %arg7[%swap3A, %swap3A_57] : memref<64x64xf32, #tpu.memory_space<vmem>>, vector<64x64xf32>
    tpu.vector_store %arg7[%swap3A, %swap3A_57], %add3A_56 {strides = array<i32>} : memref<64x64xf32, #tpu.memory_space<vmem>>, vector<64x64xf32>,
    %get3A_59 = arith.constant 0 : index
    %get3A_60 = arith.constant 0 : index
    %get3A_61 = vector.load %arg8[%get3A_59, %get3A_60] : memref<64x1xf32, #tpu.memory_space<vmem>>, vector<64x1xf32>
    %broadcast_in_dim3A_62 = arith.constant 1.000000e+00 : f32
    %broadcast_in_dim3A_63 = vector.broadcast %broadcast_in_dim3A_62 : f32 to vector<2000x1xf32>
    %dot_general3A_64 = arith.constant dense<0.000000e+00> : vector<64x1xf32>
    %dot_general3A_65 = tpu.matmul %convert_element_type3A_50, %broadcast_in_dim3A_63, %dot_general3A_64 {dimension_numbers = #tpu.dot_dimension_numbers<[1], [0], [0], [1], [0, 0, 1, 1], [], []>, transpose_lhs_hint = false} : vector<64x2000xf32>, vector<2000x1xf32>, vector<64x1xf32> -> vector<64x1xf32>
    %add3A_66 = arith.addf %get3A_61, %dot_general3A_65 : vector<64x1xf32>
    %swap3A_67 = arith.constant 0 : index
    %swap3A_68 = arith.constant 0 : index
    %swap3A_69 = vector.load %arg8[%swap3A_67, %swap3A_68] : memref<64x1xf32, #tpu.memory_space<vmem>>, vector<64x1xf32>
    tpu.vector_store %arg8[%swap3A_67, %swap3A_68], %add3A_66 {strides = array<i32>} : memref<64x1xf32, #tpu.memory_space<vmem>>, vector<64x1xf32>,
    %eq3A_70 = arith.constant 4 : i32
    %eq3A_71 = arith.cmpi eq, %arg0, %eq3A_70 : i32
    %convert_element_type3A_72 = arith.extui %eq3A_71 : i1 to i32
    %cond3A_73 = arith.constant 0 : i32
    %cond3A_74 = arith.cmpi ne, %convert_element_type3A_72, %cond3A_73 : i32
    scf.if %cond3A_74 {
      %get3A_75 = arith.constant 0 : index
      %get3A_76 = arith.constant 0 : index
      %get3A_77 = vector.load %arg7[%get3A_75, %get3A_76] : memref<64x64xf32, #tpu.memory_space<vmem>>, vector<64x64xf32>
      %get3A_78 = arith.constant 0 : index
      %get3A_79 = arith.constant 0 : index
      %get3A_80 = vector.load %arg8[%get3A_78, %get3A_79] : memref<64x1xf32, #tpu.memory_space<vmem>>, vector<64x1xf32>
      %max3A_81 = arith.constant 1.000000e+00 : f32
      %max3A_82 = vector.broadcast %max3A_81 : f32 to vector<64x1xf32>
      %max3A_83 = arith.maximumf %get3A_80, %max3A_82 : vector<64x1xf32>
      %div3A = vector.broadcast %max3A_83 : vector<64x1xf32> to vector<64x64xf32>
      %div3A_84 = arith.divf %get3A_77, %div3A : vector<64x64xf32>
      %swap3A_85 = arith.constant 0 : index
      %swap3A_86 = arith.constant 0 : index
      %swap3A_87 = vector.load %arg6[%swap3A_85, %swap3A_86] : memref<64x64xf32, #tpu.memory_space<vmem>>, vector<64x64xf32>
      tpu.vector_store %arg6[%swap3A_85, %swap3A_86], %div3A_84 {strides = array<i32>} : memref<64x64xf32, #tpu.memory_space<vmem>>, vector<64x64xf32>,
    } else {
    }
    return
  }
  func.func @transform_0(%arg0: i32) -> (i32, i32, i32) {
    %c0_i32 = arith.constant 0 : i32
    %c0_i32_0 = arith.constant 0 : i32
    %c0_i32_1 = arith.constant 0 : i32
    return %c0_i32, %arg0, %c0_i32_0 : i32, i32, i32
  }
  func.func @transform_1(%arg0: i32) -> (i32, i32, i32) {
    %c0_i32 = arith.constant 0 : i32
    %c0_i32_0 = arith.constant 0 : i32
    %c0_i32_1 = arith.constant 0 : i32
    return %c0_i32, %arg0, %c0_i32_0 : i32, i32, i32
  }
  func.func @transform_2(%arg0: i32) -> (i32, i32) {
    %c0_i32 = arith.constant 0 : i32
    %c0_i32_0 = arith.constant 0 : i32
    return %arg0, %c0_i32 : i32, i32
  }
  func.func @transform_3(%arg0: i32) -> (i32, i32) {
    %c0_i32 = arith.constant 0 : i32
    %c0_i32_0 = arith.constant 0 : i32
    %c0_i32_1 = arith.constant 0 : i32
    return %c0_i32, %c0_i32_0 : i32, i32
  }
  func.func @transform_4(%arg0: i32) -> (i32, i32, i32) {
    %c0_i32 = arith.constant 0 : i32
    %c0_i32_0 = arith.constant 0 : i32
    %c0_i32_1 = arith.constant 0 : i32
    return %arg0, %c0_i32, %c0_i32_0 : i32, i32, i32
  }
  func.func @transform_5(%arg0: i32) -> (i32, i32) {
    %c0_i32 = arith.constant 0 : i32
    %c0_i32_0 = arith.constant 0 : i32
    %c0_i32_1 = arith.constant 0 : i32
    return %c0_i32, %c0_i32_0 : i32, i32
  }
}

</mosaic_0001>

<sc_bundles>
// kernel: kernel.11.cloned.1.call-start
scs
__scs_entry_jumppad:
0x0: {  	(pc) =	sbr.rel $0x88, $3  }
0x1: {  	(tag) =	ssettag $0x0;
	lr =	simm.s32 $0x1  }
0x2: {  	[smem:$0x3F92] =	sst lr;
	_ =	strace $0xD0000000  }
0x3: {  	_ = 	snop  }
0x4: {  	_ = 	snop  }
0x5: {  	_ = 	snop  }
0x6: {  	_ = 	snop  }
0x7: {  	_ = 	snop  }
__scs_overlays_trampoline_lowered:
0x8: {  	[smem:$0x3FA1] =	sst s0  }
0x9: {  	[smem:$0x3FA2] =	sst s1  }
0xa: {  	[smem:$0x3FA3] =	sst s2  }
0xb: {  	[smem:$0x3FA4] =	sst s3  }
0xc: {  	[smem:$0x3FA5] =	sst s4  }
0xd: {  	[smem:$0x3FA6] =	sst s5  }
0xe: {  	[smem:$0x3FA7] =	sst s6  }
0xf: {  	[smem:$0x3FA8] =	sst s7  }
0x10: {  	[smem:$0x3FA9] =	sst s8  }
0x11: {  	[smem:$0x3FAA] =	sst s9;
	s0 =	simm.s32 @!p0 $0x0  }
0x12: {  	s1 =	sld [smem:$0x3F90];
	s0 =	simm.s32 @p0 $0x1  }
0x13: {  	[smem:$0x3FAB] =	sst s0;
	s0 =	simm.s32 @!p1 $0x0  }
0x14: {  	s2 =	sld [smem:$0x3F8F];
	s0 =	simm.s32 @p1 $0x1  }
0x15: {  	[smem:$0x3FAC] =	sst s0;
	s0 =	simm.s32 @!p2 $0x0  }
0x16: {  	s3 =	sld [smem:$0x3FDB];
	s0 =	simm.s32 @p2 $0x1  }
0x17: {  	s4 =	simm.s32 $0x1BF5;
	[smem:$0x3FAE] =	sst s0  }
0x18: {  	s0 =	sld [smem:$0x3F91];
	_ =	swait.ge [sflag:s4], $0x0  }
0x19: {  	s7 =	sld [smem:$0x3F92]  }
0x1a: {  	s8 =	sadd.s32 $0xFFFFE003, lr  }
0x1b: {  	s9 =	sadd.s32 $0xFFFFFEF7, lr;
	s5 =	simm.s32 $0xFFFFFFFF;
	p2 =	slt.u32 s8, $0xFFFFF086  }
0x1c: {  	p1 =	slt.u32 s9, $0xF7A;
	s5 =	simm.s32 @!p2 $0x0  }
0x1d: {  	s5 =	simm.s32 @p1 $0x1;
	p0 =	seq.s32 s7, s2  }
0x1e: {  	s7 =	smul.u32 @!p0 $0xF7A, s2;
	p2 =	seq.s32 @!p0 s5, $0x0  }
0x1f: {  	s9 =	smul.u32 $0xF7A, s1;
	s8 =	simm.s32 @!p0 $0x1BF5;
	p2 =	por !p2, p0  }
0x20: {  	[sflag:s8] =	ssyncset.s32 @!p0 $0xFFFFF086;
	s6 =	sadd.s32 @!p0 s3, s7;
	s7 =	simm.s32 @!p0 $0x108  }
0x21: {  	s3 =	sadd.s32 s3, s9;
	s6 =	sadd.s32 @!p0 $0x88, s6;
	s7 =	simm.s32 @p2 $0x1082  }
0x22: {  	[simem:s7], [sflag:s8] =	dma.local @!p0 [hbm:s6], $0xF7A  }
0x23: {  	s9 =	sor.u32 $0xD0000000, s2;
	s6 =	simm.s32 $0x108;
	_ =	swait.ge @!p0 [sflag:s8], $0x0  }
0x24: {  	s3 =	sadd.s32 $0x88, s3;
	s6 =	simm.s32 @!p1 $0x1082;
	[sflag:s4] =	ssyncset.s32 $0xFFFFF086  }
0x25: {  	[simem:s6], [sflag:s4] =	dma.local [hbm:s3], $0xF7A  }
0x26: {  	[smem:$0x3F92] =	sst s1;
	(tag) =	ssettag s2;
	_ =	strace s9  }
0x27: {  	s1 =	sld [smem:$0x3FA2]  }
0x28: {  	s2 =	sld [smem:$0x3FA3]  }
0x29: {  	s4 =	sld [smem:$0x3FA5]  }
0x2a: {  	p0 =	seq.s32 s5, $0x0;
	s5 =	sld [smem:$0x3FA6]  }
0x2b: {  	s6 =	sld [smem:$0x3FA7]  }
0x2c: {  	s7 =	sld [smem:$0x3FA8]  }
0x2d: {  	s3 =	simm.s32 $0x108;
	s8 =	sld [smem:$0x3FA9]  }
0x2e: {  	s3 =	simm.s32 @!p0 $0x1082;
	s9 =	sld [smem:$0x3FAA]  }
0x2f: {  	lr =	sadd.s32 s0, s3;
	s0 =	sld [smem:$0x3FA1]  }
0x30: {  	s3 =	sld [smem:$0x3FA4]  }
0x31: {  	[smem:$0x3FAD] =	sst s10  }
0x32: {  	s10 =	sld [smem:$0x3FAB];
	_ =	sdelay $0x3  }
0x33: {  	p0 =	seq.s32 s10, $0x1;
	s10 =	sld [smem:$0x3FAD];
	_ =	sdelay $0x3  }
0x34: {  	[smem:$0x3FAD] =	sst s10  }
0x35: {  	s10 =	sld [smem:$0x3FAC];
	_ =	sdelay $0x3  }
0x36: {  	p1 =	seq.s32 s10, $0x1;
	s10 =	sld [smem:$0x3FAD];
	_ =	sdelay $0x3  }
0x37: {  	[smem:$0x3FAD] =	sst s10  }
0x38: {  	s10 =	sld [smem:$0x3FAE]  }
0x39: {  	_ = 	snop;
	(pc) =	sbr.ind lr, $3  }
0x3a: {  	_ = 	snop  }
0x3b: {  	_ = 	snop  }
0x3c: {  	p2 =	seq.s32 s10, $0x1;
	s10 =	sld [smem:$0x3FAD]  }
0x3d: {  	_ =	shalt  }
0x3e: {  	_ =	shalt  }
0x3f: {  	_ =	shalt  }
0x40: {  	_ =	shalt  }
0x41: {  	_ =	shalt  }
0x42: {  	_ =	shalt  }
0x43: {  	_ =	shalt  }
0x44: {  	_ =	shalt  }
0x45: {  	_ =	shalt  }
0x46: {  	_ =	shalt  }
0x47: {  	_ =	shalt  }
0x48: {  	_ =	shalt  }
0x49: {  	_ =	shalt  }
0x4a: {  	_ =	shalt  }
0x4b: {  	_ =	shalt  }
0x4c: {  	_ =	shalt  }
0x4d: {  	_ =	shalt  }
0x4e: {  	_ =	shalt  }
0x4f: {  	_ =	shalt  }
0x50: {  	_ =	shalt  }
0x51: {  	_ =	shalt  }
0x52: {  	_ =	shalt  }
0x53: {  	_ =	shalt  }
0x54: {  	_ =	shalt  }
0x55: {  	_ =	shalt  }
0x56: {  	_ =	shalt  }
0x57: {  	_ =	shalt  }
0x58: {  	_ =	shalt  }
0x59: {  	_ =	shalt  }
0x5a: {  	_ =	shalt  }
0x5b: {  	_ =	shalt  }
0x5c: {  	_ =	shalt  }
0x5d: {  	_ =	shalt  }
0x5e: {  	_ =	shalt  }
0x5f: {  	_ =	shalt  }
0x60: {  	_ =	shalt  }
0x61: {  	_ =	shalt  }
0x62: {  	_ =	shalt  }
0x63: {  	_ =	shalt  }
0x64: {  	_ =	shalt  }
0x65: {  	_ =	shalt  }
0x66: {  	_ =	shalt  }
0x67: {  	_ =	shalt  }
0x68: {  	_ =	shalt  }
0x69: {  	_ =	shalt  }
0x6a: {  	_ =	shalt  }
0x6b: {  	_ =	shalt  }
0x6c: {  	_ =	shalt  }
0x6d: {  	_ =	shalt  }
0x6e: {  	_ =	shalt  }
0x6f: {  	_ =	shalt  }
0x70: {  	_ =	shalt  }
0x71: {  	_ =	shalt  }
0x72: {  	_ =	shalt  }
0x73: {  	_ =	shalt  }
0x74: {  	_ =	shalt  }
0x75: {  	_ =	shalt  }
0x76: {  	_ =	shalt  }
0x77: {  	_ =	shalt  }
0x78: {  	_ =	shalt  }
0x79: {  	_ =	shalt  }
0x7a: {  	_ =	shalt  }
0x7b: {  	_ =	shalt  }
0x7c: {  	_ =	shalt  }
0x7d: {  	_ =	shalt  }
0x7e: {  	_ =	shalt  }
0x7f: {  	_ =	shalt  }
0x80: {  	_ =	shalt  }
0x81: {  	_ =	shalt  }
0x82: {  	_ =	shalt  }
0x83: {  	_ =	shalt  }
0x84: {  	_ =	shalt  }
0x85: {  	_ =	shalt  }
0x86: {  	_ =	shalt  }
0x87: {  	_ =	shalt  }
.Lfunc_end0:
.L_simem_size_0:
called_computation.1_lowered:
.L_overlay_start_0:
0x88: {  	s2 =	sld [smem:$0x3FD9]  }
0x89: {  	s3 =	sld [smem:$0x3FFE];
	_ =	sdelay $0x1  }
0x8a: {  	s1 =	srdreg.scid  }
0x8b: {  	s0 =	sand.u32 $0x1, s1  }
0x8c: {  	s16 =	sshll.u32 s0, $0xA;
	s2 =	sadd.s32 s3, s2  }
0x8d: {  	s2 =	sadd.s32 s2, s16  }
0x8e: {  	[smem:$0x3FB9] =	sst s2  }
0x8f: {  	_ = 	snop  }
0x90: {  	(tm) =	ssettm $0x1  }
0x91: {  	s17 =	sld [smem:$0x3FFB];
	_ =	sdelay $0x3  }
0x92: {  	_ =	strace s17  }
0x93: {  	s2 =	sld [smem:$0x3FFC];
	_ =	sdelay $0x3  }
0x94: {  	_ =	strace s2  }
0x95: {  	s2 =	sld [smem:$0x3FFD];
	_ =	sdelay $0x3  }
0x96: {  	_ =	strace s2  }
0x97: {  	_ =	strace $0x8FFFFFFF  }
0x98: {  	s18 =	sld [smem:$0x3FDB];
	_ =	sdelay $0x1  }
0x99: {  	s19 =	simm.s32 $_scs_section_size  }
0x9a: {  	s4 =	simm.s32 $_size__tile_overlayer_lowered;
	s5 =	simm.s32 $_tile_overlayer_lowered  }
0x9b: {  	s22 =	simm.s32 $0x1BFF;
	s21 =	sshll.u32 s5, $0x1;
	s2 =	sadd.s32 s19, s18  }
0x9c: {  	s6 =	simm.s32 $0x0;
	s20 =	sshll.u32 s4, $0x1;
	s4 =	sadd.s32 s21, s2  }
0x9d: {  	[timem:s6], [sflag:s22] =	dma.local [hbm:s4], s20  }
0x9e: {  	_ =	swait.ge [sflag:s22], s20  }
0x9f: {  	s3 =	ssub.s32 $0x0, s20;
	[sflag:s22] =	ssyncset.done $0x0  }
0xa0: {  	[sflag:s22] =	ssyncadd.s32 s3;
	_ =	sdelay $0x1  }
0xa1: {  	s23 =	simm.s32 $0x1B8B  }
0xa2: {  	_ =	swait.ge [sflag:s23], $0x1  }
0xa3: {  	[sflag:s23] =	ssyncset.done $0x0  }
0xa4: {  	s25 =	simm.s32 $0x1B8E;
	s24 =	sld [smem:$0x3FFE];
	[sflag:s23] =	ssyncadd.s32 $0xFFFFFFFF  }
0xa5: {  	s26 =	simm.s32 $execute0_lowered;
	[smem:$0x3FD2] =	sst s25  }
0xa6: {  	s4 =	sshll.u32 s26, $0x1;
	_ =	strace $0x80000049;
	[dreg:$0x1] =	wrdreg $0xFFFFFFFF  }
0xa7: {  	s28 =	simm.s32 $_size_execute0_lowered;
	s2 =	sadd.s32 s2, s4;
	[dreg:$0x0] =	wrdreg $0x0  }
0xa8: {  	s4 =	sshll.u32 s28, $0x1;
	[dreg:$0x2] =	wrdreg s2  }
0xa9: {  	[dreg:$0x3] =	wrdreg s4  }
0xaa: {  	[dreg:$0x4] =	wrdreg $0xC0  }
0xab: {  	_ =	task [dreg:s6], $0x5FFFF  }
0xac: {  	[dreg:$0x1] =	wrdreg $0xFFFFFFFF  }
0xad: {  	[dreg:$0x0] =	wrdreg $0x60  }
0xae: {  	[dreg:$0x2] =	wrdreg s24  }
0xaf: {  	[dreg:$0x3] =	wrdreg $0x150000  }
0xb0: {  	[dreg:$0x4] =	wrdreg $0x9  }
0xb1: {  	_ =	task.clear_ibuf [dreg:s6], $0x5FFFF;
	_ =	strace $0x90000049  }
0xb2: {  	s29 =	simm.s32 $0x9;
	_ =	strace $0x8000004B  }
0xb3: {  	_ =	swait.ge [sflag:s29], $0x1  }
0xb4: {  	[sflag:s29] =	ssyncadd.s32 $0xFFFFFFFF  }
0xb5: {  	_ =	strace $0x9000004B  }
0xb6: {  	_ =	sfence  }
0xb7: {  	s30 =	sld [smem:$0x0];
	_ =	sdelay $0x2  }
0xb8: {  	s31 =	sshll.u32 s1, $0xD;
	s1 =	sshrl.u32 s1, $0x2  }
0xb9: {  	s3 =	sand.u32 $0x4000, s31;
	s1 =	sadd.s32 s1, s30  }
0xba: {  	s0 =	sor.u32 s3, s0;
	s1 =	sshll.u32 s1, $0x11  }
0xbb: {  	s0 =	sor.u32 s1, s0  }
0xbc: {  	s0 =	sadd.s32 $0x8F2B, s0  }
0xbd: {  	[sflag:s0] =	ssyncadd.remote.s32 $0x1  }
0xbe: {  	_ =	sfence.sel $0xFFFF  }
0xbf: {  	[dreg:$0x0] =	wrdreg $0xFFFFFFFF;
	(pc) =	sbr.abs _section_cstart, $3  }
0xc0: {  	[dreg:$0x1] =	wrdreg $0xFFFFFFFF  }
0xc1: {  	_ =	task.clear_ibuf [dreg:s6], $0x2FFFF;
	_ =	strace $0x9FFFFFFF  }
0xc2: {  	(tm) =	ssettm $0x7FFFFFFF  }
0xc3: {  	_ =	shalt  }
tec
execute0_lowered:
.L_overlay_start_1:
0x0: {  	(tag) =	ssettag $0x1  }
0x1: {  	s3 =	rddreg [dreg:$0x0]  }
0x2: {  	s2 =	rddreg [dreg:$0x1];
	s30 =	simm.s32 $0x0  }
0x3: {  	s0 =	srdreg.scid;
	s23 =	simm.s32 $0x400;
	[smem:$0x7FF] =	sst s30  }
0x4: {  	s24 =	simm.s32 $0x2A00;
	_ =	strace $0x8000004A;
	[dreg:$0x7] =	wrdreg s23  }
0x5: {  	s12 =	stileid.u32;
	s25 =	simm.s32 $0x600;
	[dreg:$0x8] =	wrdreg s24  }
0x6: {  	s26 =	simm.s32 $0x2C00;
	s9 =	simm.s32 $0xC00;
	[dreg:$0x9] =	wrdreg s25  }
0x7: {  	s10 =	simm.s32 $0x3200;
	s13 =	simm.s32 $0xE00;
	[dreg:$0xa] =	wrdreg s26  }
0x8: {  	s14 =	simm.s32 $0x3400;
	s16 =	simm.s32 $0x1000;
	[dreg:$0xf] =	wrdreg s9  }
0x9: {  	s17 =	simm.s32 $0x3600;
	s18 =	simm.s32 $0x1200;
	[dreg:$0x10] =	wrdreg s10  }
0xa: {  	s31 =	simm.s32 $0x2800;
	s19 =	simm.s32 $0x3800;
	[dreg:$0x11] =	wrdreg s13  }
0xb: {  	s29 =	simm.s32 $0x1A00;
	s28 =	simm.s32 $0x4200;
	[dreg:$0x12] =	wrdreg s14  }
0xc: {  	p0 =	por $0x0, $0x0;
	s4 =	smul.u32 $0x9C40, s12;
	[dreg:$0x13] =	wrdreg s16  }
0xd: {  	s0 =	sand.u32 $0x1, s0;
	s5 =	smul.u32 $0x2710, s12;
	[dreg:$0x14] =	wrdreg s17  }
0xe: {  	s20 =	sshll.u32 s12, $0x6;
	s1 =	sshll.u32 s0, $0x4;
	[dreg:$0x15] =	wrdreg s18  }
0xf: {  	s7 =	smul.u32 $0x27100, s0;
	s0 =	ssub.s32 $0x2, s0;
	[dreg:$0x16] =	wrdreg s19  }
0x10: {  	s23 =	simm.s32 $0x1600;
	s24 =	simm.s32 $0x3C00;
	s10 =	simm.s32 $0x5000  }
0x11: {  	s25 =	simm.s32 $0x1800;
	s26 =	simm.s32 $0x3E00;
	s9 =	simm.s32 $0xD000  }
0x12: {  	s18 =	simm.s32 $0x4000;
	s19 =	simm.s32 $0x4A00;
	s16 =	simm.s32 $0x2600  }
0x13: {  	s17 =	simm.s32 $0x4C00;
	s13 =	simm.s32 $0x10;
	[dreg:$0x19] =	wrdreg s23  }
0x14: {  	s14 =	simm.s32 $0x8;
	s1 =	sor.u32 s12, s1;
	[dreg:$0x1a] =	wrdreg s24  }
0x15: {  	s6 =	sshrl.u32 s4, $0x3;
	s11 =	sshrl.u32 s0, $0x1;
	[dreg:$0x1b] =	wrdreg s25  }
0x16: {  	s15 =	sadd.s32 s4, s2;
	s4 =	simm.s32 $0x3;
	[dreg:$0x1c] =	wrdreg s26  }
0x17: {  	s26 =	simm.s32 $0x1C00;
	s24 =	simm.s32 $0x1E00;
	s25 =	simm.s32 $0x4400  }
0x18: {  	s23 =	simm.s32 $0x4600;
	s1 =	smul.u32 $0x500, s1;
	s6 =	sadd.s32 s6, s3  }
0x19: {  	s5 =	sadd.s32 s5, s7;
	s7 =	simm.s32 $0xA00;
	s0 =	ssub.s32 s0, s11  }
0x1a: {  	s11 =	simm.s32 $0x2;
	s5 =	sadd.s32 s5, s3;
	s21 =	sadd.s32 $0x3F400, s6  }
0x1b: {  	s6 =	simm.s32 $0x2E00;
	[dreg:$0xd] =	wrdreg s7;
	s0 =	smax.u32 s0, $0x1  }
0x1c: {  	s7 =	simm.s32 $0x200;
	s1 =	sadd.s32 s1, s3;
	[dreg:$0x5] =	wrdreg s21  }
0x1d: {  	s22 =	sadd.s32 $0x52E00, s5;
	s5 =	simm.s32 $0x800;
	[dreg:$0xc] =	wrdreg s6  }
0x1e: {  	s3 =	sadd.s32 $0x18200, s3;
	s21 =	simm.s32 $0x1400;
	[dreg:$0x6] =	wrdreg s22  }
0x1f: {  	s6 =	sshrl.u32 s15, $0x3;
	p1 =	sne.s32 s0, $0x1;
	[dreg:$0xb] =	wrdreg s5  }
0x20: {  	s15 =	simm.s32 $0x4E00;
	s8 =	sadd.s32 $0xE200, s1;
	[dreg:$0x17] =	wrdreg s21  }
.Ltmp0:
0x21: {  	s1 =	sadd.s32 $0x4200, s1;
	[dreg:$0x3] =	wrdreg s8;
	(pc) =	sbr.rel @!p1 .LBB2_1-.Ltmp0, $4  }
0x22: {  	s5 =	sor.u32 $0x1C03, s20;
	s22 =	simm.s32 $0x3A00;
	[dreg:$0x4] =	wrdreg s1  }
0x23: {  	s20 =	simm.s32 $0x2200;
	s8 =	simm.s32 $0x3000;
	[dreg:$0x18] =	wrdreg s22  }
0x24: {  	s21 =	simm.s32 $0x4800;
	s22 =	simm.s32 $0x2000;
	[dreg:$0xe] =	wrdreg s8  }
0x25: {  	s1 =	sadd.s32 $0xFFFFFFFF, s0;
	s8 =	simm.s32 $0x1;
	s0 =	rddreg [dreg:$0x3]  }
0x26: {  	[tilespmem:s30], [sflag:$0x3] =	stream.linear.gather [hbm4b:s0+s30], $0x2800, $0x38;
	[tilespmem:$0x1FE00] =	vst v63  }
0x27: {  	_ =	swait.ge [sflag:s4], $0x2800  }
0x28: {  	[sflag:s4] =	ssyncset.done $0x0  }
0x29: {  	s12 =	rddreg [dreg:$0x4];
	[sflag:s4] =	ssyncadd.s32 $0xFFFFD800  }
0x2a: {  	[tilespmem:s31], [sflag:$0x3] =	stream.linear.gather [hbm4b:s12+s30], $0x2800, $0x38;
	[tilespmem:$0x1FE00] =	vst v63  }
0x2b: {  	_ =	swait.ge [sflag:s4], $0x2800  }
0x2c: {  	[sflag:s4] =	ssyncset.done $0x0  }
0x2d: {  	s12 =	rddreg [dreg:$0x5];
	[sflag:s4] =	ssyncadd.s32 $0xFFFFD800  }
0x2e: {  	[spmem:s6], [sflag:s5] =	dma.local [hbm:s12], $0x1388  }
0x2f: {  	_ =	swait.ge [sflag:s4], $0x1388  }
0x30: {  	[sflag:s4] =	ssyncset.done $0x0  }
0x31: {  	[sflag:s4] =	ssyncadd.s32 $0xFFFFEC78  }
0x32: {  	[bflag:$0x0] =	sbarrier.arrive $0xFFFF  }
0x33: {  	[tilespmem:s10], [sflag:$0x1] =	stream.indirect.gather [hbm4b:s3+s7], $0x40, s30, s7, $0xb8;
	[tilespmem:$0x1FE00] =	vst v63  }
0x34: {  	_ =	swait.ge [sflag:s8], $0x8000  }
0x35: {  	[sflag:s8] =	ssyncset.done $0x0  }
0x36: {  	[sflag:s8] =	ssyncadd.s32 $0xFFFF8000  }
0x37: {  	[tilespmem:s9], [sflag:$0x2] =	stream.indirect.gather [hbm4b:s3+s7], $0x40, s7, s7, $0xb8;
	[tilespmem:$0x1FE00] =	vst v63  }
0x38: {  	_ = 	snop  }
0x39: {  	[spmem:s2] =	stream.indirect.scatter.add.f32 [tilespmem:s10], [sflag:$0x3], $0x40, s31, s7, $0xb8;
	[tilespmem:$0x1FE00] =	vst v63  }
0x3a: {  	_ =	swait.ge [sflag:s4], $0x8000  }
0x3b: {  	[sflag:s4] =	ssyncset.done $0x0  }
0x3c: {  	[sflag:s4] =	ssyncadd.s32 $0xFFFF8000  }
0x3d: {  	_ =	swait.ge [sflag:s11], $0x8000  }
0x3e: {  	[sflag:s11] =	ssyncset.done $0x0  }
0x3f: {  	s0 =	rddreg [dreg:$0x7];
	[sflag:s11] =	ssyncadd.s32 $0xFFFF8000  }
0x40: {  	[tilespmem:s10], [sflag:$0x1] =	stream.indirect.gather [hbm4b:s3+s7], $0x40, s0, s7, $0xb8;
	[tilespmem:$0x1FE00] =	vst v63  }
0x41: {  	s12 =	smov.u32 s1;
	s1 =	rddreg [dreg:$0x8]  }
0x42: {  	[spmem:s2] =	stream.indirect.scatter.add.f32 [tilespmem:s9], [sflag:$0x3], $0x40, s1, s7, $0xb8;
	[tilespmem:$0x1FE00] =	vst v63  }
0x43: {  	_ =	swait.ge [sflag:s4], $0x8000  }
0x44: {  	[sflag:s4] =	ssyncset.done $0x0  }
0x45: {  	[sflag:s4] =	ssyncadd.s32 $0xFFFF8000  }
0x46: {  	_ =	swait.ge [sflag:s8], $0x8000  }
0x47: {  	[sflag:s8] =	ssyncset.done $0x0  }
0x48: {  	s0 =	rddreg [dreg:$0x9];
	[sflag:s8] =	ssyncadd.s32 $0xFFFF8000  }
0x49: {  	[tilespmem:s9], [sflag:$0x2] =	stream.indirect.gather [hbm4b:s3+s7], $0x40, s0, s7, $0xb8;
	[tilespmem:$0x1FE00] =	vst v63  }
0x4a: {  	s1 =	rddreg [dreg:$0xa]  }
0x4b: {  	[spmem:s2] =	stream.indirect.scatter.add.f32 [tilespmem:s10], [sflag:$0x3], $0x40, s1, s7, $0xb8;
	[tilespmem:$0x1FE00] =	vst v63  }
0x4c: {  	_ =	swait.ge [sflag:s4], $0x8000  }
0x4d: {  	[sflag:s4] =	ssyncset.done $0x0  }
0x4e: {  	[sflag:s4] =	ssyncadd.s32 $0xFFFF8000  }
0x4f: {  	_ =	swait.ge [sflag:s11], $0x8000  }
0x50: {  	[sflag:s11] =	ssyncset.done $0x0  }
0x51: {  	s0 =	rddreg [dreg:$0xb];
	[sflag:s11] =	ssyncadd.s32 $0xFFFF8000  }
0x52: {  	[tilespmem:s10], [sflag:$0x1] =	stream.indirect.gather [hbm4b:s3+s7], $0x40, s0, s7, $0xb8;
	[tilespmem:$0x1FE00] =	vst v63  }
0x53: {  	s1 =	rddreg [dreg:$0xc]  }
0x54: {  	[spmem:s2] =	stream.indirect.scatter.add.f32 [tilespmem:s9], [sflag:$0x3], $0x40, s1, s7, $0xb8;
	[tilespmem:$0x1FE00] =	vst v63  }
0x55: {  	_ =	swait.ge [sflag:s4], $0x8000  }
0x56: {  	[sflag:s4] =	ssyncset.done $0x0  }
0x57: {  	[sflag:s4] =	ssyncadd.s32 $0xFFFF8000  }
0x58: {  	_ =	swait.ge [sflag:s8], $0x8000  }
0x59: {  	[sflag:s8] =	ssyncset.done $0x0  }
0x5a: {  	s0 =	rddreg [dreg:$0xd];
	[sflag:s8] =	ssyncadd.s32 $0xFFFF8000  }
0x5b: {  	[tilespmem:s9], [sflag:$0x2] =	stream.indirect.gather [hbm4b:s3+s7], $0x40, s0, s7, $0xb8;
	[tilespmem:$0x1FE00] =	vst v63  }
0x5c: {  	s1 =	rddreg [dreg:$0xe]  }
0x5d: {  	[spmem:s2] =	stream.indirect.scatter.add.f32 [tilespmem:s10], [sflag:$0x3], $0x40, s1, s7, $0xb8;
	[tilespmem:$0x1FE00] =	vst v63  }
0x5e: {  	_ =	swait.ge [sflag:s4], $0x8000  }
0x5f: {  	[sflag:s4] =	ssyncset.done $0x0  }
0x60: {  	[sflag:s4] =	ssyncadd.s32 $0xFFFF8000  }
0x61: {  	_ =	swait.ge [sflag:s11], $0x8000  }
0x62: {  	[sflag:s11] =	ssyncset.done $0x0  }
0x63: {  	s0 =	rddreg [dreg:$0xf];
	[sflag:s11] =	ssyncadd.s32 $0xFFFF8000  }
0x64: {  	[tilespmem:s10], [sflag:$0x1] =	stream.indirect.gather [hbm4b:s3+s7], $0x40, s0, s7, $0xb8;
	[tilespmem:$0x1FE00] =	vst v63  }
0x65: {  	s1 =	rddreg [dreg:$0x10]  }
0x66: {  	[spmem:s2] =	stream.indirect.scatter.add.f32 [tilespmem:s9], [sflag:$0x3], $0x40, s1, s7, $0xb8;
	[tilespmem:$0x1FE00] =	vst v63  }
0x67: {  	_ =	swait.ge [sflag:s4], $0x8000  }
0x68: {  	[sflag:s4] =	ssyncset.done $0x0  }
0x69: {  	[sflag:s4] =	ssyncadd.s32 $0xFFFF8000  }
0x6a: {  	_ =	swait.ge [sflag:s8], $0x8000  }
0x6b: {  	[sflag:s8] =	ssyncset.done $0x0  }
0x6c: {  	s0 =	rddreg [dreg:$0x11];
	[sflag:s8] =	ssyncadd.s32 $0xFFFF8000  }
0x6d: {  	[tilespmem:s9], [sflag:$0x2] =	stream.indirect.gather [hbm4b:s3+s7], $0x40, s0, s7, $0xb8;
	[tilespmem:$0x1FE00] =	vst v63  }
0x6e: {  	s1 =	rddreg [dreg:$0x12]  }
0x6f: {  	[spmem:s2] =	stream.indirect.scatter.add.f32 [tilespmem:s10], [sflag:$0x3], $0x40, s1, s7, $0xb8;
	[tilespmem:$0x1FE00] =	vst v63  }
0x70: {  	_ =	swait.ge [sflag:s4], $0x8000  }
0x71: {  	[sflag:s4] =	ssyncset.done $0x0  }
0x72: {  	[sflag:s4] =	ssyncadd.s32 $0xFFFF8000  }
0x73: {  	_ =	swait.ge [sflag:s11], $0x8000  }
0x74: {  	[sflag:s11] =	ssyncset.done $0x0  }
0x75: {  	s0 =	rddreg [dreg:$0x13];
	[sflag:s11] =	ssyncadd.s32 $0xFFFF8000  }
0x76: {  	[tilespmem:s10], [sflag:$0x1] =	stream.indirect.gather [hbm4b:s3+s7], $0x40, s0, s7, $0xb8;
	[tilespmem:$0x1FE00] =	vst v63  }
0x77: {  	s1 =	rddreg [dreg:$0x14]  }
0x78: {  	[spmem:s2] =	stream.indirect.scatter.add.f32 [tilespmem:s9], [sflag:$0x3], $0x40, s1, s7, $0xb8;
	[tilespmem:$0x1FE00] =	vst v63  }
0x79: {  	_ =	swait.ge [sflag:s4], $0x8000  }
0x7a: {  	[sflag:s4] =	ssyncset.done $0x0  }
0x7b: {  	[sflag:s4] =	ssyncadd.s32 $0xFFFF8000  }
0x7c: {  	_ =	swait.ge [sflag:s8], $0x8000  }
0x7d: {  	[sflag:s8] =	ssyncset.done $0x0  }
0x7e: {  	s0 =	rddreg [dreg:$0x15];
	[sflag:s8] =	ssyncadd.s32 $0xFFFF8000  }
0x7f: {  	[tilespmem:s9], [sflag:$0x2] =	stream.indirect.gather [hbm4b:s3+s7], $0x40, s0, s7, $0xb8;
	[tilespmem:$0x1FE00] =	vst v63  }
0x80: {  	s1 =	rddreg [dreg:$0x16]  }
0x81: {  	[spmem:s2] =	stream.indirect.scatter.add.f32 [tilespmem:s10], [sflag:$0x3], $0x40, s1, s7, $0xb8;
	[tilespmem:$0x1FE00] =	vst v63  }
0x82: {  	_ =	swait.ge [sflag:s4], $0x8000  }
0x83: {  	[sflag:s4] =	ssyncset.done $0x0  }
0x84: {  	[sflag:s4] =	ssyncadd.s32 $0xFFFF8000  }
0x85: {  	_ =	swait.ge [sflag:s11], $0x8000  }
0x86: {  	[sflag:s11] =	ssyncset.done $0x0  }
0x87: {  	s0 =	rddreg [dreg:$0x17];
	[sflag:s11] =	ssyncadd.s32 $0xFFFF8000  }
0x88: {  	[tilespmem:s10], [sflag:$0x1] =	stream.indirect.gather [hbm4b:s3+s7], $0x40, s0, s7, $0xb8;
	[tilespmem:$0x1FE00] =	vst v63  }
0x89: {  	s1 =	rddreg [dreg:$0x18]  }
0x8a: {  	[spmem:s2] =	stream.indirect.scatter.add.f32 [tilespmem:s9], [sflag:$0x3], $0x40, s1, s7, $0xb8;
	[tilespmem:$0x1FE00] =	vst v63  }
0x8b: {  	_ =	swait.ge [sflag:s4], $0x8000  }
0x8c: {  	[sflag:s4] =	ssyncset.done $0x0  }
0x8d: {  	[sflag:s4] =	ssyncadd.s32 $0xFFFF8000  }
0x8e: {  	_ =	swait.ge [sflag:s8], $0x8000  }
0x8f: {  	[sflag:s8] =	ssyncset.done $0x0  }
0x90: {  	s0 =	rddreg [dreg:$0x19];
	[sflag:s8] =	ssyncadd.s32 $0xFFFF8000  }
0x91: {  	[tilespmem:s9], [sflag:$0x2] =	stream.indirect.gather [hbm4b:s3+s7], $0x40, s0, s7, $0xb8;
	[tilespmem:$0x1FE00] =	vst v63  }
0x92: {  	s1 =	rddreg [dreg:$0x1a]  }
0x93: {  	[spmem:s2] =	stream.indirect.scatter.add.f32 [tilespmem:s10], [sflag:$0x3], $0x40, s1, s7, $0xb8;
	[tilespmem:$0x1FE00] =	vst v63  }
0x94: {  	_ =	swait.ge [sflag:s4], $0x8000  }
0x95: {  	[sflag:s4] =	ssyncset.done $0x0  }
0x96: {  	[sflag:s4] =	ssyncadd.s32 $0xFFFF8000  }
0x97: {  	_ =	swait.ge [sflag:s11], $0x8000  }
0x98: {  	[sflag:s11] =	ssyncset.done $0x0  }
0x99: {  	s0 =	rddreg [dreg:$0x1b];
	[sflag:s11] =	ssyncadd.s32 $0xFFFF8000  }
0x9a: {  	[tilespmem:s10], [sflag:$0x1] =	stream.indirect.gather [hbm4b:s3+s7], $0x40, s0, s7, $0xb8;
	[tilespmem:$0x1FE00] =	vst v63  }
0x9b: {  	s1 =	rddreg [dreg:$0x1c]  }
0x9c: {  	[spmem:s2] =	stream.indirect.scatter.add.f32 [tilespmem:s9], [sflag:$0x3], $0x40, s1, s7, $0xb8;
	[tilespmem:$0x1FE00] =	vst v63  }
0x9d: {  	_ =	swait.ge [sflag:s4], $0x8000  }
0x9e: {  	[sflag:s4] =	ssyncset.done $0x0  }
0x9f: {  	[sflag:s4] =	ssyncadd.s32 $0xFFFF8000  }
0xa0: {  	_ =	swait.ge [sflag:s8], $0x8000  }
0xa1: {  	[sflag:s8] =	ssyncset.done $0x0  }
0xa2: {  	[sflag:s8] =	ssyncadd.s32 $0xFFFF8000  }
0xa3: {  	[tilespmem:s9], [sflag:$0x2] =	stream.indirect.gather [hbm4b:s3+s7], $0x40, s29, s7, $0xb8;
	[tilespmem:$0x1FE00] =	vst v63  }
0xa4: {  	_ = 	snop  }
0xa5: {  	[spmem:s2] =	stream.indirect.scatter.add.f32 [tilespmem:s10], [sflag:$0x3], $0x40, s18, s7, $0xb8;
	[tilespmem:$0x1FE00] =	vst v63  }
0xa6: {  	_ =	swait.ge [sflag:s4], $0x8000  }
0xa7: {  	[sflag:s4] =	ssyncset.done $0x0  }
0xa8: {  	[sflag:s4] =	ssyncadd.s32 $0xFFFF8000  }
0xa9: {  	_ =	swait.ge [sflag:s11], $0x8000  }
0xaa: {  	[sflag:s11] =	ssyncset.done $0x0  }
0xab: {  	[sflag:s11] =	ssyncadd.s32 $0xFFFF8000  }
0xac: {  	[tilespmem:s10], [sflag:$0x1] =	stream.indirect.gather [hbm4b:s3+s7], $0x40, s26, s7, $0xb8;
	[tilespmem:$0x1FE00] =	vst v63  }
0xad: {  	_ = 	snop  }
0xae: {  	[spmem:s2] =	stream.indirect.scatter.add.f32 [tilespmem:s9], [sflag:$0x3], $0x40, s28, s7, $0xb8;
	[tilespmem:$0x1FE00] =	vst v63  }
0xaf: {  	_ =	swait.ge [sflag:s4], $0x8000  }
0xb0: {  	[sflag:s4] =	ssyncset.done $0x0  }
0xb1: {  	[sflag:s4] =	ssyncadd.s32 $0xFFFF8000  }
0xb2: {  	_ =	swait.ge [sflag:s8], $0x8000  }
0xb3: {  	[sflag:s8] =	ssyncset.done $0x0  }
0xb4: {  	[sflag:s8] =	ssyncadd.s32 $0xFFFF8000  }
0xb5: {  	[tilespmem:s9], [sflag:$0x2] =	stream.indirect.gather [hbm4b:s3+s7], $0x40, s24, s7, $0xb8;
	[tilespmem:$0x1FE00] =	vst v63  }
0xb6: {  	_ = 	snop  }
0xb7: {  	[spmem:s2] =	stream.indirect.scatter.add.f32 [tilespmem:s10], [sflag:$0x3], $0x40, s25, s7, $0xb8;
	[tilespmem:$0x1FE00] =	vst v63  }
0xb8: {  	_ =	swait.ge [sflag:s4], $0x8000  }
0xb9: {  	[sflag:s4] =	ssyncset.done $0x0  }
0xba: {  	[sflag:s4] =	ssyncadd.s32 $0xFFFF8000  }
0xbb: {  	_ =	swait.ge [sflag:s11], $0x8000  }
0xbc: {  	[sflag:s11] =	ssyncset.done $0x0  }
0xbd: {  	[sflag:s11] =	ssyncadd.s32 $0xFFFF8000  }
0xbe: {  	[tilespmem:s10], [sflag:$0x1] =	stream.indirect.gather [hbm4b:s3+s7], $0x40, s22, s7, $0xb8;
	[tilespmem:$0x1FE00] =	vst v63  }
0xbf: {  	_ = 	snop  }
0xc0: {  	[spmem:s2] =	stream.indirect.scatter.add.f32 [tilespmem:s9], [sflag:$0x3], $0x40, s23, s7, $0xb8;
	[tilespmem:$0x1FE00] =	vst v63  }
0xc1: {  	_ =	swait.ge [sflag:s4], $0x8000  }
0xc2: {  	[sflag:s4] =	ssyncset.done $0x0  }
0xc3: {  	[sflag:s4] =	ssyncadd.s32 $0xFFFF8000  }
0xc4: {  	_ =	swait.ge [sflag:s8], $0x8000  }
0xc5: {  	[sflag:s8] =	ssyncset.done $0x0  }
0xc6: {  	[sflag:s8] =	ssyncadd.s32 $0xFFFF8000  }
0xc7: {  	[tilespmem:s9], [sflag:$0x2] =	stream.indirect.gather [hbm4b:s3+s7], $0x40, s20, s7, $0xb8;
	[tilespmem:$0x1FE00] =	vst v63  }
0xc8: {  	_ = 	snop  }
0xc9: {  	[spmem:s2] =	stream.indirect.scatter.add.f32 [tilespmem:s10], [sflag:$0x3], $0x40, s21, s7, $0xb8;
	[tilespmem:$0x1FE00] =	vst v63  }
0xca: {  	_ =	swait.ge [sflag:s4], $0x8000  }
0xcb: {  	[sflag:s4] =	ssyncset.done $0x0  }
0xcc: {  	[sflag:s4] =	ssyncadd.s32 $0xFFFF8000  }
0xcd: {  	_ =	swait.ge [sflag:s11], $0x8000  }
0xce: {  	[sflag:s11] =	ssyncset.done $0x0  }
0xcf: {  	s1 =	simm.s32 $0x2400;
	[sflag:s11] =	ssyncadd.s32 $0xFFFF8000  }
0xd0: {  	[tilespmem:s10], [sflag:$0x1] =	stream.indirect.gather [hbm4b:s3+s7], $0x40, s1, s7, $0xb8;
	[tilespmem:$0x1FE00] =	vst v63  }
0xd1: {  	_ = 	snop  }
0xd2: {  	[spmem:s2] =	stream.indirect.scatter.add.f32 [tilespmem:s9], [sflag:$0x3], $0x40, s19, s7, $0xb8;
	[tilespmem:$0x1FE00] =	vst v63  }
0xd3: {  	_ =	swait.ge [sflag:s4], $0x8000  }
0xd4: {  	[sflag:s4] =	ssyncset.done $0x0  }
0xd5: {  	[sflag:s4] =	ssyncadd.s32 $0xFFFF8000  }
0xd6: {  	_ =	swait.ge [sflag:s8], $0x8000  }
0xd7: {  	[sflag:s8] =	ssyncset.done $0x0  }
0xd8: {  	[sflag:s8] =	ssyncadd.s32 $0xFFFF8000  }
0xd9: {  	[tilespmem:s9], [sflag:$0x2] =	stream.indirect.gather [hbm4b:s3+s7], $0x40, s16, s7, $0xb8;
	[tilespmem:$0x1FE00] =	vst v63  }
0xda: {  	_ = 	snop  }
0xdb: {  	[spmem:s2] =	stream.indirect.scatter.add.f32 [tilespmem:s10], [sflag:$0x3], $0x40, s17, s7, $0xb8;
	[tilespmem:$0x1FE00] =	vst v63  }
0xdc: {  	_ =	swait.ge [sflag:s4], $0x8000  }
0xdd: {  	[sflag:s4] =	ssyncset.done $0x0  }
0xde: {  	[sflag:s4] =	ssyncadd.s32 $0xFFFF8000  }
0xdf: {  	_ =	swait.ge [sflag:s11], $0x8000  }
0xe0: {  	[sflag:s11] =	ssyncset.done $0x0  }
0xe1: {  	[sflag:s11] =	ssyncadd.s32 $0xFFFF8000  }
0xe2: {  	[spmem:s2] =	stream.indirect.scatter.add.f32 [tilespmem:s9], [sflag:$0x3], $0x40, s15, s7, $0xb8;
	[tilespmem:$0x1FE00] =	vst v63  }
0xe3: {  	_ =	swait.ge [sflag:s4], $0x8000  }
0xe4: {  	[sflag:s4] =	ssyncset.done $0x0  }
0xe5: {  	p1 =	sne.s32 s12, $0x1;
	[sflag:s4] =	ssyncadd.s32 $0xFFFF8000  }
.Ltmp1:
0xe6: {  	[bflag:$0x0] =	sbarrier.arrive $0xFFFF;
	(pc) =	sbr.rel @!p1 .LBB2_3-.Ltmp1, $4  }
0xe7: {  	s1 =	rddreg [dreg:$0x6]  }
0xe8: {  	[hbm:s1@s13], [sflag:s5] =	dma.strided [spmem:s6@s14], $0x1388, s8, $0x8   }
0xe9: {  	p0 =	por $0x1, $0x1;
	_ =	swait.ge [sflag:s4], $0x1388  }
0xea: {  	s1 =	sadd.s32 $0xFFFFFFFF, s12;
	s0 =	rddreg [dreg:$0x3];
	[sflag:s4] =	ssyncset.done $0x0  }
.LBB2_4:
0xeb: {  	[sflag:s4] =	ssyncadd.s32 $0xFFFFEC78  }
0xec: {  	[tilespmem:s30], [sflag:$0x3] =	stream.linear.gather [hbm4b:s0+s30], $0x2800, $0x38;
	[tilespmem:$0x1FE00] =	vst v63  }
0xed: {  	_ =	swait.ge [sflag:s4], $0x2800  }
0xee: {  	[sflag:s4] =	ssyncset.done $0x0  }
0xef: {  	s12 =	rddreg [dreg:$0x4];
	[sflag:s4] =	ssyncadd.s32 $0xFFFFD800  }
0xf0: {  	[tilespmem:s31], [sflag:$0x3] =	stream.linear.gather [hbm4b:s12+s30], $0x2800, $0x38;
	[tilespmem:$0x1FE00] =	vst v63  }
0xf1: {  	_ =	swait.ge [sflag:s4], $0x2800  }
0xf2: {  	[sflag:s4] =	ssyncset.done $0x0  }
0xf3: {  	s12 =	rddreg [dreg:$0x5];
	[sflag:s4] =	ssyncadd.s32 $0xFFFFD800  }
0xf4: {  	[spmem:s6], [sflag:s5] =	dma.local [hbm:s12], $0x1388  }
0xf5: {  	_ =	swait.ge [sflag:s4], $0x1388  }
0xf6: {  	[sflag:s4] =	ssyncset.done $0x0  }
0xf7: {  	[sflag:s4] =	ssyncadd.s32 $0xFFFFEC78  }
0xf8: {  	[bflag:$0x0] =	sbarrier.arrive $0xFFFF  }
0xf9: {  	[tilespmem:s10], [sflag:$0x1] =	stream.indirect.gather [hbm4b:s3+s7], $0x40, s30, s7, $0xb8;
	[tilespmem:$0x1FE00] =	vst v63  }
0xfa: {  	_ =	swait.ge [sflag:s8], $0x8000  }
0xfb: {  	[sflag:s8] =	ssyncset.done $0x0  }
0xfc: {  	[sflag:s8] =	ssyncadd.s32 $0xFFFF8000  }
0xfd: {  	[tilespmem:s9], [sflag:$0x2] =	stream.indirect.gather [hbm4b:s3+s7], $0x40, s7, s7, $0xb8;
	[tilespmem:$0x1FE00] =	vst v63  }
0xfe: {  	_ = 	snop  }
0xff: {  	[spmem:s2] =	stream.indirect.scatter.add.f32 [tilespmem:s10], [sflag:$0x3], $0x40, s31, s7, $0xb8;
	[tilespmem:$0x1FE00] =	vst v63  }
0x100: {  	_ =	swait.ge [sflag:s4], $0x8000  }
0x101: {  	[sflag:s4] =	ssyncset.done $0x0  }
0x102: {  	[sflag:s4] =	ssyncadd.s32 $0xFFFF8000  }
0x103: {  	_ =	swait.ge [sflag:s11], $0x8000  }
0x104: {  	[sflag:s11] =	ssyncset.done $0x0  }
0x105: {  	s0 =	rddreg [dreg:$0x7];
	[sflag:s11] =	ssyncadd.s32 $0xFFFF8000  }
0x106: {  	[tilespmem:s10], [sflag:$0x1] =	stream.indirect.gather [hbm4b:s3+s7], $0x40, s0, s7, $0xb8;
	[tilespmem:$0x1FE00] =	vst v63  }
0x107: {  	s12 =	rddreg [dreg:$0x8]  }
0x108: {  	[spmem:s2] =	stream.indirect.scatter.add.f32 [tilespmem:s9], [sflag:$0x3], $0x40, s12, s7, $0xb8;
	[tilespmem:$0x1FE00] =	vst v63  }
0x109: {  	_ =	swait.ge [sflag:s4], $0x8000  }
0x10a: {  	[sflag:s4] =	ssyncset.done $0x0  }
0x10b: {  	[sflag:s4] =	ssyncadd.s32 $0xFFFF8000  }
0x10c: {  	_ =	swait.ge [sflag:s8], $0x8000  }
0x10d: {  	[sflag:s8] =	ssyncset.done $0x0  }
0x10e: {  	s0 =	rddreg [dreg:$0x9];
	[sflag:s8] =	ssyncadd.s32 $0xFFFF8000  }
0x10f: {  	[tilespmem:s9], [sflag:$0x2] =	stream.indirect.gather [hbm4b:s3+s7], $0x40, s0, s7, $0xb8;
	[tilespmem:$0x1FE00] =	vst v63  }
0x110: {  	s12 =	rddreg [dreg:$0xa]  }
0x111: {  	[spmem:s2] =	stream.indirect.scatter.add.f32 [tilespmem:s10], [sflag:$0x3], $0x40, s12, s7, $0xb8;
	[tilespmem:$0x1FE00] =	vst v63  }
0x112: {  	_ =	swait.ge [sflag:s4], $0x8000  }
0x113: {  	[sflag:s4] =	ssyncset.done $0x0  }
0x114: {  	[sflag:s4] =	ssyncadd.s32 $0xFFFF8000  }
0x115: {  	_ =	swait.ge [sflag:s11], $0x8000  }
0x116: {  	[sflag:s11] =	ssyncset.done $0x0  }
0x117: {  	s0 =	rddreg [dreg:$0xb];
	[sflag:s11] =	ssyncadd.s32 $0xFFFF8000  }
0x118: {  	[tilespmem:s10], [sflag:$0x1] =	stream.indirect.gather [hbm4b:s3+s7], $0x40, s0, s7, $0xb8;
	[tilespmem:$0x1FE00] =	vst v63  }
0x119: {  	s12 =	rddreg [dreg:$0xc]  }
0x11a: {  	[spmem:s2] =	stream.indirect.scatter.add.f32 [tilespmem:s9], [sflag:$0x3], $0x40, s12, s7, $0xb8;
	[tilespmem:$0x1FE00] =	vst v63  }
0x11b: {  	_ =	swait.ge [sflag:s4], $0x8000  }
0x11c: {  	[sflag:s4] =	ssyncset.done $0x0  }
0x11d: {  	[sflag:s4] =	ssyncadd.s32 $0xFFFF8000  }
0x11e: {  	_ =	swait.ge [sflag:s8], $0x8000  }
0x11f: {  	[sflag:s8] =	ssyncset.done $0x0  }
0x120: {  	s0 =	rddreg [dreg:$0xd];
	[sflag:s8] =	ssyncadd.s32 $0xFFFF8000  }
0x121: {  	[tilespmem:s9], [sflag:$0x2] =	stream.indirect.gather [hbm4b:s3+s7], $0x40, s0, s7, $0xb8;
	[tilespmem:$0x1FE00] =	vst v63  }
0x122: {  	s12 =	rddreg [dreg:$0xe]  }
0x123: {  	[spmem:s2] =	stream.indirect.scatter.add.f32 [tilespmem:s10], [sflag:$0x3], $0x40, s12, s7, $0xb8;
	[tilespmem:$0x1FE00] =	vst v63  }
0x124: {  	_ =	swait.ge [sflag:s4], $0x8000  }
0x125: {  	[sflag:s4] =	ssyncset.done $0x0  }
0x126: {  	[sflag:s4] =	ssyncadd.s32 $0xFFFF8000  }
0x127: {  	_ =	swait.ge [sflag:s11], $0x8000  }
0x128: {  	[sflag:s11] =	ssyncset.done $0x0  }
0x129: {  	s0 =	rddreg [dreg:$0xf];
	[sflag:s11] =	ssyncadd.s32 $0xFFFF8000  }
0x12a: {  	[tilespmem:s10], [sflag:$0x1] =	stream.indirect.gather [hbm4b:s3+s7], $0x40, s0, s7, $0xb8;
	[tilespmem:$0x1FE00] =	vst v63  }
0x12b: {  	s12 =	rddreg [dreg:$0x10]  }
0x12c: {  	[spmem:s2] =	stream.indirect.scatter.add.f32 [tilespmem:s9], [sflag:$0x3], $0x40, s12, s7, $0xb8;
	[tilespmem:$0x1FE00] =	vst v63  }
0x12d: {  	_ =	swait.ge [sflag:s4], $0x8000  }
0x12e: {  	[sflag:s4] =	ssyncset.done $0x0  }
0x12f: {  	[sflag:s4] =	ssyncadd.s32 $0xFFFF8000  }
0x130: {  	_ =	swait.ge [sflag:s8], $0x8000  }
0x131: {  	[sflag:s8] =	ssyncset.done $0x0  }
0x132: {  	s0 =	rddreg [dreg:$0x11];
	[sflag:s8] =	ssyncadd.s32 $0xFFFF8000  }
0x133: {  	[tilespmem:s9], [sflag:$0x2] =	stream.indirect.gather [hbm4b:s3+s7], $0x40, s0, s7, $0xb8;
	[tilespmem:$0x1FE00] =	vst v63  }
0x134: {  	s12 =	rddreg [dreg:$0x12]  }
0x135: {  	[spmem:s2] =	stream.indirect.scatter.add.f32 [tilespmem:s10], [sflag:$0x3], $0x40, s12, s7, $0xb8;
	[tilespmem:$0x1FE00] =	vst v63  }
0x136: {  	_ =	swait.ge [sflag:s4], $0x8000  }
0x137: {  	[sflag:s4] =	ssyncset.done $0x0  }
0x138: {  	[sflag:s4] =	ssyncadd.s32 $0xFFFF8000  }
0x139: {  	_ =	swait.ge [sflag:s11], $0x8000  }
0x13a: {  	[sflag:s11] =	ssyncset.done $0x0  }
0x13b: {  	s0 =	rddreg [dreg:$0x13];
	[sflag:s11] =	ssyncadd.s32 $0xFFFF8000  }
0x13c: {  	[tilespmem:s10], [sflag:$0x1] =	stream.indirect.gather [hbm4b:s3+s7], $0x40, s0, s7, $0xb8;
	[tilespmem:$0x1FE00] =	vst v63  }
0x13d: {  	s12 =	rddreg [dreg:$0x14]  }
0x13e: {  	[spmem:s2] =	stream.indirect.scatter.add.f32 [tilespmem:s9], [sflag:$0x3], $0x40, s12, s7, $0xb8;
	[tilespmem:$0x1FE00] =	vst v63  }
0x13f: {  	_ =	swait.ge [sflag:s4], $0x8000  }
0x140: {  	[sflag:s4] =	ssyncset.done $0x0  }
0x141: {  	[sflag:s4] =	ssyncadd.s32 $0xFFFF8000  }
0x142: {  	_ =	swait.ge [sflag:s8], $0x8000  }
0x143: {  	[sflag:s8] =	ssyncset.done $0x0  }
0x144: {  	s0 =	rddreg [dreg:$0x15];
	[sflag:s8] =	ssyncadd.s32 $0xFFFF8000  }
0x145: {  	[tilespmem:s9], [sflag:$0x2] =	stream.indirect.gather [hbm4b:s3+s7], $0x40, s0, s7, $0xb8;
	[tilespmem:$0x1FE00] =	vst v63  }
0x146: {  	s12 =	rddreg [dreg:$0x16]  }
0x147: {  	[spmem:s2] =	stream.indirect.scatter.add.f32 [tilespmem:s10], [sflag:$0x3], $0x40, s12, s7, $0xb8;
	[tilespmem:$0x1FE00] =	vst v63  }
0x148: {  	_ =	swait.ge [sflag:s4], $0x8000  }
0x149: {  	[sflag:s4] =	ssyncset.done $0x0  }
0x14a: {  	[sflag:s4] =	ssyncadd.s32 $0xFFFF8000  }
0x14b: {  	_ =	swait.ge [sflag:s11], $0x8000  }
0x14c: {  	[sflag:s11] =	ssyncset.done $0x0  }
0x14d: {  	s0 =	rddreg [dreg:$0x17];
	[sflag:s11] =	ssyncadd.s32 $0xFFFF8000  }
0x14e: {  	[tilespmem:s10], [sflag:$0x1] =	stream.indirect.gather [hbm4b:s3+s7], $0x40, s0, s7, $0xb8;
	[tilespmem:$0x1FE00] =	vst v63  }
0x14f: {  	s12 =	rddreg [dreg:$0x18]  }
0x150: {  	[spmem:s2] =	stream.indirect.scatter.add.f32 [tilespmem:s9], [sflag:$0x3], $0x40, s12, s7, $0xb8;
	[tilespmem:$0x1FE00] =	vst v63  }
0x151: {  	_ =	swait.ge [sflag:s4], $0x8000  }
0x152: {  	[sflag:s4] =	ssyncset.done $0x0  }
0x153: {  	[sflag:s4] =	ssyncadd.s32 $0xFFFF8000  }
0x154: {  	_ =	swait.ge [sflag:s8], $0x8000  }
0x155: {  	[sflag:s8] =	ssyncset.done $0x0  }
0x156: {  	s0 =	rddreg [dreg:$0x19];
	[sflag:s8] =	ssyncadd.s32 $0xFFFF8000  }
0x157: {  	[tilespmem:s9], [sflag:$0x2] =	stream.indirect.gather [hbm4b:s3+s7], $0x40, s0, s7, $0xb8;
	[tilespmem:$0x1FE00] =	vst v63  }
0x158: {  	s12 =	rddreg [dreg:$0x1a]  }
0x159: {  	[spmem:s2] =	stream.indirect.scatter.add.f32 [tilespmem:s10], [sflag:$0x3], $0x40, s12, s7, $0xb8;
	[tilespmem:$0x1FE00] =	vst v63  }
0x15a: {  	_ =	swait.ge [sflag:s4], $0x8000  }
0x15b: {  	[sflag:s4] =	ssyncset.done $0x0  }
0x15c: {  	[sflag:s4] =	ssyncadd.s32 $0xFFFF8000  }
0x15d: {  	_ =	swait.ge [sflag:s11], $0x8000  }
0x15e: {  	[sflag:s11] =	ssyncset.done $0x0  }
0x15f: {  	s0 =	rddreg [dreg:$0x1b];
	[sflag:s11] =	ssyncadd.s32 $0xFFFF8000  }
0x160: {  	[tilespmem:s10], [sflag:$0x1] =	stream.indirect.gather [hbm4b:s3+s7], $0x40, s0, s7, $0xb8;
	[tilespmem:$0x1FE00] =	vst v63  }
0x161: {  	s12 =	rddreg [dreg:$0x1c]  }
0x162: {  	[spmem:s2] =	stream.indirect.scatter.add.f32 [tilespmem:s9], [sflag:$0x3], $0x40, s12, s7, $0xb8;
	[tilespmem:$0x1FE00] =	vst v63  }
0x163: {  	_ =	swait.ge [sflag:s4], $0x8000  }
0x164: {  	[sflag:s4] =	ssyncset.done $0x0  }
0x165: {  	[sflag:s4] =	ssyncadd.s32 $0xFFFF8000  }
0x166: {  	_ =	swait.ge [sflag:s8], $0x8000  }
0x167: {  	[sflag:s8] =	ssyncset.done $0x0  }
0x168: {  	[sflag:s8] =	ssyncadd.s32 $0xFFFF8000  }
0x169: {  	[tilespmem:s9], [sflag:$0x2] =	stream.indirect.gather [hbm4b:s3+s7], $0x40, s29, s7, $0xb8;
	[tilespmem:$0x1FE00] =	vst v63  }
0x16a: {  	_ = 	snop  }
0x16b: {  	[spmem:s2] =	stream.indirect.scatter.add.f32 [tilespmem:s10], [sflag:$0x3], $0x40, s18, s7, $0xb8;
	[tilespmem:$0x1FE00] =	vst v63  }
0x16c: {  	_ =	swait.ge [sflag:s4], $0x8000  }
0x16d: {  	[sflag:s4] =	ssyncset.done $0x0  }
0x16e: {  	[sflag:s4] =	ssyncadd.s32 $0xFFFF8000  }
0x16f: {  	_ =	swait.ge [sflag:s11], $0x8000  }
0x170: {  	[sflag:s11] =	ssyncset.done $0x0  }
0x171: {  	[sflag:s11] =	ssyncadd.s32 $0xFFFF8000  }
0x172: {  	[tilespmem:s10], [sflag:$0x1] =	stream.indirect.gather [hbm4b:s3+s7], $0x40, s26, s7, $0xb8;
	[tilespmem:$0x1FE00] =	vst v63  }
0x173: {  	_ = 	snop  }
0x174: {  	[spmem:s2] =	stream.indirect.scatter.add.f32 [tilespmem:s9], [sflag:$0x3], $0x40, s28, s7, $0xb8;
	[tilespmem:$0x1FE00] =	vst v63  }
0x175: {  	_ =	swait.ge [sflag:s4], $0x8000  }
0x176: {  	[sflag:s4] =	ssyncset.done $0x0  }
0x177: {  	[sflag:s4] =	ssyncadd.s32 $0xFFFF8000  }
0x178: {  	_ =	swait.ge [sflag:s8], $0x8000  }
0x179: {  	[sflag:s8] =	ssyncset.done $0x0  }
0x17a: {  	[sflag:s8] =	ssyncadd.s32 $0xFFFF8000  }
0x17b: {  	[tilespmem:s9], [sflag:$0x2] =	stream.indirect.gather [hbm4b:s3+s7], $0x40, s24, s7, $0xb8;
	[tilespmem:$0x1FE00] =	vst v63  }
0x17c: {  	_ = 	snop  }
0x17d: {  	[spmem:s2] =	stream.indirect.scatter.add.f32 [tilespmem:s10], [sflag:$0x3], $0x40, s25, s7, $0xb8;
	[tilespmem:$0x1FE00] =	vst v63  }
0x17e: {  	_ =	swait.ge [sflag:s4], $0x8000  }
0x17f: {  	[sflag:s4] =	ssyncset.done $0x0  }
0x180: {  	[sflag:s4] =	ssyncadd.s32 $0xFFFF8000  }
0x181: {  	_ =	swait.ge [sflag:s11], $0x8000  }
0x182: {  	[sflag:s11] =	ssyncset.done $0x0  }
0x183: {  	[sflag:s11] =	ssyncadd.s32 $0xFFFF8000  }
0x184: {  	[tilespmem:s10], [sflag:$0x1] =	stream.indirect.gather [hbm4b:s3+s7], $0x40, s22, s7, $0xb8;
	[tilespmem:$0x1FE00] =	vst v63  }
0x185: {  	_ = 	snop  }
0x186: {  	[spmem:s2] =	stream.indirect.scatter.add.f32 [tilespmem:s9], [sflag:$0x3], $0x40, s23, s7, $0xb8;
	[tilespmem:$0x1FE00] =	vst v63  }
0x187: {  	_ =	swait.ge [sflag:s4], $0x8000  }
0x188: {  	[sflag:s4] =	ssyncset.done $0x0  }
0x189: {  	[sflag:s4] =	ssyncadd.s32 $0xFFFF8000  }
0x18a: {  	_ =	swait.ge [sflag:s8], $0x8000  }
0x18b: {  	[sflag:s8] =	ssyncset.done $0x0  }
0x18c: {  	[sflag:s8] =	ssyncadd.s32 $0xFFFF8000  }
0x18d: {  	[tilespmem:s9], [sflag:$0x2] =	stream.indirect.gather [hbm4b:s3+s7], $0x40, s20, s7, $0xb8;
	[tilespmem:$0x1FE00] =	vst v63  }
0x18e: {  	_ = 	snop  }
0x18f: {  	[spmem:s2] =	stream.indirect.scatter.add.f32 [tilespmem:s10], [sflag:$0x3], $0x40, s21, s7, $0xb8;
	[tilespmem:$0x1FE00] =	vst v63  }
0x190: {  	_ =	swait.ge [sflag:s4], $0x8000  }
0x191: {  	[sflag:s4] =	ssyncset.done $0x0  }
0x192: {  	[sflag:s4] =	ssyncadd.s32 $0xFFFF8000  }
0x193: {  	_ =	swait.ge [sflag:s11], $0x8000  }
0x194: {  	[sflag:s11] =	ssyncset.done $0x0  }
0x195: {  	s12 =	simm.s32 $0x2400;
	[sflag:s11] =	ssyncadd.s32 $0xFFFF8000  }
0x196: {  	[tilespmem:s10], [sflag:$0x1] =	stream.indirect.gather [hbm4b:s3+s7], $0x40, s12, s7, $0xb8;
	[tilespmem:$0x1FE00] =	vst v63  }
0x197: {  	_ = 	snop  }
0x198: {  	[spmem:s2] =	stream.indirect.scatter.add.f32 [tilespmem:s9], [sflag:$0x3], $0x40, s19, s7, $0xb8;
	[tilespmem:$0x1FE00] =	vst v63  }
0x199: {  	_ =	swait.ge [sflag:s4], $0x8000  }
0x19a: {  	[sflag:s4] =	ssyncset.done $0x0  }
0x19b: {  	[sflag:s4] =	ssyncadd.s32 $0xFFFF8000  }
0x19c: {  	_ =	swait.ge [sflag:s8], $0x8000  }
0x19d: {  	[sflag:s8] =	ssyncset.done $0x0  }
0x19e: {  	[sflag:s8] =	ssyncadd.s32 $0xFFFF8000  }
0x19f: {  	[tilespmem:s9], [sflag:$0x2] =	stream.indirect.gather [hbm4b:s3+s7], $0x40, s16, s7, $0xb8;
	[tilespmem:$0x1FE00] =	vst v63  }
0x1a0: {  	_ = 	snop  }
0x1a1: {  	[spmem:s2] =	stream.indirect.scatter.add.f32 [tilespmem:s10], [sflag:$0x3], $0x40, s17, s7, $0xb8;
	[tilespmem:$0x1FE00] =	vst v63  }
0x1a2: {  	_ =	swait.ge [sflag:s4], $0x8000  }
0x1a3: {  	[sflag:s4] =	ssyncset.done $0x0  }
0x1a4: {  	[sflag:s4] =	ssyncadd.s32 $0xFFFF8000  }
0x1a5: {  	_ =	swait.ge [sflag:s11], $0x8000  }
0x1a6: {  	[sflag:s11] =	ssyncset.done $0x0  }
0x1a7: {  	[sflag:s11] =	ssyncadd.s32 $0xFFFF8000  }
0x1a8: {  	[spmem:s2] =	stream.indirect.scatter.add.f32 [tilespmem:s9], [sflag:$0x3], $0x40, s15, s7, $0xb8;
	[tilespmem:$0x1FE00] =	vst v63  }
0x1a9: {  	_ =	swait.ge [sflag:s4], $0x8000  }
0x1aa: {  	[sflag:s4] =	ssyncset.done $0x0  }
0x1ab: {  	p1 =	sne.s32 s1, $0x1;
	[sflag:s4] =	ssyncadd.s32 $0xFFFF8000  }
.Ltmp2:
0x1ac: {  	[bflag:$0x0] =	sbarrier.arrive $0xFFFF;
	(pc) =	sbr.rel @p1 .LBB2_4-.Ltmp2, $4  }
0x1ad: {  	s12 =	rddreg [dreg:$0x6]  }
0x1ae: {  	[hbm:s12@s13], [sflag:s5] =	dma.strided [spmem:s6@s14], $0x1388, s8, $0x8   }
0x1af: {  	_ =	swait.ge [sflag:s4], $0x1388  }
0x1b0: {  	s1 =	sadd.s32 $0xFFFFFFFF, s1;
	s0 =	rddreg [dreg:$0x3];
	[sflag:s4] =	ssyncset.done $0x0  }
0x1b1: {  	s14 =	simm.s32 $0x4000;
	s29 =	simm.s32 $0x1A00  }
0x1b2: {  	s28 =	simm.s32 $0x4200;
	s26 =	simm.s32 $0x1C00;
	s25 =	simm.s32 $0x4400  }
0x1b3: {  	s24 =	simm.s32 $0x1E00;
	s23 =	simm.s32 $0x4600;
	s22 =	simm.s32 $0x2000  }
0x1b4: {  	s21 =	simm.s32 $0x4800;
	s20 =	simm.s32 $0x2200;
	s19 =	simm.s32 $0x4A00  }
0x1b5: {  	s18 =	simm.s32 $0x2400;
	s17 =	simm.s32 $0x4C00;
	s16 =	simm.s32 $0x2600  }
0x1b6: {  	s15 =	simm.s32 $0x4E00;
	s13 =	simm.s32 $0x10;
	s12 =	stileid.u32  }
.LBB2_6:
0x1b7: {  	[sflag:s4] =	ssyncadd.s32 @p0 $0xFFFFEC78  }
0x1b8: {  	[tilespmem:s30], [sflag:$0x3] =	stream.linear.gather [hbm4b:s0+s30], $0x2800, $0x38;
	[tilespmem:$0x1FE00] =	vst v63  }
0x1b9: {  	_ =	swait.ge [sflag:s4], $0x2800  }
0x1ba: {  	[sflag:s4] =	ssyncset.done $0x0  }
0x1bb: {  	s1 =	rddreg [dreg:$0x4];
	[sflag:s4] =	ssyncadd.s32 $0xFFFFD800  }
0x1bc: {  	[tilespmem:s31], [sflag:$0x3] =	stream.linear.gather [hbm4b:s1+s30], $0x2800, $0x38;
	[tilespmem:$0x1FE00] =	vst v63  }
0x1bd: {  	_ =	swait.ge [sflag:s4], $0x2800  }
0x1be: {  	[sflag:s4] =	ssyncset.done $0x0  }
0x1bf: {  	s1 =	rddreg [dreg:$0x5];
	[sflag:s4] =	ssyncadd.s32 $0xFFFFD800  }
0x1c0: {  	[spmem:s6], [sflag:s5] =	dma.local [hbm:s1], $0x1388  }
0x1c1: {  	_ =	swait.ge [sflag:s4], $0x1388  }
0x1c2: {  	[sflag:s4] =	ssyncset.done $0x0  }
0x1c3: {  	[sflag:s4] =	ssyncadd.s32 $0xFFFFEC78  }
0x1c4: {  	[bflag:$0x0] =	sbarrier.arrive $0xFFFF  }
0x1c5: {  	[tilespmem:s10], [sflag:$0x1] =	stream.indirect.gather [hbm4b:s3+s7], $0x40, s30, s7, $0xb8;
	[tilespmem:$0x1FE00] =	vst v63  }
0x1c6: {  	_ =	swait.ge [sflag:s8], $0x8000  }
0x1c7: {  	[sflag:s8] =	ssyncset.done $0x0  }
0x1c8: {  	[sflag:s8] =	ssyncadd.s32 $0xFFFF8000  }
0x1c9: {  	[tilespmem:s9], [sflag:$0x2] =	stream.indirect.gather [hbm4b:s3+s7], $0x40, s7, s7, $0xb8;
	[tilespmem:$0x1FE00] =	vst v63  }
0x1ca: {  	_ = 	snop  }
0x1cb: {  	[spmem:s2] =	stream.indirect.scatter.add.f32 [tilespmem:s10], [sflag:$0x3], $0x40, s31, s7, $0xb8;
	[tilespmem:$0x1FE00] =	vst v63  }
0x1cc: {  	_ =	swait.ge [sflag:s4], $0x8000  }
0x1cd: {  	[sflag:s4] =	ssyncset.done $0x0  }
0x1ce: {  	[sflag:s4] =	ssyncadd.s32 $0xFFFF8000  }
0x1cf: {  	_ =	swait.ge [sflag:s11], $0x8000  }
0x1d0: {  	[sflag:s11] =	ssyncset.done $0x0  }
0x1d1: {  	s31 =	rddreg [dreg:$0x7];
	[sflag:s11] =	ssyncadd.s32 $0xFFFF8000  }
0x1d2: {  	[tilespmem:s10], [sflag:$0x1] =	stream.indirect.gather [hbm4b:s3+s7], $0x40, s31, s7, $0xb8;
	[tilespmem:$0x1FE00] =	vst v63  }
0x1d3: {  	s1 =	rddreg [dreg:$0x8]  }
0x1d4: {  	[spmem:s2] =	stream.indirect.scatter.add.f32 [tilespmem:s9], [sflag:$0x3], $0x40, s1, s7, $0xb8;
	[tilespmem:$0x1FE00] =	vst v63  }
0x1d5: {  	_ =	swait.ge [sflag:s4], $0x8000  }
0x1d6: {  	[sflag:s4] =	ssyncset.done $0x0  }
0x1d7: {  	[sflag:s4] =	ssyncadd.s32 $0xFFFF8000  }
0x1d8: {  	_ =	swait.ge [sflag:s8], $0x8000  }
0x1d9: {  	[sflag:s8] =	ssyncset.done $0x0  }
0x1da: {  	s30 =	rddreg [dreg:$0x9];
	[sflag:s8] =	ssyncadd.s32 $0xFFFF8000  }
0x1db: {  	[tilespmem:s9], [sflag:$0x2] =	stream.indirect.gather [hbm4b:s3+s7], $0x40, s30, s7, $0xb8;
	[tilespmem:$0x1FE00] =	vst v63  }
0x1dc: {  	s31 =	rddreg [dreg:$0xa]  }
0x1dd: {  	[spmem:s2] =	stream.indirect.scatter.add.f32 [tilespmem:s10], [sflag:$0x3], $0x40, s31, s7, $0xb8;
	[tilespmem:$0x1FE00] =	vst v63  }
0x1de: {  	_ =	swait.ge [sflag:s4], $0x8000  }
0x1df: {  	[sflag:s4] =	ssyncset.done $0x0  }
0x1e0: {  	[sflag:s4] =	ssyncadd.s32 $0xFFFF8000  }
0x1e1: {  	_ =	swait.ge [sflag:s11], $0x8000  }
0x1e2: {  	[sflag:s11] =	ssyncset.done $0x0  }
0x1e3: {  	s30 =	rddreg [dreg:$0xb];
	[sflag:s11] =	ssyncadd.s32 $0xFFFF8000  }
0x1e4: {  	[tilespmem:s10], [sflag:$0x1] =	stream.indirect.gather [hbm4b:s3+s7], $0x40, s30, s7, $0xb8;
	[tilespmem:$0x1FE00] =	vst v63  }
0x1e5: {  	s31 =	rddreg [dreg:$0xc]  }
0x1e6: {  	[spmem:s2] =	stream.indirect.scatter.add.f32 [tilespmem:s9], [sflag:$0x3], $0x40, s31, s7, $0xb8;
	[tilespmem:$0x1FE00] =	vst v63  }
0x1e7: {  	_ =	swait.ge [sflag:s4], $0x8000  }
0x1e8: {  	[sflag:s4] =	ssyncset.done $0x0  }
0x1e9: {  	[sflag:s4] =	ssyncadd.s32 $0xFFFF8000  }
0x1ea: {  	_ =	swait.ge [sflag:s8], $0x8000  }
0x1eb: {  	[sflag:s8] =	ssyncset.done $0x0  }
0x1ec: {  	s30 =	rddreg [dreg:$0xd];
	[sflag:s8] =	ssyncadd.s32 $0xFFFF8000  }
0x1ed: {  	[tilespmem:s9], [sflag:$0x2] =	stream.indirect.gather [hbm4b:s3+s7], $0x40, s30, s7, $0xb8;
	[tilespmem:$0x1FE00] =	vst v63  }
0x1ee: {  	s31 =	rddreg [dreg:$0xe]  }
0x1ef: {  	[spmem:s2] =	stream.indirect.scatter.add.f32 [tilespmem:s10], [sflag:$0x3], $0x40, s31, s7, $0xb8;
	[tilespmem:$0x1FE00] =	vst v63  }
0x1f0: {  	_ =	swait.ge [sflag:s4], $0x8000  }
0x1f1: {  	[sflag:s4] =	ssyncset.done $0x0  }
0x1f2: {  	[sflag:s4] =	ssyncadd.s32 $0xFFFF8000  }
0x1f3: {  	_ =	swait.ge [sflag:s11], $0x8000  }
0x1f4: {  	[sflag:s11] =	ssyncset.done $0x0  }
0x1f5: {  	s30 =	rddreg [dreg:$0xf];
	[sflag:s11] =	ssyncadd.s32 $0xFFFF8000  }
0x1f6: {  	[tilespmem:s10], [sflag:$0x1] =	stream.indirect.gather [hbm4b:s3+s7], $0x40, s30, s7, $0xb8;
	[tilespmem:$0x1FE00] =	vst v63  }
0x1f7: {  	s31 =	rddreg [dreg:$0x10]  }
0x1f8: {  	[spmem:s2] =	stream.indirect.scatter.add.f32 [tilespmem:s9], [sflag:$0x3], $0x40, s31, s7, $0xb8;
	[tilespmem:$0x1FE00] =	vst v63  }
0x1f9: {  	_ =	swait.ge [sflag:s4], $0x8000  }
0x1fa: {  	[sflag:s4] =	ssyncset.done $0x0  }
0x1fb: {  	[sflag:s4] =	ssyncadd.s32 $0xFFFF8000  }
0x1fc: {  	_ =	swait.ge [sflag:s8], $0x8000  }
0x1fd: {  	[sflag:s8] =	ssyncset.done $0x0  }
0x1fe: {  	s30 =	rddreg [dreg:$0x11];
	[sflag:s8] =	ssyncadd.s32 $0xFFFF8000  }
0x1ff: {  	[tilespmem:s9], [sflag:$0x2] =	stream.indirect.gather [hbm4b:s3+s7], $0x40, s30, s7, $0xb8;
	[tilespmem:$0x1FE00] =	vst v63  }
0x200: {  	s31 =	rddreg [dreg:$0x12]  }
0x201: {  	[spmem:s2] =	stream.indirect.scatter.add.f32 [tilespmem:s10], [sflag:$0x3], $0x40, s31, s7, $0xb8;
	[tilespmem:$0x1FE00] =	vst v63  }
0x202: {  	_ =	swait.ge [sflag:s4], $0x8000  }
0x203: {  	[sflag:s4] =	ssyncset.done $0x0  }
0x204: {  	[sflag:s4] =	ssyncadd.s32 $0xFFFF8000  }
0x205: {  	_ =	swait.ge [sflag:s11], $0x8000  }
0x206: {  	[sflag:s11] =	ssyncset.done $0x0  }
0x207: {  	s30 =	rddreg [dreg:$0x13];
	[sflag:s11] =	ssyncadd.s32 $0xFFFF8000  }
0x208: {  	[tilespmem:s10], [sflag:$0x1] =	stream.indirect.gather [hbm4b:s3+s7], $0x40, s30, s7, $0xb8;
	[tilespmem:$0x1FE00] =	vst v63  }
0x209: {  	s31 =	rddreg [dreg:$0x14]  }
0x20a: {  	[spmem:s2] =	stream.indirect.scatter.add.f32 [tilespmem:s9], [sflag:$0x3], $0x40, s31, s7, $0xb8;
	[tilespmem:$0x1FE00] =	vst v63  }
0x20b: {  	_ =	swait.ge [sflag:s4], $0x8000  }
0x20c: {  	[sflag:s4] =	ssyncset.done $0x0  }
0x20d: {  	[sflag:s4] =	ssyncadd.s32 $0xFFFF8000  }
0x20e: {  	_ =	swait.ge [sflag:s8], $0x8000  }
0x20f: {  	[sflag:s8] =	ssyncset.done $0x0  }
0x210: {  	s30 =	rddreg [dreg:$0x15];
	[sflag:s8] =	ssyncadd.s32 $0xFFFF8000  }
0x211: {  	[tilespmem:s9], [sflag:$0x2] =	stream.indirect.gather [hbm4b:s3+s7], $0x40, s30, s7, $0xb8;
	[tilespmem:$0x1FE00] =	vst v63  }
0x212: {  	s31 =	rddreg [dreg:$0x16]  }
0x213: {  	[spmem:s2] =	stream.indirect.scatter.add.f32 [tilespmem:s10], [sflag:$0x3], $0x40, s31, s7, $0xb8;
	[tilespmem:$0x1FE00] =	vst v63  }
0x214: {  	_ =	swait.ge [sflag:s4], $0x8000  }
0x215: {  	[sflag:s4] =	ssyncset.done $0x0  }
0x216: {  	[sflag:s4] =	ssyncadd.s32 $0xFFFF8000  }
0x217: {  	_ =	swait.ge [sflag:s11], $0x8000  }
0x218: {  	[sflag:s11] =	ssyncset.done $0x0  }
0x219: {  	s30 =	rddreg [dreg:$0x17];
	[sflag:s11] =	ssyncadd.s32 $0xFFFF8000  }
0x21a: {  	[tilespmem:s10], [sflag:$0x1] =	stream.indirect.gather [hbm4b:s3+s7], $0x40, s30, s7, $0xb8;
	[tilespmem:$0x1FE00] =	vst v63  }
0x21b: {  	s31 =	rddreg [dreg:$0x18]  }
0x21c: {  	[spmem:s2] =	stream.indirect.scatter.add.f32 [tilespmem:s9], [sflag:$0x3], $0x40, s31, s7, $0xb8;
	[tilespmem:$0x1FE00] =	vst v63  }
0x21d: {  	_ =	swait.ge [sflag:s4], $0x8000  }
0x21e: {  	[sflag:s4] =	ssyncset.done $0x0  }
0x21f: {  	[sflag:s4] =	ssyncadd.s32 $0xFFFF8000  }
0x220: {  	_ =	swait.ge [sflag:s8], $0x8000  }
0x221: {  	[sflag:s8] =	ssyncset.done $0x0  }
0x222: {  	s30 =	rddreg [dreg:$0x19];
	[sflag:s8] =	ssyncadd.s32 $0xFFFF8000  }
0x223: {  	[tilespmem:s9], [sflag:$0x2] =	stream.indirect.gather [hbm4b:s3+s7], $0x40, s30, s7, $0xb8;
	[tilespmem:$0x1FE00] =	vst v63  }
0x224: {  	s31 =	rddreg [dreg:$0x1a]  }
0x225: {  	[spmem:s2] =	stream.indirect.scatter.add.f32 [tilespmem:s10], [sflag:$0x3], $0x40, s31, s7, $0xb8;
	[tilespmem:$0x1FE00] =	vst v63  }
0x226: {  	_ =	swait.ge [sflag:s4], $0x8000  }
0x227: {  	[sflag:s4] =	ssyncset.done $0x0  }
0x228: {  	[sflag:s4] =	ssyncadd.s32 $0xFFFF8000  }
0x229: {  	_ =	swait.ge [sflag:s11], $0x8000  }
0x22a: {  	[sflag:s11] =	ssyncset.done $0x0  }
0x22b: {  	s30 =	rddreg [dreg:$0x1b];
	[sflag:s11] =	ssyncadd.s32 $0xFFFF8000  }
0x22c: {  	[tilespmem:s10], [sflag:$0x1] =	stream.indirect.gather [hbm4b:s3+s7], $0x40, s30, s7, $0xb8;
	[tilespmem:$0x1FE00] =	vst v63  }
0x22d: {  	s31 =	rddreg [dreg:$0x1c]  }
0x22e: {  	[spmem:s2] =	stream.indirect.scatter.add.f32 [tilespmem:s9], [sflag:$0x3], $0x40, s31, s7, $0xb8;
	[tilespmem:$0x1FE00] =	vst v63  }
0x22f: {  	_ =	swait.ge [sflag:s4], $0x8000  }
0x230: {  	[sflag:s4] =	ssyncset.done $0x0  }
0x231: {  	[sflag:s4] =	ssyncadd.s32 $0xFFFF8000  }
0x232: {  	_ =	swait.ge [sflag:s8], $0x8000  }
0x233: {  	[sflag:s8] =	ssyncset.done $0x0  }
0x234: {  	[sflag:s8] =	ssyncadd.s32 $0xFFFF8000  }
0x235: {  	[tilespmem:s9], [sflag:$0x2] =	stream.indirect.gather [hbm4b:s3+s7], $0x40, s29, s7, $0xb8;
	[tilespmem:$0x1FE00] =	vst v63  }
0x236: {  	_ = 	snop  }
0x237: {  	[spmem:s2] =	stream.indirect.scatter.add.f32 [tilespmem:s10], [sflag:$0x3], $0x40, s14, s7, $0xb8;
	[tilespmem:$0x1FE00] =	vst v63  }
0x238: {  	_ =	swait.ge [sflag:s4], $0x8000  }
0x239: {  	[sflag:s4] =	ssyncset.done $0x0  }
0x23a: {  	[sflag:s4] =	ssyncadd.s32 $0xFFFF8000  }
0x23b: {  	_ =	swait.ge [sflag:s11], $0x8000  }
0x23c: {  	[sflag:s11] =	ssyncset.done $0x0  }
0x23d: {  	[sflag:s11] =	ssyncadd.s32 $0xFFFF8000  }
0x23e: {  	[tilespmem:s10], [sflag:$0x1] =	stream.indirect.gather [hbm4b:s3+s7], $0x40, s26, s7, $0xb8;
	[tilespmem:$0x1FE00] =	vst v63  }
0x23f: {  	_ = 	snop  }
0x240: {  	[spmem:s2] =	stream.indirect.scatter.add.f32 [tilespmem:s9], [sflag:$0x3], $0x40, s28, s7, $0xb8;
	[tilespmem:$0x1FE00] =	vst v63  }
0x241: {  	_ =	swait.ge [sflag:s4], $0x8000  }
0x242: {  	[sflag:s4] =	ssyncset.done $0x0  }
0x243: {  	[sflag:s4] =	ssyncadd.s32 $0xFFFF8000  }
0x244: {  	_ =	swait.ge [sflag:s8], $0x8000  }
0x245: {  	[sflag:s8] =	ssyncset.done $0x0  }
0x246: {  	[sflag:s8] =	ssyncadd.s32 $0xFFFF8000  }
0x247: {  	[tilespmem:s9], [sflag:$0x2] =	stream.indirect.gather [hbm4b:s3+s7], $0x40, s24, s7, $0xb8;
	[tilespmem:$0x1FE00] =	vst v63  }
0x248: {  	_ = 	snop  }
0x249: {  	[spmem:s2] =	stream.indirect.scatter.add.f32 [tilespmem:s10], [sflag:$0x3], $0x40, s25, s7, $0xb8;
	[tilespmem:$0x1FE00] =	vst v63  }
0x24a: {  	_ =	swait.ge [sflag:s4], $0x8000  }
0x24b: {  	[sflag:s4] =	ssyncset.done $0x0  }
0x24c: {  	[sflag:s4] =	ssyncadd.s32 $0xFFFF8000  }
0x24d: {  	_ =	swait.ge [sflag:s11], $0x8000  }
0x24e: {  	[sflag:s11] =	ssyncset.done $0x0  }
0x24f: {  	[sflag:s11] =	ssyncadd.s32 $0xFFFF8000  }
0x250: {  	[tilespmem:s10], [sflag:$0x1] =	stream.indirect.gather [hbm4b:s3+s7], $0x40, s22, s7, $0xb8;
	[tilespmem:$0x1FE00] =	vst v63  }
0x251: {  	_ = 	snop  }
0x252: {  	[spmem:s2] =	stream.indirect.scatter.add.f32 [tilespmem:s9], [sflag:$0x3], $0x40, s23, s7, $0xb8;
	[tilespmem:$0x1FE00] =	vst v63  }
0x253: {  	_ =	swait.ge [sflag:s4], $0x8000  }
0x254: {  	[sflag:s4] =	ssyncset.done $0x0  }
0x255: {  	[sflag:s4] =	ssyncadd.s32 $0xFFFF8000  }
0x256: {  	_ =	swait.ge [sflag:s8], $0x8000  }
0x257: {  	[sflag:s8] =	ssyncset.done $0x0  }
0x258: {  	[sflag:s8] =	ssyncadd.s32 $0xFFFF8000  }
0x259: {  	[tilespmem:s9], [sflag:$0x2] =	stream.indirect.gather [hbm4b:s3+s7], $0x40, s20, s7, $0xb8;
	[tilespmem:$0x1FE00] =	vst v63  }
0x25a: {  	_ = 	snop  }
0x25b: {  	[spmem:s2] =	stream.indirect.scatter.add.f32 [tilespmem:s10], [sflag:$0x3], $0x40, s21, s7, $0xb8;
	[tilespmem:$0x1FE00] =	vst v63  }
0x25c: {  	_ =	swait.ge [sflag:s4], $0x8000  }
0x25d: {  	[sflag:s4] =	ssyncset.done $0x0  }
0x25e: {  	[sflag:s4] =	ssyncadd.s32 $0xFFFF8000  }
0x25f: {  	_ =	swait.ge [sflag:s11], $0x8000  }
0x260: {  	[sflag:s11] =	ssyncset.done $0x0  }
0x261: {  	[sflag:s11] =	ssyncadd.s32 $0xFFFF8000  }
0x262: {  	[tilespmem:s10], [sflag:$0x1] =	stream.indirect.gather [hbm4b:s3+s7], $0x40, s18, s7, $0xb8;
	[tilespmem:$0x1FE00] =	vst v63  }
0x263: {  	_ = 	snop  }
0x264: {  	[spmem:s2] =	stream.indirect.scatter.add.f32 [tilespmem:s9], [sflag:$0x3], $0x40, s19, s7, $0xb8;
	[tilespmem:$0x1FE00] =	vst v63  }
0x265: {  	_ =	swait.ge [sflag:s4], $0x8000  }
0x266: {  	[sflag:s4] =	ssyncset.done $0x0  }
0x267: {  	[sflag:s4] =	ssyncadd.s32 $0xFFFF8000  }
0x268: {  	_ =	swait.ge [sflag:s8], $0x8000  }
0x269: {  	[sflag:s8] =	ssyncset.done $0x0  }
0x26a: {  	[sflag:s8] =	ssyncadd.s32 $0xFFFF8000  }
0x26b: {  	[tilespmem:s9], [sflag:$0x2] =	stream.indirect.gather [hbm4b:s3+s7], $0x40, s16, s7, $0xb8;
	[tilespmem:$0x1FE00] =	vst v63  }
0x26c: {  	_ = 	snop  }
0x26d: {  	[spmem:s2] =	stream.indirect.scatter.add.f32 [tilespmem:s10], [sflag:$0x3], $0x40, s17, s7, $0xb8;
	[tilespmem:$0x1FE00] =	vst v63  }
0x26e: {  	_ =	swait.ge [sflag:s4], $0x8000  }
0x26f: {  	[sflag:s4] =	ssyncset.done $0x0  }
0x270: {  	[sflag:s4] =	ssyncadd.s32 $0xFFFF8000  }
0x271: {  	_ =	swait.ge [sflag:s11], $0x8000  }
0x272: {  	[sflag:s11] =	ssyncset.done $0x0  }
0x273: {  	[sflag:s11] =	ssyncadd.s32 $0xFFFF8000  }
0x274: {  	[spmem:s2] =	stream.indirect.scatter.add.f32 [tilespmem:s9], [sflag:$0x3], $0x40, s15, s7, $0xb8;
	[tilespmem:$0x1FE00] =	vst v63  }
0x275: {  	_ =	swait.ge [sflag:s4], $0x8000  }
0x276: {  	[sflag:s4] =	ssyncset.done $0x0  }
0x277: {  	[sflag:s4] =	ssyncadd.s32 $0xFFFF8000  }
0x278: {  	[bflag:$0x0] =	sbarrier.arrive $0xFFFF  }
0x279: {  	s31 =	simm.s32 $0x8;
	s30 =	rddreg [dreg:$0x6]  }
0x27a: {  	[hbm:s30@s13], [sflag:s5] =	dma.strided [spmem:s6@s31], $0x1388, s8, $0x8   }
0x27b: {  	_ =	swait.ge [sflag:s4], $0x1388  }
0x27c: {  	[sflag:s4] =	ssyncset.done $0x0  }
0x27d: {  	[sflag:s4] =	ssyncadd.s32 $0xFFFFEC78  }
0x27e: {  	_ =	sfence.sel $0x180000  }
0x27f: {  	[bflag:$0x0] =	sbarrier.arrive $0xFFFF  }
0x280: {  	_ =	strace $0x9000004A  }
0x281: {  	[bflag:$0x2] =	sbarrier.arrive $0xFFFF  }
0x282: {  	p0 =	sne.s32 s12, $0x0;
	s0 =	rddreg [dreg:$0x2]  }
0x283: {  	s0 =	sadd.s32 @!p0 $0x100000, s0  }
0x284: {  	[sflag:s0] =	ssyncadd.tile.s32 @!p0 $0x1;
	_ =	shalt  }
.LBB2_1:
0x285: {  	s14 =	simm.s32 $0x4000;
	s29 =	simm.s32 $0x1A00  }
.Ltmp3:
0x286: {  	s28 =	simm.s32 $0x4200;
	s26 =	simm.s32 $0x1C00;
	(pc) =	sbr.rel .LBB2_6-.Ltmp3, $4  }
0x287: {  	s25 =	simm.s32 $0x4400;
	s24 =	simm.s32 $0x1E00;
	s23 =	simm.s32 $0x4600  }
0x288: {  	s22 =	simm.s32 $0x2000;
	s21 =	simm.s32 $0x4800;
	s20 =	simm.s32 $0x2200  }
0x289: {  	s19 =	simm.s32 $0x4A00;
	s18 =	simm.s32 $0x2400;
	s17 =	simm.s32 $0x4C00  }
0x28a: {  	s16 =	simm.s32 $0x2600;
	s15 =	simm.s32 $0x4E00;
	s13 =	simm.s32 $0x10  }
.LBB2_3:
0x28b: {  	s14 =	simm.s32 $0x4000;
	s29 =	simm.s32 $0x1A00;
	s28 =	simm.s32 $0x4200  }
.Ltmp4:
0x28c: {  	s26 =	simm.s32 $0x1C00;
	s25 =	simm.s32 $0x4400;
	(pc) =	sbr.rel .LBB2_6-.Ltmp4, $4  }
0x28d: {  	s24 =	simm.s32 $0x1E00;
	s23 =	simm.s32 $0x4600;
	s22 =	simm.s32 $0x2000  }
0x28e: {  	s21 =	simm.s32 $0x4800;
	s20 =	simm.s32 $0x2200;
	s19 =	simm.s32 $0x4A00  }
0x28f: {  	s18 =	simm.s32 $0x2400;
	s17 =	simm.s32 $0x4C00;
	s16 =	simm.s32 $0x2600  }
0x290: {  	s15 =	simm.s32 $0x4E00;
	s13 =	simm.s32 $0x10;
	s12 =	stileid.u32  }
.Lfunc_end2:
_tile_overlayer_lowered:
.L_overlay_start_2:
0x291: {  	(tag) =	ssettag $0x2  }
0x292: {  	s0 =	rddreg [dreg:$0x0];
	s2 =	stileid.u32  }
0x293: {  	s1 =	rddreg [dreg:$0x1];
	p0 =	sne.s32 s2, $0x0  }
0x294: {  	s3 =	rddreg [dreg:$0x2];
	[bflag:$0x3] =	sbarrier.arrive $0xFFFF;
	s2 =	simm.s32 @!p0 $0x1C03  }
0x295: {  	[timem:s3], [sflag:s2] =	dma.local @!p0 [hbm:s0], s1  }
0x296: {  	s0 =	simm.s32 @!p0 $0x3  }
0x297: {  	_ =	swait.ge @!p0 [sflag:s0], s1  }
0x298: {  	s1 =	ssub.s32 @!p0 $0x0, s1;
	[sflag:s0] =	ssyncset.done @!p0 $0x0  }
0x299: {  	[sflag:s0] =	ssyncadd.s32 @!p0 s1  }
0x29a: {  	[bflag:$0x3] =	sbarrier.arrive $0xFFFF  }
0x29b: {  	_ =	shalt  }

// kernel: kernel.14.cloned.1.call-start
scs
__scs_entry_jumppad:
0x0: {  	(pc) =	sbr.rel $0x88, $3  }
0x1: {  	(tag) =	ssettag $0x0;
	lr =	simm.s32 $0x1  }
0x2: {  	[smem:$0x3F92] =	sst lr;
	_ =	strace $0xD0000000  }
0x3: {  	_ = 	snop  }
0x4: {  	_ = 	snop  }
0x5: {  	_ = 	snop  }
0x6: {  	_ = 	snop  }
0x7: {  	_ = 	snop  }
__scs_overlays_trampoline_lowered:
0x8: {  	[smem:$0x3FA1] =	sst s0  }
0x9: {  	[smem:$0x3FA2] =	sst s1  }
0xa: {  	[smem:$0x3FA3] =	sst s2  }
0xb: {  	[smem:$0x3FA4] =	sst s3  }
0xc: {  	[smem:$0x3FA5] =	sst s4  }
0xd: {  	[smem:$0x3FA6] =	sst s5  }
0xe: {  	[smem:$0x3FA7] =	sst s6  }
0xf: {  	[smem:$0x3FA8] =	sst s7  }
0x10: {  	[smem:$0x3FA9] =	sst s8  }
0x11: {  	[smem:$0x3FAA] =	sst s9;
	s0 =	simm.s32 @!p0 $0x0  }
0x12: {  	s1 =	sld [smem:$0x3F90];
	s0 =	simm.s32 @p0 $0x1  }
0x13: {  	[smem:$0x3FAB] =	sst s0;
	s0 =	simm.s32 @!p1 $0x0  }
0x14: {  	s2 =	sld [smem:$0x3F8F];
	s0 =	simm.s32 @p1 $0x1  }
0x15: {  	[smem:$0x3FAC] =	sst s0;
	s0 =	simm.s32 @!p2 $0x0  }
0x16: {  	s3 =	sld [smem:$0x3FDB];
	s0 =	simm.s32 @p2 $0x1  }
0x17: {  	s4 =	simm.s32 $0x1BF5;
	[smem:$0x3FAE] =	sst s0  }
0x18: {  	s0 =	sld [smem:$0x3F91];
	_ =	swait.ge [sflag:s4], $0x0  }
0x19: {  	s7 =	sld [smem:$0x3F92]  }
0x1a: {  	s8 =	sadd.s32 $0xFFFFE003, lr  }
0x1b: {  	s9 =	sadd.s32 $0xFFFFFEF7, lr;
	s5 =	simm.s32 $0xFFFFFFFF;
	p2 =	slt.u32 s8, $0xFFFFF086  }
0x1c: {  	p1 =	slt.u32 s9, $0xF7A;
	s5 =	simm.s32 @!p2 $0x0  }
0x1d: {  	s5 =	simm.s32 @p1 $0x1;
	p0 =	seq.s32 s7, s2  }
0x1e: {  	s7 =	smul.u32 @!p0 $0xF7A, s2;
	p2 =	seq.s32 @!p0 s5, $0x0  }
0x1f: {  	s9 =	smul.u32 $0xF7A, s1;
	s8 =	simm.s32 @!p0 $0x1BF5;
	p2 =	por !p2, p0  }
0x20: {  	[sflag:s8] =	ssyncset.s32 @!p0 $0xFFFFF086;
	s6 =	sadd.s32 @!p0 s3, s7;
	s7 =	simm.s32 @!p0 $0x108  }
0x21: {  	s3 =	sadd.s32 s3, s9;
	s6 =	sadd.s32 @!p0 $0x88, s6;
	s7 =	simm.s32 @p2 $0x1082  }
0x22: {  	[simem:s7], [sflag:s8] =	dma.local @!p0 [hbm:s6], $0xF7A  }
0x23: {  	s9 =	sor.u32 $0xD0000000, s2;
	s6 =	simm.s32 $0x108;
	_ =	swait.ge @!p0 [sflag:s8], $0x0  }
0x24: {  	s3 =	sadd.s32 $0x88, s3;
	s6 =	simm.s32 @!p1 $0x1082;
	[sflag:s4] =	ssyncset.s32 $0xFFFFF086  }
0x25: {  	[simem:s6], [sflag:s4] =	dma.local [hbm:s3], $0xF7A  }
0x26: {  	[smem:$0x3F92] =	sst s1;
	(tag) =	ssettag s2;
	_ =	strace s9  }
0x27: {  	s1 =	sld [smem:$0x3FA2]  }
0x28: {  	s2 =	sld [smem:$0x3FA3]  }
0x29: {  	s4 =	sld [smem:$0x3FA5]  }
0x2a: {  	p0 =	seq.s32 s5, $0x0;
	s5 =	sld [smem:$0x3FA6]  }
0x2b: {  	s6 =	sld [smem:$0x3FA7]  }
0x2c: {  	s7 =	sld [smem:$0x3FA8]  }
0x2d: {  	s3 =	simm.s32 $0x108;
	s8 =	sld [smem:$0x3FA9]  }
0x2e: {  	s3 =	simm.s32 @!p0 $0x1082;
	s9 =	sld [smem:$0x3FAA]  }
0x2f: {  	lr =	sadd.s32 s0, s3;
	s0 =	sld [smem:$0x3FA1]  }
0x30: {  	s3 =	sld [smem:$0x3FA4]  }
0x31: {  	[smem:$0x3FAD] =	sst s10  }
0x32: {  	s10 =	sld [smem:$0x3FAB];
	_ =	sdelay $0x3  }
0x33: {  	p0 =	seq.s32 s10, $0x1;
	s10 =	sld [smem:$0x3FAD];
	_ =	sdelay $0x3  }
0x34: {  	[smem:$0x3FAD] =	sst s10  }
0x35: {  	s10 =	sld [smem:$0x3FAC];
	_ =	sdelay $0x3  }
0x36: {  	p1 =	seq.s32 s10, $0x1;
	s10 =	sld [smem:$0x3FAD];
	_ =	sdelay $0x3  }
0x37: {  	[smem:$0x3FAD] =	sst s10  }
0x38: {  	s10 =	sld [smem:$0x3FAE]  }
0x39: {  	_ = 	snop;
	(pc) =	sbr.ind lr, $3  }
0x3a: {  	_ = 	snop  }
0x3b: {  	_ = 	snop  }
0x3c: {  	p2 =	seq.s32 s10, $0x1;
	s10 =	sld [smem:$0x3FAD]  }
0x3d: {  	_ =	shalt  }
0x3e: {  	_ =	shalt  }
0x3f: {  	_ =	shalt  }
0x40: {  	_ =	shalt  }
0x41: {  	_ =	shalt  }
0x42: {  	_ =	shalt  }
0x43: {  	_ =	shalt  }
0x44: {  	_ =	shalt  }
0x45: {  	_ =	shalt  }
0x46: {  	_ =	shalt  }
0x47: {  	_ =	shalt  }
0x48: {  	_ =	shalt  }
0x49: {  	_ =	shalt  }
0x4a: {  	_ =	shalt  }
0x4b: {  	_ =	shalt  }
0x4c: {  	_ =	shalt  }
0x4d: {  	_ =	shalt  }
0x4e: {  	_ =	shalt  }
0x4f: {  	_ =	shalt  }
0x50: {  	_ =	shalt  }
0x51: {  	_ =	shalt  }
0x52: {  	_ =	shalt  }
0x53: {  	_ =	shalt  }
0x54: {  	_ =	shalt  }
0x55: {  	_ =	shalt  }
0x56: {  	_ =	shalt  }
0x57: {  	_ =	shalt  }
0x58: {  	_ =	shalt  }
0x59: {  	_ =	shalt  }
0x5a: {  	_ =	shalt  }
0x5b: {  	_ =	shalt  }
0x5c: {  	_ =	shalt  }
0x5d: {  	_ =	shalt  }
0x5e: {  	_ =	shalt  }
0x5f: {  	_ =	shalt  }
0x60: {  	_ =	shalt  }
0x61: {  	_ =	shalt  }
0x62: {  	_ =	shalt  }
0x63: {  	_ =	shalt  }
0x64: {  	_ =	shalt  }
0x65: {  	_ =	shalt  }
0x66: {  	_ =	shalt  }
0x67: {  	_ =	shalt  }
0x68: {  	_ =	shalt  }
0x69: {  	_ =	shalt  }
0x6a: {  	_ =	shalt  }
0x6b: {  	_ =	shalt  }
0x6c: {  	_ =	shalt  }
0x6d: {  	_ =	shalt  }
0x6e: {  	_ =	shalt  }
0x6f: {  	_ =	shalt  }
0x70: {  	_ =	shalt  }
0x71: {  	_ =	shalt  }
0x72: {  	_ =	shalt  }
0x73: {  	_ =	shalt  }
0x74: {  	_ =	shalt  }
0x75: {  	_ =	shalt  }
0x76: {  	_ =	shalt  }
0x77: {  	_ =	shalt  }
0x78: {  	_ =	shalt  }
0x79: {  	_ =	shalt  }
0x7a: {  	_ =	shalt  }
0x7b: {  	_ =	shalt  }
0x7c: {  	_ =	shalt  }
0x7d: {  	_ =	shalt  }
0x7e: {  	_ =	shalt  }
0x7f: {  	_ =	shalt  }
0x80: {  	_ =	shalt  }
0x81: {  	_ =	shalt  }
0x82: {  	_ =	shalt  }
0x83: {  	_ =	shalt  }
0x84: {  	_ =	shalt  }
0x85: {  	_ =	shalt  }
0x86: {  	_ =	shalt  }
0x87: {  	_ =	shalt  }
.Lfunc_end0:
.L_simem_size_0:
called_computation.2_lowered:
.L_overlay_start_0:
0x88: {  	s2 =	sld [smem:$0x3FD9]  }
0x89: {  	s3 =	sld [smem:$0x3FFE];
	_ =	sdelay $0x1  }
0x8a: {  	s1 =	srdreg.scid  }
0x8b: {  	s0 =	sand.u32 $0x1, s1  }
0x8c: {  	s16 =	sshll.u32 s0, $0xA;
	s2 =	sadd.s32 s3, s2  }
0x8d: {  	s2 =	sadd.s32 s2, s16  }
0x8e: {  	[smem:$0x3FB9] =	sst s2  }
0x8f: {  	_ = 	snop  }
0x90: {  	(tm) =	ssettm $0x1  }
0x91: {  	s17 =	sld [smem:$0x3FFB];
	_ =	sdelay $0x3  }
0x92: {  	_ =	strace s17  }
0x93: {  	s2 =	sld [smem:$0x3FFC];
	_ =	sdelay $0x3  }
0x94: {  	_ =	strace s2  }
0x95: {  	s2 =	sld [smem:$0x3FFD];
	_ =	sdelay $0x3  }
0x96: {  	_ =	strace s2  }
0x97: {  	_ =	strace $0x8FFFFFFF  }
0x98: {  	s18 =	sld [smem:$0x3FDB];
	_ =	sdelay $0x1  }
0x99: {  	s19 =	simm.s32 $_scs_section_size  }
0x9a: {  	s4 =	simm.s32 $_size__tile_overlayer_lowered;
	s5 =	simm.s32 $_tile_overlayer_lowered  }
0x9b: {  	s22 =	simm.s32 $0x1BFF;
	s21 =	sshll.u32 s5, $0x1;
	s2 =	sadd.s32 s19, s18  }
0x9c: {  	s6 =	simm.s32 $0x0;
	s20 =	sshll.u32 s4, $0x1;
	s4 =	sadd.s32 s21, s2  }
0x9d: {  	[timem:s6], [sflag:s22] =	dma.local [hbm:s4], s20  }
0x9e: {  	_ =	swait.ge [sflag:s22], s20  }
0x9f: {  	s3 =	ssub.s32 $0x0, s20;
	[sflag:s22] =	ssyncset.done $0x0  }
0xa0: {  	[sflag:s22] =	ssyncadd.s32 s3;
	_ =	sdelay $0x1  }
0xa1: {  	s23 =	simm.s32 $0x1B8B  }
0xa2: {  	_ =	swait.ge [sflag:s23], $0x1  }
0xa3: {  	[sflag:s23] =	ssyncset.done $0x0  }
0xa4: {  	s25 =	simm.s32 $0x1B8E;
	s24 =	sld [smem:$0x3FFE];
	[sflag:s23] =	ssyncadd.s32 $0xFFFFFFFF  }
0xa5: {  	s26 =	simm.s32 $execute0_lowered;
	[smem:$0x3FD2] =	sst s25  }
0xa6: {  	s4 =	sshll.u32 s26, $0x1;
	_ =	strace $0x8000004C;
	[dreg:$0x1] =	wrdreg $0xFFFFFFFF  }
0xa7: {  	s28 =	simm.s32 $_size_execute0_lowered;
	s2 =	sadd.s32 s2, s4;
	[dreg:$0x0] =	wrdreg $0x0  }
0xa8: {  	s4 =	sshll.u32 s28, $0x1;
	[dreg:$0x2] =	wrdreg s2  }
0xa9: {  	[dreg:$0x3] =	wrdreg s4  }
0xaa: {  	[dreg:$0x4] =	wrdreg $0xC0  }
0xab: {  	_ =	task [dreg:s6], $0x5FFFF  }
0xac: {  	[dreg:$0x1] =	wrdreg $0xFFFFFFFF  }
0xad: {  	[dreg:$0x0] =	wrdreg $0x60  }
0xae: {  	[dreg:$0x2] =	wrdreg s24  }
0xaf: {  	[dreg:$0x3] =	wrdreg $0x150000  }
0xb0: {  	[dreg:$0x4] =	wrdreg $0x9  }
0xb1: {  	_ =	task.clear_ibuf [dreg:s6], $0x5FFFF;
	_ =	strace $0x9000004C  }
0xb2: {  	s29 =	simm.s32 $0x9;
	_ =	strace $0x8000004E  }
0xb3: {  	_ =	swait.ge [sflag:s29], $0x1  }
0xb4: {  	[sflag:s29] =	ssyncadd.s32 $0xFFFFFFFF  }
0xb5: {  	_ =	strace $0x9000004E  }
0xb6: {  	_ =	sfence  }
0xb7: {  	s30 =	sld [smem:$0x0];
	_ =	sdelay $0x2  }
0xb8: {  	s31 =	sshll.u32 s1, $0xD;
	s1 =	sshrl.u32 s1, $0x2  }
0xb9: {  	s3 =	sand.u32 $0x4000, s31;
	s1 =	sadd.s32 s1, s30  }
0xba: {  	s0 =	sor.u32 s3, s0;
	s1 =	sshll.u32 s1, $0x11  }
0xbb: {  	s0 =	sor.u32 s1, s0  }
0xbc: {  	s0 =	sadd.s32 $0x8F2B, s0  }
0xbd: {  	[sflag:s0] =	ssyncadd.remote.s32 $0x1  }
0xbe: {  	_ =	sfence.sel $0xFFFF  }
0xbf: {  	[dreg:$0x0] =	wrdreg $0xFFFFFFFF;
	(pc) =	sbr.abs _section_cstart, $3  }
0xc0: {  	[dreg:$0x1] =	wrdreg $0xFFFFFFFF  }
0xc1: {  	_ =	task.clear_ibuf [dreg:s6], $0x2FFFF;
	_ =	strace $0x9FFFFFFF  }
0xc2: {  	(tm) =	ssettm $0x7FFFFFFF  }
0xc3: {  	_ =	shalt  }
tec
execute0_lowered:
.L_overlay_start_1:
0x0: {  	(tag) =	ssettag $0x1  }
0x1: {  	s3 =	rddreg [dreg:$0x0]  }
0x2: {  	s2 =	rddreg [dreg:$0x1];
	s30 =	simm.s32 $0x0  }
0x3: {  	s0 =	srdreg.scid;
	s23 =	simm.s32 $0x400;
	[smem:$0x7FF] =	sst s30  }
0x4: {  	s24 =	simm.s32 $0x2A00;
	_ =	strace $0x8000004D;
	[dreg:$0x7] =	wrdreg s23  }
0x5: {  	s12 =	stileid.u32;
	s25 =	simm.s32 $0x600;
	[dreg:$0x8] =	wrdreg s24  }
0x6: {  	s26 =	simm.s32 $0x2C00;
	s9 =	simm.s32 $0xC00;
	[dreg:$0x9] =	wrdreg s25  }
0x7: {  	s10 =	simm.s32 $0x3200;
	s13 =	simm.s32 $0xE00;
	[dreg:$0xa] =	wrdreg s26  }
0x8: {  	s14 =	simm.s32 $0x3400;
	s16 =	simm.s32 $0x1000;
	[dreg:$0xf] =	wrdreg s9  }
0x9: {  	s17 =	simm.s32 $0x3600;
	s18 =	simm.s32 $0x1200;
	[dreg:$0x10] =	wrdreg s10  }
0xa: {  	s31 =	simm.s32 $0x2800;
	s19 =	simm.s32 $0x3800;
	[dreg:$0x11] =	wrdreg s13  }
0xb: {  	s29 =	simm.s32 $0x1A00;
	s28 =	simm.s32 $0x4200;
	[dreg:$0x12] =	wrdreg s14  }
0xc: {  	p0 =	por $0x0, $0x0;
	s4 =	smul.u32 $0x9C40, s12;
	[dreg:$0x13] =	wrdreg s16  }
0xd: {  	s0 =	sand.u32 $0x1, s0;
	s5 =	smul.u32 $0x2710, s12;
	[dreg:$0x14] =	wrdreg s17  }
0xe: {  	s20 =	sshll.u32 s12, $0x6;
	s1 =	sshll.u32 s0, $0x4;
	[dreg:$0x15] =	wrdreg s18  }
0xf: {  	s7 =	smul.u32 $0x27100, s0;
	s0 =	ssub.s32 $0x2, s0;
	[dreg:$0x16] =	wrdreg s19  }
0x10: {  	s23 =	simm.s32 $0x1600;
	s24 =	simm.s32 $0x3C00;
	s10 =	simm.s32 $0x5000  }
0x11: {  	s25 =	simm.s32 $0x1800;
	s26 =	simm.s32 $0x3E00;
	s9 =	simm.s32 $0xD000  }
0x12: {  	s18 =	simm.s32 $0x4000;
	s19 =	simm.s32 $0x4A00;
	s16 =	simm.s32 $0x2600  }
0x13: {  	s17 =	simm.s32 $0x4C00;
	s13 =	simm.s32 $0x10;
	[dreg:$0x19] =	wrdreg s23  }
0x14: {  	s14 =	simm.s32 $0x8;
	s1 =	sor.u32 s12, s1;
	[dreg:$0x1a] =	wrdreg s24  }
0x15: {  	s6 =	sshrl.u32 s4, $0x3;
	s11 =	sshrl.u32 s0, $0x1;
	[dreg:$0x1b] =	wrdreg s25  }
0x16: {  	s15 =	sadd.s32 s4, s2;
	s4 =	simm.s32 $0x3;
	[dreg:$0x1c] =	wrdreg s26  }
0x17: {  	s26 =	simm.s32 $0x1C00;
	s24 =	simm.s32 $0x1E00;
	s25 =	simm.s32 $0x4400  }
0x18: {  	s23 =	simm.s32 $0x4600;
	s1 =	smul.u32 $0x500, s1;
	s6 =	sadd.s32 s6, s3  }
0x19: {  	s5 =	sadd.s32 s5, s7;
	s7 =	simm.s32 $0xA00;
	s0 =	ssub.s32 s0, s11  }
0x1a: {  	s11 =	simm.s32 $0x2;
	s5 =	sadd.s32 s5, s3;
	s21 =	sadd.s32 $0x3F400, s6  }
0x1b: {  	s6 =	simm.s32 $0x2E00;
	[dreg:$0xd] =	wrdreg s7;
	s0 =	smax.u32 s0, $0x1  }
0x1c: {  	s7 =	simm.s32 $0x200;
	s1 =	sadd.s32 s1, s3;
	[dreg:$0x5] =	wrdreg s21  }
0x1d: {  	s22 =	sadd.s32 $0x52E00, s5;
	s5 =	simm.s32 $0x800;
	[dreg:$0xc] =	wrdreg s6  }
0x1e: {  	s3 =	sadd.s32 $0x18200, s3;
	s21 =	simm.s32 $0x1400;
	[dreg:$0x6] =	wrdreg s22  }
0x1f: {  	s6 =	sshrl.u32 s15, $0x3;
	p1 =	sne.s32 s0, $0x1;
	[dreg:$0xb] =	wrdreg s5  }
0x20: {  	s15 =	simm.s32 $0x4E00;
	s8 =	sadd.s32 $0xE200, s1;
	[dreg:$0x17] =	wrdreg s21  }
.Ltmp0:
0x21: {  	s1 =	sadd.s32 $0x4200, s1;
	[dreg:$0x3] =	wrdreg s8;
	(pc) =	sbr.rel @!p1 .LBB2_1-.Ltmp0, $4  }
0x22: {  	s5 =	sor.u32 $0x1C03, s20;
	s22 =	simm.s32 $0x3A00;
	[dreg:$0x4] =	wrdreg s1  }
0x23: {  	s20 =	simm.s32 $0x2200;
	s8 =	simm.s32 $0x3000;
	[dreg:$0x18] =	wrdreg s22  }
0x24: {  	s21 =	simm.s32 $0x4800;
	s22 =	simm.s32 $0x2000;
	[dreg:$0xe] =	wrdreg s8  }
0x25: {  	s1 =	sadd.s32 $0xFFFFFFFF, s0;
	s8 =	simm.s32 $0x1;
	s0 =	rddreg [dreg:$0x3]  }
0x26: {  	[tilespmem:s30], [sflag:$0x3] =	stream.linear.gather [hbm4b:s0+s30], $0x2800, $0x38;
	[tilespmem:$0x1FE00] =	vst v63  }
0x27: {  	_ =	swait.ge [sflag:s4], $0x2800  }
0x28: {  	[sflag:s4] =	ssyncset.done $0x0  }
0x29: {  	s12 =	rddreg [dreg:$0x4];
	[sflag:s4] =	ssyncadd.s32 $0xFFFFD800  }
0x2a: {  	[tilespmem:s31], [sflag:$0x3] =	stream.linear.gather [hbm4b:s12+s30], $0x2800, $0x38;
	[tilespmem:$0x1FE00] =	vst v63  }
0x2b: {  	_ =	swait.ge [sflag:s4], $0x2800  }
0x2c: {  	[sflag:s4] =	ssyncset.done $0x0  }
0x2d: {  	s12 =	rddreg [dreg:$0x5];
	[sflag:s4] =	ssyncadd.s32 $0xFFFFD800  }
0x2e: {  	[spmem:s6], [sflag:s5] =	dma.local [hbm:s12], $0x1388  }
0x2f: {  	_ =	swait.ge [sflag:s4], $0x1388  }
0x30: {  	[sflag:s4] =	ssyncset.done $0x0  }
0x31: {  	[sflag:s4] =	ssyncadd.s32 $0xFFFFEC78  }
0x32: {  	[bflag:$0x0] =	sbarrier.arrive $0xFFFF  }
0x33: {  	[tilespmem:s10], [sflag:$0x1] =	stream.indirect.gather [hbm4b:s3+s7], $0x40, s30, s7, $0xb8;
	[tilespmem:$0x1FE00] =	vst v63  }
0x34: {  	_ =	swait.ge [sflag:s8], $0x8000  }
0x35: {  	[sflag:s8] =	ssyncset.done $0x0  }
0x36: {  	[sflag:s8] =	ssyncadd.s32 $0xFFFF8000  }
0x37: {  	[tilespmem:s9], [sflag:$0x2] =	stream.indirect.gather [hbm4b:s3+s7], $0x40, s7, s7, $0xb8;
	[tilespmem:$0x1FE00] =	vst v63  }
0x38: {  	_ = 	snop  }
0x39: {  	[spmem:s2] =	stream.indirect.scatter.add.f32 [tilespmem:s10], [sflag:$0x3], $0x40, s31, s7, $0xb8;
	[tilespmem:$0x1FE00] =	vst v63  }
0x3a: {  	_ =	swait.ge [sflag:s4], $0x8000  }
0x3b: {  	[sflag:s4] =	ssyncset.done $0x0  }
0x3c: {  	[sflag:s4] =	ssyncadd.s32 $0xFFFF8000  }
0x3d: {  	_ =	swait.ge [sflag:s11], $0x8000  }
0x3e: {  	[sflag:s11] =	ssyncset.done $0x0  }
0x3f: {  	s0 =	rddreg [dreg:$0x7];
	[sflag:s11] =	ssyncadd.s32 $0xFFFF8000  }
0x40: {  	[tilespmem:s10], [sflag:$0x1] =	stream.indirect.gather [hbm4b:s3+s7], $0x40, s0, s7, $0xb8;
	[tilespmem:$0x1FE00] =	vst v63  }
0x41: {  	s12 =	smov.u32 s1;
	s1 =	rddreg [dreg:$0x8]  }
0x42: {  	[spmem:s2] =	stream.indirect.scatter.add.f32 [tilespmem:s9], [sflag:$0x3], $0x40, s1, s7, $0xb8;
	[tilespmem:$0x1FE00] =	vst v63  }
0x43: {  	_ =	swait.ge [sflag:s4], $0x8000  }
0x44: {  	[sflag:s4] =	ssyncset.done $0x0  }
0x45: {  	[sflag:s4] =	ssyncadd.s32 $0xFFFF8000  }
0x46: {  	_ =	swait.ge [sflag:s8], $0x8000  }
0x47: {  	[sflag:s8] =	ssyncset.done $0x0  }
0x48: {  	s0 =	rddreg [dreg:$0x9];
	[sflag:s8] =	ssyncadd.s32 $0xFFFF8000  }
0x49: {  	[tilespmem:s9], [sflag:$0x2] =	stream.indirect.gather [hbm4b:s3+s7], $0x40, s0, s7, $0xb8;
	[tilespmem:$0x1FE00] =	vst v63  }
0x4a: {  	s1 =	rddreg [dreg:$0xa]  }
0x4b: {  	[spmem:s2] =	stream.indirect.scatter.add.f32 [tilespmem:s10], [sflag:$0x3], $0x40, s1, s7, $0xb8;
	[tilespmem:$0x1FE00] =	vst v63  }
0x4c: {  	_ =	swait.ge [sflag:s4], $0x8000  }
0x4d: {  	[sflag:s4] =	ssyncset.done $0x0  }
0x4e: {  	[sflag:s4] =	ssyncadd.s32 $0xFFFF8000  }
0x4f: {  	_ =	swait.ge [sflag:s11], $0x8000  }
0x50: {  	[sflag:s11] =	ssyncset.done $0x0  }
0x51: {  	s0 =	rddreg [dreg:$0xb];
	[sflag:s11] =	ssyncadd.s32 $0xFFFF8000  }
0x52: {  	[tilespmem:s10], [sflag:$0x1] =	stream.indirect.gather [hbm4b:s3+s7], $0x40, s0, s7, $0xb8;
	[tilespmem:$0x1FE00] =	vst v63  }
0x53: {  	s1 =	rddreg [dreg:$0xc]  }
0x54: {  	[spmem:s2] =	stream.indirect.scatter.add.f32 [tilespmem:s9], [sflag:$0x3], $0x40, s1, s7, $0xb8;
	[tilespmem:$0x1FE00] =	vst v63  }
0x55: {  	_ =	swait.ge [sflag:s4], $0x8000  }
0x56: {  	[sflag:s4] =	ssyncset.done $0x0  }
0x57: {  	[sflag:s4] =	ssyncadd.s32 $0xFFFF8000  }
0x58: {  	_ =	swait.ge [sflag:s8], $0x8000  }
0x59: {  	[sflag:s8] =	ssyncset.done $0x0  }
0x5a: {  	s0 =	rddreg [dreg:$0xd];
	[sflag:s8] =	ssyncadd.s32 $0xFFFF8000  }
0x5b: {  	[tilespmem:s9], [sflag:$0x2] =	stream.indirect.gather [hbm4b:s3+s7], $0x40, s0, s7, $0xb8;
	[tilespmem:$0x1FE00] =	vst v63  }
0x5c: {  	s1 =	rddreg [dreg:$0xe]  }
0x5d: {  	[spmem:s2] =	stream.indirect.scatter.add.f32 [tilespmem:s10], [sflag:$0x3], $0x40, s1, s7, $0xb8;
	[tilespmem:$0x1FE00] =	vst v63  }
0x5e: {  	_ =	swait.ge [sflag:s4], $0x8000  }
0x5f: {  	[sflag:s4] =	ssyncset.done $0x0  }
0x60: {  	[sflag:s4] =	ssyncadd.s32 $0xFFFF8000  }
0x61: {  	_ =	swait.ge [sflag:s11], $0x8000  }
0x62: {  	[sflag:s11] =	ssyncset.done $0x0  }
0x63: {  	s0 =	rddreg [dreg:$0xf];
	[sflag:s11] =	ssyncadd.s32 $0xFFFF8000  }
0x64: {  	[tilespmem:s10], [sflag:$0x1] =	stream.indirect.gather [hbm4b:s3+s7], $0x40, s0, s7, $0xb8;
	[tilespmem:$0x1FE00] =	vst v63  }
0x65: {  	s1 =	rddreg [dreg:$0x10]  }
0x66: {  	[spmem:s2] =	stream.indirect.scatter.add.f32 [tilespmem:s9], [sflag:$0x3], $0x40, s1, s7, $0xb8;
	[tilespmem:$0x1FE00] =	vst v63  }
0x67: {  	_ =	swait.ge [sflag:s4], $0x8000  }
0x68: {  	[sflag:s4] =	ssyncset.done $0x0  }
0x69: {  	[sflag:s4] =	ssyncadd.s32 $0xFFFF8000  }
0x6a: {  	_ =	swait.ge [sflag:s8], $0x8000  }
0x6b: {  	[sflag:s8] =	ssyncset.done $0x0  }
0x6c: {  	s0 =	rddreg [dreg:$0x11];
	[sflag:s8] =	ssyncadd.s32 $0xFFFF8000  }
0x6d: {  	[tilespmem:s9], [sflag:$0x2] =	stream.indirect.gather [hbm4b:s3+s7], $0x40, s0, s7, $0xb8;
	[tilespmem:$0x1FE00] =	vst v63  }
0x6e: {  	s1 =	rddreg [dreg:$0x12]  }
0x6f: {  	[spmem:s2] =	stream.indirect.scatter.add.f32 [tilespmem:s10], [sflag:$0x3], $0x40, s1, s7, $0xb8;
	[tilespmem:$0x1FE00] =	vst v63  }
0x70: {  	_ =	swait.ge [sflag:s4], $0x8000  }
0x71: {  	[sflag:s4] =	ssyncset.done $0x0  }
0x72: {  	[sflag:s4] =	ssyncadd.s32 $0xFFFF8000  }
0x73: {  	_ =	swait.ge [sflag:s11], $0x8000  }
0x74: {  	[sflag:s11] =	ssyncset.done $0x0  }
0x75: {  	s0 =	rddreg [dreg:$0x13];
	[sflag:s11] =	ssyncadd.s32 $0xFFFF8000  }
0x76: {  	[tilespmem:s10], [sflag:$0x1] =	stream.indirect.gather [hbm4b:s3+s7], $0x40, s0, s7, $0xb8;
	[tilespmem:$0x1FE00] =	vst v63  }
0x77: {  	s1 =	rddreg [dreg:$0x14]  }
0x78: {  	[spmem:s2] =	stream.indirect.scatter.add.f32 [tilespmem:s9], [sflag:$0x3], $0x40, s1, s7, $0xb8;
	[tilespmem:$0x1FE00] =	vst v63  }
0x79: {  	_ =	swait.ge [sflag:s4], $0x8000  }
0x7a: {  	[sflag:s4] =	ssyncset.done $0x0  }
0x7b: {  	[sflag:s4] =	ssyncadd.s32 $0xFFFF8000  }
0x7c: {  	_ =	swait.ge [sflag:s8], $0x8000  }
0x7d: {  	[sflag:s8] =	ssyncset.done $0x0  }
0x7e: {  	s0 =	rddreg [dreg:$0x15];
	[sflag:s8] =	ssyncadd.s32 $0xFFFF8000  }
0x7f: {  	[tilespmem:s9], [sflag:$0x2] =	stream.indirect.gather [hbm4b:s3+s7], $0x40, s0, s7, $0xb8;
	[tilespmem:$0x1FE00] =	vst v63  }
0x80: {  	s1 =	rddreg [dreg:$0x16]  }
0x81: {  	[spmem:s2] =	stream.indirect.scatter.add.f32 [tilespmem:s10], [sflag:$0x3], $0x40, s1, s7, $0xb8;
	[tilespmem:$0x1FE00] =	vst v63  }
0x82: {  	_ =	swait.ge [sflag:s4], $0x8000  }
0x83: {  	[sflag:s4] =	ssyncset.done $0x0  }
0x84: {  	[sflag:s4] =	ssyncadd.s32 $0xFFFF8000  }
0x85: {  	_ =	swait.ge [sflag:s11], $0x8000  }
0x86: {  	[sflag:s11] =	ssyncset.done $0x0  }
0x87: {  	s0 =	rddreg [dreg:$0x17];
	[sflag:s11] =	ssyncadd.s32 $0xFFFF8000  }
0x88: {  	[tilespmem:s10], [sflag:$0x1] =	stream.indirect.gather [hbm4b:s3+s7], $0x40, s0, s7, $0xb8;
	[tilespmem:$0x1FE00] =	vst v63  }
0x89: {  	s1 =	rddreg [dreg:$0x18]  }
0x8a: {  	[spmem:s2] =	stream.indirect.scatter.add.f32 [tilespmem:s9], [sflag:$0x3], $0x40, s1, s7, $0xb8;
	[tilespmem:$0x1FE00] =	vst v63  }
0x8b: {  	_ =	swait.ge [sflag:s4], $0x8000  }
0x8c: {  	[sflag:s4] =	ssyncset.done $0x0  }
0x8d: {  	[sflag:s4] =	ssyncadd.s32 $0xFFFF8000  }
0x8e: {  	_ =	swait.ge [sflag:s8], $0x8000  }
0x8f: {  	[sflag:s8] =	ssyncset.done $0x0  }
0x90: {  	s0 =	rddreg [dreg:$0x19];
	[sflag:s8] =	ssyncadd.s32 $0xFFFF8000  }
0x91: {  	[tilespmem:s9], [sflag:$0x2] =	stream.indirect.gather [hbm4b:s3+s7], $0x40, s0, s7, $0xb8;
	[tilespmem:$0x1FE00] =	vst v63  }
0x92: {  	s1 =	rddreg [dreg:$0x1a]  }
0x93: {  	[spmem:s2] =	stream.indirect.scatter.add.f32 [tilespmem:s10], [sflag:$0x3], $0x40, s1, s7, $0xb8;
	[tilespmem:$0x1FE00] =	vst v63  }
0x94: {  	_ =	swait.ge [sflag:s4], $0x8000  }
0x95: {  	[sflag:s4] =	ssyncset.done $0x0  }
0x96: {  	[sflag:s4] =	ssyncadd.s32 $0xFFFF8000  }
0x97: {  	_ =	swait.ge [sflag:s11], $0x8000  }
0x98: {  	[sflag:s11] =	ssyncset.done $0x0  }
0x99: {  	s0 =	rddreg [dreg:$0x1b];
	[sflag:s11] =	ssyncadd.s32 $0xFFFF8000  }
0x9a: {  	[tilespmem:s10], [sflag:$0x1] =	stream.indirect.gather [hbm4b:s3+s7], $0x40, s0, s7, $0xb8;
	[tilespmem:$0x1FE00] =	vst v63  }
0x9b: {  	s1 =	rddreg [dreg:$0x1c]  }
0x9c: {  	[spmem:s2] =	stream.indirect.scatter.add.f32 [tilespmem:s9], [sflag:$0x3], $0x40, s1, s7, $0xb8;
	[tilespmem:$0x1FE00] =	vst v63  }
0x9d: {  	_ =	swait.ge [sflag:s4], $0x8000  }
0x9e: {  	[sflag:s4] =	ssyncset.done $0x0  }
0x9f: {  	[sflag:s4] =	ssyncadd.s32 $0xFFFF8000  }
0xa0: {  	_ =	swait.ge [sflag:s8], $0x8000  }
0xa1: {  	[sflag:s8] =	ssyncset.done $0x0  }
0xa2: {  	[sflag:s8] =	ssyncadd.s32 $0xFFFF8000  }
0xa3: {  	[tilespmem:s9], [sflag:$0x2] =	stream.indirect.gather [hbm4b:s3+s7], $0x40, s29, s7, $0xb8;
	[tilespmem:$0x1FE00] =	vst v63  }
0xa4: {  	_ = 	snop  }
0xa5: {  	[spmem:s2] =	stream.indirect.scatter.add.f32 [tilespmem:s10], [sflag:$0x3], $0x40, s18, s7, $0xb8;
	[tilespmem:$0x1FE00] =	vst v63  }
0xa6: {  	_ =	swait.ge [sflag:s4], $0x8000  }
0xa7: {  	[sflag:s4] =	ssyncset.done $0x0  }
0xa8: {  	[sflag:s4] =	ssyncadd.s32 $0xFFFF8000  }
0xa9: {  	_ =	swait.ge [sflag:s11], $0x8000  }
0xaa: {  	[sflag:s11] =	ssyncset.done $0x0  }
0xab: {  	[sflag:s11] =	ssyncadd.s32 $0xFFFF8000  }
0xac: {  	[tilespmem:s10], [sflag:$0x1] =	stream.indirect.gather [hbm4b:s3+s7], $0x40, s26, s7, $0xb8;
	[tilespmem:$0x1FE00] =	vst v63  }
0xad: {  	_ = 	snop  }
0xae: {  	[spmem:s2] =	stream.indirect.scatter.add.f32 [tilespmem:s9], [sflag:$0x3], $0x40, s28, s7, $0xb8;
	[tilespmem:$0x1FE00] =	vst v63  }
0xaf: {  	_ =	swait.ge [sflag:s4], $0x8000  }
0xb0: {  	[sflag:s4] =	ssyncset.done $0x0  }
0xb1: {  	[sflag:s4] =	ssyncadd.s32 $0xFFFF8000  }
0xb2: {  	_ =	swait.ge [sflag:s8], $0x8000  }
0xb3: {  	[sflag:s8] =	ssyncset.done $0x0  }
0xb4: {  	[sflag:s8] =	ssyncadd.s32 $0xFFFF8000  }
0xb5: {  	[tilespmem:s9], [sflag:$0x2] =	stream.indirect.gather [hbm4b:s3+s7], $0x40, s24, s7, $0xb8;
	[tilespmem:$0x1FE00] =	vst v63  }
0xb6: {  	_ = 	snop  }
0xb7: {  	[spmem:s2] =	stream.indirect.scatter.add.f32 [tilespmem:s10], [sflag:$0x3], $0x40, s25, s7, $0xb8;
	[tilespmem:$0x1FE00] =	vst v63  }
0xb8: {  	_ =	swait.ge [sflag:s4], $0x8000  }
0xb9: {  	[sflag:s4] =	ssyncset.done $0x0  }
0xba: {  	[sflag:s4] =	ssyncadd.s32 $0xFFFF8000  }
0xbb: {  	_ =	swait.ge [sflag:s11], $0x8000  }
0xbc: {  	[sflag:s11] =	ssyncset.done $0x0  }
0xbd: {  	[sflag:s11] =	ssyncadd.s32 $0xFFFF8000  }
0xbe: {  	[tilespmem:s10], [sflag:$0x1] =	stream.indirect.gather [hbm4b:s3+s7], $0x40, s22, s7, $0xb8;
	[tilespmem:$0x1FE00] =	vst v63  }
0xbf: {  	_ = 	snop  }
0xc0: {  	[spmem:s2] =	stream.indirect.scatter.add.f32 [tilespmem:s9], [sflag:$0x3], $0x40, s23, s7, $0xb8;
	[tilespmem:$0x1FE00] =	vst v63  }
0xc1: {  	_ =	swait.ge [sflag:s4], $0x8000  }
0xc2: {  	[sflag:s4] =	ssyncset.done $0x0  }
0xc3: {  	[sflag:s4] =	ssyncadd.s32 $0xFFFF8000  }
0xc4: {  	_ =	swait.ge [sflag:s8], $0x8000  }
0xc5: {  	[sflag:s8] =	ssyncset.done $0x0  }
0xc6: {  	[sflag:s8] =	ssyncadd.s32 $0xFFFF8000  }
0xc7: {  	[tilespmem:s9], [sflag:$0x2] =	stream.indirect.gather [hbm4b:s3+s7], $0x40, s20, s7, $0xb8;
	[tilespmem:$0x1FE00] =	vst v63  }
0xc8: {  	_ = 	snop  }
0xc9: {  	[spmem:s2] =	stream.indirect.scatter.add.f32 [tilespmem:s10], [sflag:$0x3], $0x40, s21, s7, $0xb8;
	[tilespmem:$0x1FE00] =	vst v63  }
0xca: {  	_ =	swait.ge [sflag:s4], $0x8000  }
0xcb: {  	[sflag:s4] =	ssyncset.done $0x0  }
0xcc: {  	[sflag:s4] =	ssyncadd.s32 $0xFFFF8000  }
0xcd: {  	_ =	swait.ge [sflag:s11], $0x8000  }
0xce: {  	[sflag:s11] =	ssyncset.done $0x0  }
0xcf: {  	s1 =	simm.s32 $0x2400;
	[sflag:s11] =	ssyncadd.s32 $0xFFFF8000  }
0xd0: {  	[tilespmem:s10], [sflag:$0x1] =	stream.indirect.gather [hbm4b:s3+s7], $0x40, s1, s7, $0xb8;
	[tilespmem:$0x1FE00] =	vst v63  }
0xd1: {  	_ = 	snop  }
0xd2: {  	[spmem:s2] =	stream.indirect.scatter.add.f32 [tilespmem:s9], [sflag:$0x3], $0x40, s19, s7, $0xb8;
	[tilespmem:$0x1FE00] =	vst v63  }
0xd3: {  	_ =	swait.ge [sflag:s4], $0x8000  }
0xd4: {  	[sflag:s4] =	ssyncset.done $0x0  }
0xd5: {  	[sflag:s4] =	ssyncadd.s32 $0xFFFF8000  }
0xd6: {  	_ =	swait.ge [sflag:s8], $0x8000  }
0xd7: {  	[sflag:s8] =	ssyncset.done $0x0  }
0xd8: {  	[sflag:s8] =	ssyncadd.s32 $0xFFFF8000  }
0xd9: {  	[tilespmem:s9], [sflag:$0x2] =	stream.indirect.gather [hbm4b:s3+s7], $0x40, s16, s7, $0xb8;
	[tilespmem:$0x1FE00] =	vst v63  }
0xda: {  	_ = 	snop  }
0xdb: {  	[spmem:s2] =	stream.indirect.scatter.add.f32 [tilespmem:s10], [sflag:$0x3], $0x40, s17, s7, $0xb8;
	[tilespmem:$0x1FE00] =	vst v63  }
0xdc: {  	_ =	swait.ge [sflag:s4], $0x8000  }
0xdd: {  	[sflag:s4] =	ssyncset.done $0x0  }
0xde: {  	[sflag:s4] =	ssyncadd.s32 $0xFFFF8000  }
0xdf: {  	_ =	swait.ge [sflag:s11], $0x8000  }
0xe0: {  	[sflag:s11] =	ssyncset.done $0x0  }
0xe1: {  	[sflag:s11] =	ssyncadd.s32 $0xFFFF8000  }
0xe2: {  	[spmem:s2] =	stream.indirect.scatter.add.f32 [tilespmem:s9], [sflag:$0x3], $0x40, s15, s7, $0xb8;
	[tilespmem:$0x1FE00] =	vst v63  }
0xe3: {  	_ =	swait.ge [sflag:s4], $0x8000  }
0xe4: {  	[sflag:s4] =	ssyncset.done $0x0  }
0xe5: {  	p1 =	sne.s32 s12, $0x1;
	[sflag:s4] =	ssyncadd.s32 $0xFFFF8000  }
.Ltmp1:
0xe6: {  	[bflag:$0x0] =	sbarrier.arrive $0xFFFF;
	(pc) =	sbr.rel @!p1 .LBB2_3-.Ltmp1, $4  }
0xe7: {  	s1 =	rddreg [dreg:$0x6]  }
0xe8: {  	[hbm:s1@s13], [sflag:s5] =	dma.strided [spmem:s6@s14], $0x1388, s8, $0x8   }
0xe9: {  	p0 =	por $0x1, $0x1;
	_ =	swait.ge [sflag:s4], $0x1388  }
0xea: {  	s1 =	sadd.s32 $0xFFFFFFFF, s12;
	s0 =	rddreg [dreg:$0x3];
	[sflag:s4] =	ssyncset.done $0x0  }
.LBB2_4:
0xeb: {  	[sflag:s4] =	ssyncadd.s32 $0xFFFFEC78  }
0xec: {  	[tilespmem:s30], [sflag:$0x3] =	stream.linear.gather [hbm4b:s0+s30], $0x2800, $0x38;
	[tilespmem:$0x1FE00] =	vst v63  }
0xed: {  	_ =	swait.ge [sflag:s4], $0x2800  }
0xee: {  	[sflag:s4] =	ssyncset.done $0x0  }
0xef: {  	s12 =	rddreg [dreg:$0x4];
	[sflag:s4] =	ssyncadd.s32 $0xFFFFD800  }
0xf0: {  	[tilespmem:s31], [sflag:$0x3] =	stream.linear.gather [hbm4b:s12+s30], $0x2800, $0x38;
	[tilespmem:$0x1FE00] =	vst v63  }
0xf1: {  	_ =	swait.ge [sflag:s4], $0x2800  }
0xf2: {  	[sflag:s4] =	ssyncset.done $0x0  }
0xf3: {  	s12 =	rddreg [dreg:$0x5];
	[sflag:s4] =	ssyncadd.s32 $0xFFFFD800  }
0xf4: {  	[spmem:s6], [sflag:s5] =	dma.local [hbm:s12], $0x1388  }
0xf5: {  	_ =	swait.ge [sflag:s4], $0x1388  }
0xf6: {  	[sflag:s4] =	ssyncset.done $0x0  }
0xf7: {  	[sflag:s4] =	ssyncadd.s32 $0xFFFFEC78  }
0xf8: {  	[bflag:$0x0] =	sbarrier.arrive $0xFFFF  }
0xf9: {  	[tilespmem:s10], [sflag:$0x1] =	stream.indirect.gather [hbm4b:s3+s7], $0x40, s30, s7, $0xb8;
	[tilespmem:$0x1FE00] =	vst v63  }
0xfa: {  	_ =	swait.ge [sflag:s8], $0x8000  }
0xfb: {  	[sflag:s8] =	ssyncset.done $0x0  }
0xfc: {  	[sflag:s8] =	ssyncadd.s32 $0xFFFF8000  }
0xfd: {  	[tilespmem:s9], [sflag:$0x2] =	stream.indirect.gather [hbm4b:s3+s7], $0x40, s7, s7, $0xb8;
	[tilespmem:$0x1FE00] =	vst v63  }
0xfe: {  	_ = 	snop  }
0xff: {  	[spmem:s2] =	stream.indirect.scatter.add.f32 [tilespmem:s10], [sflag:$0x3], $0x40, s31, s7, $0xb8;
	[tilespmem:$0x1FE00] =	vst v63  }
0x100: {  	_ =	swait.ge [sflag:s4], $0x8000  }
0x101: {  	[sflag:s4] =	ssyncset.done $0x0  }
0x102: {  	[sflag:s4] =	ssyncadd.s32 $0xFFFF8000  }
0x103: {  	_ =	swait.ge [sflag:s11], $0x8000  }
0x104: {  	[sflag:s11] =	ssyncset.done $0x0  }
0x105: {  	s0 =	rddreg [dreg:$0x7];
	[sflag:s11] =	ssyncadd.s32 $0xFFFF8000  }
0x106: {  	[tilespmem:s10], [sflag:$0x1] =	stream.indirect.gather [hbm4b:s3+s7], $0x40, s0, s7, $0xb8;
	[tilespmem:$0x1FE00] =	vst v63  }
0x107: {  	s12 =	rddreg [dreg:$0x8]  }
0x108: {  	[spmem:s2] =	stream.indirect.scatter.add.f32 [tilespmem:s9], [sflag:$0x3], $0x40, s12, s7, $0xb8;
	[tilespmem:$0x1FE00] =	vst v63  }
0x109: {  	_ =	swait.ge [sflag:s4], $0x8000  }
0x10a: {  	[sflag:s4] =	ssyncset.done $0x0  }
0x10b: {  	[sflag:s4] =	ssyncadd.s32 $0xFFFF8000  }
0x10c: {  	_ =	swait.ge [sflag:s8], $0x8000  }
0x10d: {  	[sflag:s8] =	ssyncset.done $0x0  }
0x10e: {  	s0 =	rddreg [dreg:$0x9];
	[sflag:s8] =	ssyncadd.s32 $0xFFFF8000  }
0x10f: {  	[tilespmem:s9], [sflag:$0x2] =	stream.indirect.gather [hbm4b:s3+s7], $0x40, s0, s7, $0xb8;
	[tilespmem:$0x1FE00] =	vst v63  }
0x110: {  	s12 =	rddreg [dreg:$0xa]  }
0x111: {  	[spmem:s2] =	stream.indirect.scatter.add.f32 [tilespmem:s10], [sflag:$0x3], $0x40, s12, s7, $0xb8;
	[tilespmem:$0x1FE00] =	vst v63  }
0x112: {  	_ =	swait.ge [sflag:s4], $0x8000  }
0x113: {  	[sflag:s4] =	ssyncset.done $0x0  }
0x114: {  	[sflag:s4] =	ssyncadd.s32 $0xFFFF8000  }
0x115: {  	_ =	swait.ge [sflag:s11], $0x8000  }
0x116: {  	[sflag:s11] =	ssyncset.done $0x0  }
0x117: {  	s0 =	rddreg [dreg:$0xb];
	[sflag:s11] =	ssyncadd.s32 $0xFFFF8000  }
0x118: {  	[tilespmem:s10], [sflag:$0x1] =	stream.indirect.gather [hbm4b:s3+s7], $0x40, s0, s7, $0xb8;
	[tilespmem:$0x1FE00] =	vst v63  }
0x119: {  	s12 =	rddreg [dreg:$0xc]  }
0x11a: {  	[spmem:s2] =	stream.indirect.scatter.add.f32 [tilespmem:s9], [sflag:$0x3], $0x40, s12, s7, $0xb8;
	[tilespmem:$0x1FE00] =	vst v63  }
0x11b: {  	_ =	swait.ge [sflag:s4], $0x8000  }
0x11c: {  	[sflag:s4] =	ssyncset.done $0x0  }
0x11d: {  	[sflag:s4] =	ssyncadd.s32 $0xFFFF8000  }
0x11e: {  	_ =	swait.ge [sflag:s8], $0x8000  }
0x11f: {  	[sflag:s8] =	ssyncset.done $0x0  }
0x120: {  	s0 =	rddreg [dreg:$0xd];
	[sflag:s8] =	ssyncadd.s32 $0xFFFF8000  }
0x121: {  	[tilespmem:s9], [sflag:$0x2] =	stream.indirect.gather [hbm4b:s3+s7], $0x40, s0, s7, $0xb8;
	[tilespmem:$0x1FE00] =	vst v63  }
0x122: {  	s12 =	rddreg [dreg:$0xe]  }
0x123: {  	[spmem:s2] =	stream.indirect.scatter.add.f32 [tilespmem:s10], [sflag:$0x3], $0x40, s12, s7, $0xb8;
	[tilespmem:$0x1FE00] =	vst v63  }
0x124: {  	_ =	swait.ge [sflag:s4], $0x8000  }
0x125: {  	[sflag:s4] =	ssyncset.done $0x0  }
0x126: {  	[sflag:s4] =	ssyncadd.s32 $0xFFFF8000  }
0x127: {  	_ =	swait.ge [sflag:s11], $0x8000  }
0x128: {  	[sflag:s11] =	ssyncset.done $0x0  }
0x129: {  	s0 =	rddreg [dreg:$0xf];
	[sflag:s11] =	ssyncadd.s32 $0xFFFF8000  }
0x12a: {  	[tilespmem:s10], [sflag:$0x1] =	stream.indirect.gather [hbm4b:s3+s7], $0x40, s0, s7, $0xb8;
	[tilespmem:$0x1FE00] =	vst v63  }
0x12b: {  	s12 =	rddreg [dreg:$0x10]  }
0x12c: {  	[spmem:s2] =	stream.indirect.scatter.add.f32 [tilespmem:s9], [sflag:$0x3], $0x40, s12, s7, $0xb8;
	[tilespmem:$0x1FE00] =	vst v63  }
0x12d: {  	_ =	swait.ge [sflag:s4], $0x8000  }
0x12e: {  	[sflag:s4] =	ssyncset.done $0x0  }
0x12f: {  	[sflag:s4] =	ssyncadd.s32 $0xFFFF8000  }
0x130: {  	_ =	swait.ge [sflag:s8], $0x8000  }
0x131: {  	[sflag:s8] =	ssyncset.done $0x0  }
0x132: {  	s0 =	rddreg [dreg:$0x11];
	[sflag:s8] =	ssyncadd.s32 $0xFFFF8000  }
0x133: {  	[tilespmem:s9], [sflag:$0x2] =	stream.indirect.gather [hbm4b:s3+s7], $0x40, s0, s7, $0xb8;
	[tilespmem:$0x1FE00] =	vst v63  }
0x134: {  	s12 =	rddreg [dreg:$0x12]  }
0x135: {  	[spmem:s2] =	stream.indirect.scatter.add.f32 [tilespmem:s10], [sflag:$0x3], $0x40, s12, s7, $0xb8;
	[tilespmem:$0x1FE00] =	vst v63  }
0x136: {  	_ =	swait.ge [sflag:s4], $0x8000  }
0x137: {  	[sflag:s4] =	ssyncset.done $0x0  }
0x138: {  	[sflag:s4] =	ssyncadd.s32 $0xFFFF8000  }
0x139: {  	_ =	swait.ge [sflag:s11], $0x8000  }
0x13a: {  	[sflag:s11] =	ssyncset.done $0x0  }
0x13b: {  	s0 =	rddreg [dreg:$0x13];
	[sflag:s11] =	ssyncadd.s32 $0xFFFF8000  }
0x13c: {  	[tilespmem:s10], [sflag:$0x1] =	stream.indirect.gather [hbm4b:s3+s7], $0x40, s0, s7, $0xb8;
	[tilespmem:$0x1FE00] =	vst v63  }
0x13d: {  	s12 =	rddreg [dreg:$0x14]  }
0x13e: {  	[spmem:s2] =	stream.indirect.scatter.add.f32 [tilespmem:s9], [sflag:$0x3], $0x40, s12, s7, $0xb8;
	[tilespmem:$0x1FE00] =	vst v63  }
0x13f: {  	_ =	swait.ge [sflag:s4], $0x8000  }
0x140: {  	[sflag:s4] =	ssyncset.done $0x0  }
0x141: {  	[sflag:s4] =	ssyncadd.s32 $0xFFFF8000  }
0x142: {  	_ =	swait.ge [sflag:s8], $0x8000  }
0x143: {  	[sflag:s8] =	ssyncset.done $0x0  }
0x144: {  	s0 =	rddreg [dreg:$0x15];
	[sflag:s8] =	ssyncadd.s32 $0xFFFF8000  }
0x145: {  	[tilespmem:s9], [sflag:$0x2] =	stream.indirect.gather [hbm4b:s3+s7], $0x40, s0, s7, $0xb8;
	[tilespmem:$0x1FE00] =	vst v63  }
0x146: {  	s12 =	rddreg [dreg:$0x16]  }
0x147: {  	[spmem:s2] =	stream.indirect.scatter.add.f32 [tilespmem:s10], [sflag:$0x3], $0x40, s12, s7, $0xb8;
	[tilespmem:$0x1FE00] =	vst v63  }
0x148: {  	_ =	swait.ge [sflag:s4], $0x8000  }
0x149: {  	[sflag:s4] =	ssyncset.done $0x0  }
0x14a: {  	[sflag:s4] =	ssyncadd.s32 $0xFFFF8000  }
0x14b: {  	_ =	swait.ge [sflag:s11], $0x8000  }
0x14c: {  	[sflag:s11] =	ssyncset.done $0x0  }
0x14d: {  	s0 =	rddreg [dreg:$0x17];
	[sflag:s11] =	ssyncadd.s32 $0xFFFF8000  }
0x14e: {  	[tilespmem:s10], [sflag:$0x1] =	stream.indirect.gather [hbm4b:s3+s7], $0x40, s0, s7, $0xb8;
	[tilespmem:$0x1FE00] =	vst v63  }
0x14f: {  	s12 =	rddreg [dreg:$0x18]  }
0x150: {  	[spmem:s2] =	stream.indirect.scatter.add.f32 [tilespmem:s9], [sflag:$0x3], $0x40, s12, s7, $0xb8;
	[tilespmem:$0x1FE00] =	vst v63  }
0x151: {  	_ =	swait.ge [sflag:s4], $0x8000  }
0x152: {  	[sflag:s4] =	ssyncset.done $0x0  }
0x153: {  	[sflag:s4] =	ssyncadd.s32 $0xFFFF8000  }
0x154: {  	_ =	swait.ge [sflag:s8], $0x8000  }
0x155: {  	[sflag:s8] =	ssyncset.done $0x0  }
0x156: {  	s0 =	rddreg [dreg:$0x19];
	[sflag:s8] =	ssyncadd.s32 $0xFFFF8000  }
0x157: {  	[tilespmem:s9], [sflag:$0x2] =	stream.indirect.gather [hbm4b:s3+s7], $0x40, s0, s7, $0xb8;
	[tilespmem:$0x1FE00] =	vst v63  }
0x158: {  	s12 =	rddreg [dreg:$0x1a]  }
0x159: {  	[spmem:s2] =	stream.indirect.scatter.add.f32 [tilespmem:s10], [sflag:$0x3], $0x40, s12, s7, $0xb8;
	[tilespmem:$0x1FE00] =	vst v63  }
0x15a: {  	_ =	swait.ge [sflag:s4], $0x8000  }
0x15b: {  	[sflag:s4] =	ssyncset.done $0x0  }
0x15c: {  	[sflag:s4] =	ssyncadd.s32 $0xFFFF8000  }
0x15d: {  	_ =	swait.ge [sflag:s11], $0x8000  }
0x15e: {  	[sflag:s11] =	ssyncset.done $0x0  }
0x15f: {  	s0 =	rddreg [dreg:$0x1b];
	[sflag:s11] =	ssyncadd.s32 $0xFFFF8000  }
0x160: {  	[tilespmem:s10], [sflag:$0x1] =	stream.indirect.gather [hbm4b:s3+s7], $0x40, s0, s7, $0xb8;
	[tilespmem:$0x1FE00] =	vst v63  }
0x161: {  	s12 =	rddreg [dreg:$0x1c]  }
0x162: {  	[spmem:s2] =	stream.indirect.scatter.add.f32 [tilespmem:s9], [sflag:$0x3], $0x40, s12, s7, $0xb8;
	[tilespmem:$0x1FE00] =	vst v63  }
0x163: {  	_ =	swait.ge [sflag:s4], $0x8000  }
0x164: {  	[sflag:s4] =	ssyncset.done $0x0  }
0x165: {  	[sflag:s4] =	ssyncadd.s32 $0xFFFF8000  }
0x166: {  	_ =	swait.ge [sflag:s8], $0x8000  }
0x167: {  	[sflag:s8] =	ssyncset.done $0x0  }
0x168: {  	[sflag:s8] =	ssyncadd.s32 $0xFFFF8000  }
0x169: {  	[tilespmem:s9], [sflag:$0x2] =	stream.indirect.gather [hbm4b:s3+s7], $0x40, s29, s7, $0xb8;
	[tilespmem:$0x1FE00] =	vst v63  }
0x16a: {  	_ = 	snop  }
0x16b: {  	[spmem:s2] =	stream.indirect.scatter.add.f32 [tilespmem:s10], [sflag:$0x3], $0x40, s18, s7, $0xb8;
	[tilespmem:$0x1FE00] =	vst v63  }
0x16c: {  	_ =	swait.ge [sflag:s4], $0x8000  }
0x16d: {  	[sflag:s4] =	ssyncset.done $0x0  }
0x16e: {  	[sflag:s4] =	ssyncadd.s32 $0xFFFF8000  }
0x16f: {  	_ =	swait.ge [sflag:s11], $0x8000  }
0x170: {  	[sflag:s11] =	ssyncset.done $0x0  }
0x171: {  	[sflag:s11] =	ssyncadd.s32 $0xFFFF8000  }
0x172: {  	[tilespmem:s10], [sflag:$0x1] =	stream.indirect.gather [hbm4b:s3+s7], $0x40, s26, s7, $0xb8;
	[tilespmem:$0x1FE00] =	vst v63  }
0x173: {  	_ = 	snop  }
0x174: {  	[spmem:s2] =	stream.indirect.scatter.add.f32 [tilespmem:s9], [sflag:$0x3], $0x40, s28, s7, $0xb8;
	[tilespmem:$0x1FE00] =	vst v63  }
0x175: {  	_ =	swait.ge [sflag:s4], $0x8000  }
0x176: {  	[sflag:s4] =	ssyncset.done $0x0  }
0x177: {  	[sflag:s4] =	ssyncadd.s32 $0xFFFF8000  }
0x178: {  	_ =	swait.ge [sflag:s8], $0x8000  }
0x179: {  	[sflag:s8] =	ssyncset.done $0x0  }
0x17a: {  	[sflag:s8] =	ssyncadd.s32 $0xFFFF8000  }
0x17b: {  	[tilespmem:s9], [sflag:$0x2] =	stream.indirect.gather [hbm4b:s3+s7], $0x40, s24, s7, $0xb8;
	[tilespmem:$0x1FE00] =	vst v63  }
0x17c: {  	_ = 	snop  }
0x17d: {  	[spmem:s2] =	stream.indirect.scatter.add.f32 [tilespmem:s10], [sflag:$0x3], $0x40, s25, s7, $0xb8;
	[tilespmem:$0x1FE00] =	vst v63  }
0x17e: {  	_ =	swait.ge [sflag:s4], $0x8000  }
0x17f: {  	[sflag:s4] =	ssyncset.done $0x0  }
0x180: {  	[sflag:s4] =	ssyncadd.s32 $0xFFFF8000  }
0x181: {  	_ =	swait.ge [sflag:s11], $0x8000  }
0x182: {  	[sflag:s11] =	ssyncset.done $0x0  }
0x183: {  	[sflag:s11] =	ssyncadd.s32 $0xFFFF8000  }
0x184: {  	[tilespmem:s10], [sflag:$0x1] =	stream.indirect.gather [hbm4b:s3+s7], $0x40, s22, s7, $0xb8;
	[tilespmem:$0x1FE00] =	vst v63  }
0x185: {  	_ = 	snop  }
0x186: {  	[spmem:s2] =	stream.indirect.scatter.add.f32 [tilespmem:s9], [sflag:$0x3], $0x40, s23, s7, $0xb8;
	[tilespmem:$0x1FE00] =	vst v63  }
0x187: {  	_ =	swait.ge [sflag:s4], $0x8000  }
0x188: {  	[sflag:s4] =	ssyncset.done $0x0  }
0x189: {  	[sflag:s4] =	ssyncadd.s32 $0xFFFF8000  }
0x18a: {  	_ =	swait.ge [sflag:s8], $0x8000  }
0x18b: {  	[sflag:s8] =	ssyncset.done $0x0  }
0x18c: {  	[sflag:s8] =	ssyncadd.s32 $0xFFFF8000  }
0x18d: {  	[tilespmem:s9], [sflag:$0x2] =	stream.indirect.gather [hbm4b:s3+s7], $0x40, s20, s7, $0xb8;
	[tilespmem:$0x1FE00] =	vst v63  }
0x18e: {  	_ = 	snop  }
0x18f: {  	[spmem:s2] =	stream.indirect.scatter.add.f32 [tilespmem:s10], [sflag:$0x3], $0x40, s21, s7, $0xb8;
	[tilespmem:$0x1FE00] =	vst v63  }
0x190: {  	_ =	swait.ge [sflag:s4], $0x8000  }
0x191: {  	[sflag:s4] =	ssyncset.done $0x0  }
0x192: {  	[sflag:s4] =	ssyncadd.s32 $0xFFFF8000  }
0x193: {  	_ =	swait.ge [sflag:s11], $0x8000  }
0x194: {  	[sflag:s11] =	ssyncset.done $0x0  }
0x195: {  	s12 =	simm.s32 $0x2400;
	[sflag:s11] =	ssyncadd.s32 $0xFFFF8000  }
0x196: {  	[tilespmem:s10], [sflag:$0x1] =	stream.indirect.gather [hbm4b:s3+s7], $0x40, s12, s7, $0xb8;
	[tilespmem:$0x1FE00] =	vst v63  }
0x197: {  	_ = 	snop  }
0x198: {  	[spmem:s2] =	stream.indirect.scatter.add.f32 [tilespmem:s9], [sflag:$0x3], $0x40, s19, s7, $0xb8;
	[tilespmem:$0x1FE00] =	vst v63  }
0x199: {  	_ =	swait.ge [sflag:s4], $0x8000  }
0x19a: {  	[sflag:s4] =	ssyncset.done $0x0  }
0x19b: {  	[sflag:s4] =	ssyncadd.s32 $0xFFFF8000  }
0x19c: {  	_ =	swait.ge [sflag:s8], $0x8000  }
0x19d: {  	[sflag:s8] =	ssyncset.done $0x0  }
0x19e: {  	[sflag:s8] =	ssyncadd.s32 $0xFFFF8000  }
0x19f: {  	[tilespmem:s9], [sflag:$0x2] =	stream.indirect.gather [hbm4b:s3+s7], $0x40, s16, s7, $0xb8;
	[tilespmem:$0x1FE00] =	vst v63  }
0x1a0: {  	_ = 	snop  }
0x1a1: {  	[spmem:s2] =	stream.indirect.scatter.add.f32 [tilespmem:s10], [sflag:$0x3], $0x40, s17, s7, $0xb8;
	[tilespmem:$0x1FE00] =	vst v63  }
0x1a2: {  	_ =	swait.ge [sflag:s4], $0x8000  }
0x1a3: {  	[sflag:s4] =	ssyncset.done $0x0  }
0x1a4: {  	[sflag:s4] =	ssyncadd.s32 $0xFFFF8000  }
0x1a5: {  	_ =	swait.ge [sflag:s11], $0x8000  }
0x1a6: {  	[sflag:s11] =	ssyncset.done $0x0  }
0x1a7: {  	[sflag:s11] =	ssyncadd.s32 $0xFFFF8000  }
0x1a8: {  	[spmem:s2] =	stream.indirect.scatter.add.f32 [tilespmem:s9], [sflag:$0x3], $0x40, s15, s7, $0xb8;
	[tilespmem:$0x1FE00] =	vst v63  }
0x1a9: {  	_ =	swait.ge [sflag:s4], $0x8000  }
0x1aa: {  	[sflag:s4] =	ssyncset.done $0x0  }
0x1ab: {  	p1 =	sne.s32 s1, $0x1;
	[sflag:s4] =	ssyncadd.s32 $0xFFFF8000  }
.Ltmp2:
0x1ac: {  	[bflag:$0x0] =	sbarrier.arrive $0xFFFF;
	(pc) =	sbr.rel @p1 .LBB2_4-.Ltmp2, $4  }
0x1ad: {  	s12 =	rddreg [dreg:$0x6]  }
0x1ae: {  	[hbm:s12@s13], [sflag:s5] =	dma.strided [spmem:s6@s14], $0x1388, s8, $0x8   }
0x1af: {  	_ =	swait.ge [sflag:s4], $0x1388  }
0x1b0: {  	s1 =	sadd.s32 $0xFFFFFFFF, s1;
	s0 =	rddreg [dreg:$0x3];
	[sflag:s4] =	ssyncset.done $0x0  }
0x1b1: {  	s14 =	simm.s32 $0x4000;
	s29 =	simm.s32 $0x1A00  }
0x1b2: {  	s28 =	simm.s32 $0x4200;
	s26 =	simm.s32 $0x1C00;
	s25 =	simm.s32 $0x4400  }
0x1b3: {  	s24 =	simm.s32 $0x1E00;
	s23 =	simm.s32 $0x4600;
	s22 =	simm.s32 $0x2000  }
0x1b4: {  	s21 =	simm.s32 $0x4800;
	s20 =	simm.s32 $0x2200;
	s19 =	simm.s32 $0x4A00  }
0x1b5: {  	s18 =	simm.s32 $0x2400;
	s17 =	simm.s32 $0x4C00;
	s16 =	simm.s32 $0x2600  }
0x1b6: {  	s15 =	simm.s32 $0x4E00;
	s13 =	simm.s32 $0x10;
	s12 =	stileid.u32  }
.LBB2_6:
0x1b7: {  	[sflag:s4] =	ssyncadd.s32 @p0 $0xFFFFEC78  }
0x1b8: {  	[tilespmem:s30], [sflag:$0x3] =	stream.linear.gather [hbm4b:s0+s30], $0x2800, $0x38;
	[tilespmem:$0x1FE00] =	vst v63  }
0x1b9: {  	_ =	swait.ge [sflag:s4], $0x2800  }
0x1ba: {  	[sflag:s4] =	ssyncset.done $0x0  }
0x1bb: {  	s1 =	rddreg [dreg:$0x4];
	[sflag:s4] =	ssyncadd.s32 $0xFFFFD800  }
0x1bc: {  	[tilespmem:s31], [sflag:$0x3] =	stream.linear.gather [hbm4b:s1+s30], $0x2800, $0x38;
	[tilespmem:$0x1FE00] =	vst v63  }
0x1bd: {  	_ =	swait.ge [sflag:s4], $0x2800  }
0x1be: {  	[sflag:s4] =	ssyncset.done $0x0  }
0x1bf: {  	s1 =	rddreg [dreg:$0x5];
	[sflag:s4] =	ssyncadd.s32 $0xFFFFD800  }
0x1c0: {  	[spmem:s6], [sflag:s5] =	dma.local [hbm:s1], $0x1388  }
0x1c1: {  	_ =	swait.ge [sflag:s4], $0x1388  }
0x1c2: {  	[sflag:s4] =	ssyncset.done $0x0  }
0x1c3: {  	[sflag:s4] =	ssyncadd.s32 $0xFFFFEC78  }
0x1c4: {  	[bflag:$0x0] =	sbarrier.arrive $0xFFFF  }
0x1c5: {  	[tilespmem:s10], [sflag:$0x1] =	stream.indirect.gather [hbm4b:s3+s7], $0x40, s30, s7, $0xb8;
	[tilespmem:$0x1FE00] =	vst v63  }
0x1c6: {  	_ =	swait.ge [sflag:s8], $0x8000  }
0x1c7: {  	[sflag:s8] =	ssyncset.done $0x0  }
0x1c8: {  	[sflag:s8] =	ssyncadd.s32 $0xFFFF8000  }
0x1c9: {  	[tilespmem:s9], [sflag:$0x2] =	stream.indirect.gather [hbm4b:s3+s7], $0x40, s7, s7, $0xb8;
	[tilespmem:$0x1FE00] =	vst v63  }
0x1ca: {  	_ = 	snop  }
0x1cb: {  	[spmem:s2] =	stream.indirect.scatter.add.f32 [tilespmem:s10], [sflag:$0x3], $0x40, s31, s7, $0xb8;
	[tilespmem:$0x1FE00] =	vst v63  }
0x1cc: {  	_ =	swait.ge [sflag:s4], $0x8000  }
0x1cd: {  	[sflag:s4] =	ssyncset.done $0x0  }
0x1ce: {  	[sflag:s4] =	ssyncadd.s32 $0xFFFF8000  }
0x1cf: {  	_ =	swait.ge [sflag:s11], $0x8000  }
0x1d0: {  	[sflag:s11] =	ssyncset.done $0x0  }
0x1d1: {  	s31 =	rddreg [dreg:$0x7];
	[sflag:s11] =	ssyncadd.s32 $0xFFFF8000  }
0x1d2: {  	[tilespmem:s10], [sflag:$0x1] =	stream.indirect.gather [hbm4b:s3+s7], $0x40, s31, s7, $0xb8;
	[tilespmem:$0x1FE00] =	vst v63  }
0x1d3: {  	s1 =	rddreg [dreg:$0x8]  }
0x1d4: {  	[spmem:s2] =	stream.indirect.scatter.add.f32 [tilespmem:s9], [sflag:$0x3], $0x40, s1, s7, $0xb8;
	[tilespmem:$0x1FE00] =	vst v63  }
0x1d5: {  	_ =	swait.ge [sflag:s4], $0x8000  }
0x1d6: {  	[sflag:s4] =	ssyncset.done $0x0  }
0x1d7: {  	[sflag:s4] =	ssyncadd.s32 $0xFFFF8000  }
0x1d8: {  	_ =	swait.ge [sflag:s8], $0x8000  }
0x1d9: {  	[sflag:s8] =	ssyncset.done $0x0  }
0x1da: {  	s30 =	rddreg [dreg:$0x9];
	[sflag:s8] =	ssyncadd.s32 $0xFFFF8000  }
0x1db: {  	[tilespmem:s9], [sflag:$0x2] =	stream.indirect.gather [hbm4b:s3+s7], $0x40, s30, s7, $0xb8;
	[tilespmem:$0x1FE00] =	vst v63  }
0x1dc: {  	s31 =	rddreg [dreg:$0xa]  }
0x1dd: {  	[spmem:s2] =	stream.indirect.scatter.add.f32 [tilespmem:s10], [sflag:$0x3], $0x40, s31, s7, $0xb8;
	[tilespmem:$0x1FE00] =	vst v63  }
0x1de: {  	_ =	swait.ge [sflag:s4], $0x8000  }
0x1df: {  	[sflag:s4] =	ssyncset.done $0x0  }
0x1e0: {  	[sflag:s4] =	ssyncadd.s32 $0xFFFF8000  }
0x1e1: {  	_ =	swait.ge [sflag:s11], $0x8000  }
0x1e2: {  	[sflag:s11] =	ssyncset.done $0x0  }
0x1e3: {  	s30 =	rddreg [dreg:$0xb];
	[sflag:s11] =	ssyncadd.s32 $0xFFFF8000  }
0x1e4: {  	[tilespmem:s10], [sflag:$0x1] =	stream.indirect.gather [hbm4b:s3+s7], $0x40, s30, s7, $0xb8;
	[tilespmem:$0x1FE00] =	vst v63  }
0x1e5: {  	s31 =	rddreg [dreg:$0xc]  }
0x1e6: {  	[spmem:s2] =	stream.indirect.scatter.add.f32 [tilespmem:s9], [sflag:$0x3], $0x40, s31, s7, $0xb8;
	[tilespmem:$0x1FE00] =	vst v63  }
0x1e7: {  	_ =	swait.ge [sflag:s4], $0x8000  }
0x1e8: {  	[sflag:s4] =	ssyncset.done $0x0  }
0x1e9: {  	[sflag:s4] =	ssyncadd.s32 $0xFFFF8000  }
0x1ea: {  	_ =	swait.ge [sflag:s8], $0x8000  }
0x1eb: {  	[sflag:s8] =	ssyncset.done $0x0  }
0x1ec: {  	s30 =	rddreg [dreg:$0xd];
	[sflag:s8] =	ssyncadd.s32 $0xFFFF8000  }
0x1ed: {  	[tilespmem:s9], [sflag:$0x2] =	stream.indirect.gather [hbm4b:s3+s7], $0x40, s30, s7, $0xb8;
	[tilespmem:$0x1FE00] =	vst v63  }
0x1ee: {  	s31 =	rddreg [dreg:$0xe]  }
0x1ef: {  	[spmem:s2] =	stream.indirect.scatter.add.f32 [tilespmem:s10], [sflag:$0x3], $0x40, s31, s7, $0xb8;
	[tilespmem:$0x1FE00] =	vst v63  }
0x1f0: {  	_ =	swait.ge [sflag:s4], $0x8000  }
0x1f1: {  	[sflag:s4] =	ssyncset.done $0x0  }
0x1f2: {  	[sflag:s4] =	ssyncadd.s32 $0xFFFF8000  }
0x1f3: {  	_ =	swait.ge [sflag:s11], $0x8000  }
0x1f4: {  	[sflag:s11] =	ssyncset.done $0x0  }
0x1f5: {  	s30 =	rddreg [dreg:$0xf];
	[sflag:s11] =	ssyncadd.s32 $0xFFFF8000  }
0x1f6: {  	[tilespmem:s10], [sflag:$0x1] =	stream.indirect.gather [hbm4b:s3+s7], $0x40, s30, s7, $0xb8;
	[tilespmem:$0x1FE00] =	vst v63  }
0x1f7: {  	s31 =	rddreg [dreg:$0x10]  }
0x1f8: {  	[spmem:s2] =	stream.indirect.scatter.add.f32 [tilespmem:s9], [sflag:$0x3], $0x40, s31, s7, $0xb8;
	[tilespmem:$0x1FE00] =	vst v63  }
0x1f9: {  	_ =	swait.ge [sflag:s4], $0x8000  }
0x1fa: {  	[sflag:s4] =	ssyncset.done $0x0  }
0x1fb: {  	[sflag:s4] =	ssyncadd.s32 $0xFFFF8000  }
0x1fc: {  	_ =	swait.ge [sflag:s8], $0x8000  }
0x1fd: {  	[sflag:s8] =	ssyncset.done $0x0  }
0x1fe: {  	s30 =	rddreg [dreg:$0x11];
	[sflag:s8] =	ssyncadd.s32 $0xFFFF8000  }
0x1ff: {  	[tilespmem:s9], [sflag:$0x2] =	stream.indirect.gather [hbm4b:s3+s7], $0x40, s30, s7, $0xb8;
	[tilespmem:$0x1FE00] =	vst v63  }
0x200: {  	s31 =	rddreg [dreg:$0x12]  }
0x201: {  	[spmem:s2] =	stream.indirect.scatter.add.f32 [tilespmem:s10], [sflag:$0x3], $0x40, s31, s7, $0xb8;
	[tilespmem:$0x1FE00] =	vst v63  }
0x202: {  	_ =	swait.ge [sflag:s4], $0x8000  }
0x203: {  	[sflag:s4] =	ssyncset.done $0x0  }
0x204: {  	[sflag:s4] =	ssyncadd.s32 $0xFFFF8000  }
0x205: {  	_ =	swait.ge [sflag:s11], $0x8000  }
0x206: {  	[sflag:s11] =	ssyncset.done $0x0  }
0x207: {  	s30 =	rddreg [dreg:$0x13];
	[sflag:s11] =	ssyncadd.s32 $0xFFFF8000  }
0x208: {  	[tilespmem:s10], [sflag:$0x1] =	stream.indirect.gather [hbm4b:s3+s7], $0x40, s30, s7, $0xb8;
	[tilespmem:$0x1FE00] =	vst v63  }
0x209: {  	s31 =	rddreg [dreg:$0x14]  }
0x20a: {  	[spmem:s2] =	stream.indirect.scatter.add.f32 [tilespmem:s9], [sflag:$0x3], $0x40, s31, s7, $0xb8;
	[tilespmem:$0x1FE00] =	vst v63  }
0x20b: {  	_ =	swait.ge [sflag:s4], $0x8000  }
0x20c: {  	[sflag:s4] =	ssyncset.done $0x0  }
0x20d: {  	[sflag:s4] =	ssyncadd.s32 $0xFFFF8000  }
0x20e: {  	_ =	swait.ge [sflag:s8], $0x8000  }
0x20f: {  	[sflag:s8] =	ssyncset.done $0x0  }
0x210: {  	s30 =	rddreg [dreg:$0x15];
	[sflag:s8] =	ssyncadd.s32 $0xFFFF8000  }
0x211: {  	[tilespmem:s9], [sflag:$0x2] =	stream.indirect.gather [hbm4b:s3+s7], $0x40, s30, s7, $0xb8;
	[tilespmem:$0x1FE00] =	vst v63  }
0x212: {  	s31 =	rddreg [dreg:$0x16]  }
0x213: {  	[spmem:s2] =	stream.indirect.scatter.add.f32 [tilespmem:s10], [sflag:$0x3], $0x40, s31, s7, $0xb8;
	[tilespmem:$0x1FE00] =	vst v63  }
0x214: {  	_ =	swait.ge [sflag:s4], $0x8000  }
0x215: {  	[sflag:s4] =	ssyncset.done $0x0  }
0x216: {  	[sflag:s4] =	ssyncadd.s32 $0xFFFF8000  }
0x217: {  	_ =	swait.ge [sflag:s11], $0x8000  }
0x218: {  	[sflag:s11] =	ssyncset.done $0x0  }
0x219: {  	s30 =	rddreg [dreg:$0x17];
	[sflag:s11] =	ssyncadd.s32 $0xFFFF8000  }
0x21a: {  	[tilespmem:s10], [sflag:$0x1] =	stream.indirect.gather [hbm4b:s3+s7], $0x40, s30, s7, $0xb8;
	[tilespmem:$0x1FE00] =	vst v63  }
0x21b: {  	s31 =	rddreg [dreg:$0x18]  }
0x21c: {  	[spmem:s2] =	stream.indirect.scatter.add.f32 [tilespmem:s9], [sflag:$0x3], $0x40, s31, s7, $0xb8;
	[tilespmem:$0x1FE00] =	vst v63  }
0x21d: {  	_ =	swait.ge [sflag:s4], $0x8000  }
0x21e: {  	[sflag:s4] =	ssyncset.done $0x0  }
0x21f: {  	[sflag:s4] =	ssyncadd.s32 $0xFFFF8000  }
0x220: {  	_ =	swait.ge [sflag:s8], $0x8000  }
0x221: {  	[sflag:s8] =	ssyncset.done $0x0  }
0x222: {  	s30 =	rddreg [dreg:$0x19];
	[sflag:s8] =	ssyncadd.s32 $0xFFFF8000  }
0x223: {  	[tilespmem:s9], [sflag:$0x2] =	stream.indirect.gather [hbm4b:s3+s7], $0x40, s30, s7, $0xb8;
	[tilespmem:$0x1FE00] =	vst v63  }
0x224: {  	s31 =	rddreg [dreg:$0x1a]  }
0x225: {  	[spmem:s2] =	stream.indirect.scatter.add.f32 [tilespmem:s10], [sflag:$0x3], $0x40, s31, s7, $0xb8;
	[tilespmem:$0x1FE00] =	vst v63  }
0x226: {  	_ =	swait.ge [sflag:s4], $0x8000  }
0x227: {  	[sflag:s4] =	ssyncset.done $0x0  }
0x228: {  	[sflag:s4] =	ssyncadd.s32 $0xFFFF8000  }
0x229: {  	_ =	swait.ge [sflag:s11], $0x8000  }
0x22a: {  	[sflag:s11] =	ssyncset.done $0x0  }
0x22b: {  	s30 =	rddreg [dreg:$0x1b];
	[sflag:s11] =	ssyncadd.s32 $0xFFFF8000  }
0x22c: {  	[tilespmem:s10], [sflag:$0x1] =	stream.indirect.gather [hbm4b:s3+s7], $0x40, s30, s7, $0xb8;
	[tilespmem:$0x1FE00] =	vst v63  }
0x22d: {  	s31 =	rddreg [dreg:$0x1c]  }
0x22e: {  	[spmem:s2] =	stream.indirect.scatter.add.f32 [tilespmem:s9], [sflag:$0x3], $0x40, s31, s7, $0xb8;
	[tilespmem:$0x1FE00] =	vst v63  }
0x22f: {  	_ =	swait.ge [sflag:s4], $0x8000  }
0x230: {  	[sflag:s4] =	ssyncset.done $0x0  }
0x231: {  	[sflag:s4] =	ssyncadd.s32 $0xFFFF8000  }
0x232: {  	_ =	swait.ge [sflag:s8], $0x8000  }
0x233: {  	[sflag:s8] =	ssyncset.done $0x0  }
0x234: {  	[sflag:s8] =	ssyncadd.s32 $0xFFFF8000  }
0x235: {  	[tilespmem:s9], [sflag:$0x2] =	stream.indirect.gather [hbm4b:s3+s7], $0x40, s29, s7, $0xb8;
	[tilespmem:$0x1FE00] =	vst v63  }
0x236: {  	_ = 	snop  }
0x237: {  	[spmem:s2] =	stream.indirect.scatter.add.f32 [tilespmem:s10], [sflag:$0x3], $0x40, s14, s7, $0xb8;
	[tilespmem:$0x1FE00] =	vst v63  }
0x238: {  	_ =	swait.ge [sflag:s4], $0x8000  }
0x239: {  	[sflag:s4] =	ssyncset.done $0x0  }
0x23a: {  	[sflag:s4] =	ssyncadd.s32 $0xFFFF8000  }
0x23b: {  	_ =	swait.ge [sflag:s11], $0x8000  }
0x23c: {  	[sflag:s11] =	ssyncset.done $0x0  }
0x23d: {  	[sflag:s11] =	ssyncadd.s32 $0xFFFF8000  }
0x23e: {  	[tilespmem:s10], [sflag:$0x1] =	stream.indirect.gather [hbm4b:s3+s7], $0x40, s26, s7, $0xb8;
	[tilespmem:$0x1FE00] =	vst v63  }
0x23f: {  	_ = 	snop  }
0x240: {  	[spmem:s2] =	stream.indirect.scatter.add.f32 [tilespmem:s9], [sflag:$0x3], $0x40, s28, s7, $0xb8;
	[tilespmem:$0x1FE00] =	vst v63  }
0x241: {  	_ =	swait.ge [sflag:s4], $0x8000  }
0x242: {  	[sflag:s4] =	ssyncset.done $0x0  }
0x243: {  	[sflag:s4] =	ssyncadd.s32 $0xFFFF8000  }
0x244: {  	_ =	swait.ge [sflag:s8], $0x8000  }
0x245: {  	[sflag:s8] =	ssyncset.done $0x0  }
0x246: {  	[sflag:s8] =	ssyncadd.s32 $0xFFFF8000  }
0x247: {  	[tilespmem:s9], [sflag:$0x2] =	stream.indirect.gather [hbm4b:s3+s7], $0x40, s24, s7, $0xb8;
	[tilespmem:$0x1FE00] =	vst v63  }
0x248: {  	_ = 	snop  }
0x249: {  	[spmem:s2] =	stream.indirect.scatter.add.f32 [tilespmem:s10], [sflag:$0x3], $0x40, s25, s7, $0xb8;
	[tilespmem:$0x1FE00] =	vst v63  }
0x24a: {  	_ =	swait.ge [sflag:s4], $0x8000  }
0x24b: {  	[sflag:s4] =	ssyncset.done $0x0  }
0x24c: {  	[sflag:s4] =	ssyncadd.s32 $0xFFFF8000  }
0x24d: {  	_ =	swait.ge [sflag:s11], $0x8000  }
0x24e: {  	[sflag:s11] =	ssyncset.done $0x0  }
0x24f: {  	[sflag:s11] =	ssyncadd.s32 $0xFFFF8000  }
0x250: {  	[tilespmem:s10], [sflag:$0x1] =	stream.indirect.gather [hbm4b:s3+s7], $0x40, s22, s7, $0xb8;
	[tilespmem:$0x1FE00] =	vst v63  }
0x251: {  	_ = 	snop  }
0x252: {  	[spmem:s2] =	stream.indirect.scatter.add.f32 [tilespmem:s9], [sflag:$0x3], $0x40, s23, s7, $0xb8;
	[tilespmem:$0x1FE00] =	vst v63  }
0x253: {  	_ =	swait.ge [sflag:s4], $0x8000  }
0x254: {  	[sflag:s4] =	ssyncset.done $0x0  }
0x255: {  	[sflag:s4] =	ssyncadd.s32 $0xFFFF8000  }
0x256: {  	_ =	swait.ge [sflag:s8], $0x8000  }
0x257: {  	[sflag:s8] =	ssyncset.done $0x0  }
0x258: {  	[sflag:s8] =	ssyncadd.s32 $0xFFFF8000  }
0x259: {  	[tilespmem:s9], [sflag:$0x2] =	stream.indirect.gather [hbm4b:s3+s7], $0x40, s20, s7, $0xb8;
	[tilespmem:$0x1FE00] =	vst v63  }
0x25a: {  	_ = 	snop  }
0x25b: {  	[spmem:s2] =	stream.indirect.scatter.add.f32 [tilespmem:s10], [sflag:$0x3], $0x40, s21, s7, $0xb8;
	[tilespmem:$0x1FE00] =	vst v63  }
0x25c: {  	_ =	swait.ge [sflag:s4], $0x8000  }
0x25d: {  	[sflag:s4] =	ssyncset.done $0x0  }
0x25e: {  	[sflag:s4] =	ssyncadd.s32 $0xFFFF8000  }
0x25f: {  	_ =	swait.ge [sflag:s11], $0x8000  }
0x260: {  	[sflag:s11] =	ssyncset.done $0x0  }
0x261: {  	[sflag:s11] =	ssyncadd.s32 $0xFFFF8000  }
0x262: {  	[tilespmem:s10], [sflag:$0x1] =	stream.indirect.gather [hbm4b:s3+s7], $0x40, s18, s7, $0xb8;
	[tilespmem:$0x1FE00] =	vst v63  }
0x263: {  	_ = 	snop  }
0x264: {  	[spmem:s2] =	stream.indirect.scatter.add.f32 [tilespmem:s9], [sflag:$0x3], $0x40, s19, s7, $0xb8;
	[tilespmem:$0x1FE00] =	vst v63  }
0x265: {  	_ =	swait.ge [sflag:s4], $0x8000  }
0x266: {  	[sflag:s4] =	ssyncset.done $0x0  }
0x267: {  	[sflag:s4] =	ssyncadd.s32 $0xFFFF8000  }
0x268: {  	_ =	swait.ge [sflag:s8], $0x8000  }
0x269: {  	[sflag:s8] =	ssyncset.done $0x0  }
0x26a: {  	[sflag:s8] =	ssyncadd.s32 $0xFFFF8000  }
0x26b: {  	[tilespmem:s9], [sflag:$0x2] =	stream.indirect.gather [hbm4b:s3+s7], $0x40, s16, s7, $0xb8;
	[tilespmem:$0x1FE00] =	vst v63  }
0x26c: {  	_ = 	snop  }
0x26d: {  	[spmem:s2] =	stream.indirect.scatter.add.f32 [tilespmem:s10], [sflag:$0x3], $0x40, s17, s7, $0xb8;
	[tilespmem:$0x1FE00] =	vst v63  }
0x26e: {  	_ =	swait.ge [sflag:s4], $0x8000  }
0x26f: {  	[sflag:s4] =	ssyncset.done $0x0  }
0x270: {  	[sflag:s4] =	ssyncadd.s32 $0xFFFF8000  }
0x271: {  	_ =	swait.ge [sflag:s11], $0x8000  }
0x272: {  	[sflag:s11] =	ssyncset.done $0x0  }
0x273: {  	[sflag:s11] =	ssyncadd.s32 $0xFFFF8000  }
0x274: {  	[spmem:s2] =	stream.indirect.scatter.add.f32 [tilespmem:s9], [sflag:$0x3], $0x40, s15, s7, $0xb8;
	[tilespmem:$0x1FE00] =	vst v63  }
0x275: {  	_ =	swait.ge [sflag:s4], $0x8000  }
0x276: {  	[sflag:s4] =	ssyncset.done $0x0  }
0x277: {  	[sflag:s4] =	ssyncadd.s32 $0xFFFF8000  }
0x278: {  	[bflag:$0x0] =	sbarrier.arrive $0xFFFF  }
0x279: {  	s31 =	simm.s32 $0x8;
	s30 =	rddreg [dreg:$0x6]  }
0x27a: {  	[hbm:s30@s13], [sflag:s5] =	dma.strided [spmem:s6@s31], $0x1388, s8, $0x8   }
0x27b: {  	_ =	swait.ge [sflag:s4], $0x1388  }
0x27c: {  	[sflag:s4] =	ssyncset.done $0x0  }
0x27d: {  	[sflag:s4] =	ssyncadd.s32 $0xFFFFEC78  }
0x27e: {  	_ =	sfence.sel $0x180000  }
0x27f: {  	[bflag:$0x0] =	sbarrier.arrive $0xFFFF  }
0x280: {  	_ =	strace $0x9000004D  }
0x281: {  	[bflag:$0x2] =	sbarrier.arrive $0xFFFF  }
0x282: {  	p0 =	sne.s32 s12, $0x0;
	s0 =	rddreg [dreg:$0x2]  }
0x283: {  	s0 =	sadd.s32 @!p0 $0x100000, s0  }
0x284: {  	[sflag:s0] =	ssyncadd.tile.s32 @!p0 $0x1;
	_ =	shalt  }
.LBB2_1:
0x285: {  	s14 =	simm.s32 $0x4000;
	s29 =	simm.s32 $0x1A00  }
.Ltmp3:
0x286: {  	s28 =	simm.s32 $0x4200;
	s26 =	simm.s32 $0x1C00;
	(pc) =	sbr.rel .LBB2_6-.Ltmp3, $4  }
0x287: {  	s25 =	simm.s32 $0x4400;
	s24 =	simm.s32 $0x1E00;
	s23 =	simm.s32 $0x4600  }
0x288: {  	s22 =	simm.s32 $0x2000;
	s21 =	simm.s32 $0x4800;
	s20 =	simm.s32 $0x2200  }
0x289: {  	s19 =	simm.s32 $0x4A00;
	s18 =	simm.s32 $0x2400;
	s17 =	simm.s32 $0x4C00  }
0x28a: {  	s16 =	simm.s32 $0x2600;
	s15 =	simm.s32 $0x4E00;
	s13 =	simm.s32 $0x10  }
.LBB2_3:
0x28b: {  	s14 =	simm.s32 $0x4000;
	s29 =	simm.s32 $0x1A00;
	s28 =	simm.s32 $0x4200  }
.Ltmp4:
0x28c: {  	s26 =	simm.s32 $0x1C00;
	s25 =	simm.s32 $0x4400;
	(pc) =	sbr.rel .LBB2_6-.Ltmp4, $4  }
0x28d: {  	s24 =	simm.s32 $0x1E00;
	s23 =	simm.s32 $0x4600;
	s22 =	simm.s32 $0x2000  }
0x28e: {  	s21 =	simm.s32 $0x4800;
	s20 =	simm.s32 $0x2200;
	s19 =	simm.s32 $0x4A00  }
0x28f: {  	s18 =	simm.s32 $0x2400;
	s17 =	simm.s32 $0x4C00;
	s16 =	simm.s32 $0x2600  }
0x290: {  	s15 =	simm.s32 $0x4E00;
	s13 =	simm.s32 $0x10;
	s12 =	stileid.u32  }
.Lfunc_end2:
_tile_overlayer_lowered:
.L_overlay_start_2:
0x291: {  	(tag) =	ssettag $0x2  }
0x292: {  	s0 =	rddreg [dreg:$0x0];
	s2 =	stileid.u32  }
0x293: {  	s1 =	rddreg [dreg:$0x1];
	p0 =	sne.s32 s2, $0x0  }
0x294: {  	s3 =	rddreg [dreg:$0x2];
	[bflag:$0x3] =	sbarrier.arrive $0xFFFF;
	s2 =	simm.s32 @!p0 $0x1C03  }
0x295: {  	[timem:s3], [sflag:s2] =	dma.local @!p0 [hbm:s0], s1  }
0x296: {  	s0 =	simm.s32 @!p0 $0x3  }
0x297: {  	_ =	swait.ge @!p0 [sflag:s0], s1  }
0x298: {  	s1 =	ssub.s32 @!p0 $0x0, s1;
	[sflag:s0] =	ssyncset.done @!p0 $0x0  }
0x299: {  	[sflag:s0] =	ssyncadd.s32 @!p0 s1  }
0x29a: {  	[bflag:$0x3] =	sbarrier.arrive $0xFFFF  }
0x29b: {  	_ =	shalt  }

// kernel: kernel.8.cloned.1.call-start
scs
__scs_entry_jumppad:
0x0: {  	(pc) =	sbr.rel $0x88, $3  }
0x1: {  	(tag) =	ssettag $0x0;
	lr =	simm.s32 $0x1  }
0x2: {  	[smem:$0x3F92] =	sst lr;
	_ =	strace $0xD0000000  }
0x3: {  	_ = 	snop  }
0x4: {  	_ = 	snop  }
0x5: {  	_ = 	snop  }
0x6: {  	_ = 	snop  }
0x7: {  	_ = 	snop  }
__scs_overlays_trampoline_lowered:
0x8: {  	[smem:$0x3FA1] =	sst s0  }
0x9: {  	[smem:$0x3FA2] =	sst s1  }
0xa: {  	[smem:$0x3FA3] =	sst s2  }
0xb: {  	[smem:$0x3FA4] =	sst s3  }
0xc: {  	[smem:$0x3FA5] =	sst s4  }
0xd: {  	[smem:$0x3FA6] =	sst s5  }
0xe: {  	[smem:$0x3FA7] =	sst s6  }
0xf: {  	[smem:$0x3FA8] =	sst s7  }
0x10: {  	[smem:$0x3FA9] =	sst s8  }
0x11: {  	[smem:$0x3FAA] =	sst s9;
	s0 =	simm.s32 @!p0 $0x0  }
0x12: {  	s1 =	sld [smem:$0x3F90];
	s0 =	simm.s32 @p0 $0x1  }
0x13: {  	[smem:$0x3FAB] =	sst s0;
	s0 =	simm.s32 @!p1 $0x0  }
0x14: {  	s2 =	sld [smem:$0x3F8F];
	s0 =	simm.s32 @p1 $0x1  }
0x15: {  	[smem:$0x3FAC] =	sst s0;
	s0 =	simm.s32 @!p2 $0x0  }
0x16: {  	s3 =	sld [smem:$0x3FDB];
	s0 =	simm.s32 @p2 $0x1  }
0x17: {  	s4 =	simm.s32 $0x1BF5;
	[smem:$0x3FAE] =	sst s0  }
0x18: {  	s0 =	sld [smem:$0x3F91];
	_ =	swait.ge [sflag:s4], $0x0  }
0x19: {  	s7 =	sld [smem:$0x3F92]  }
0x1a: {  	s8 =	sadd.s32 $0xFFFFE003, lr  }
0x1b: {  	s9 =	sadd.s32 $0xFFFFFEF7, lr;
	s5 =	simm.s32 $0xFFFFFFFF;
	p2 =	slt.u32 s8, $0xFFFFF086  }
0x1c: {  	p1 =	slt.u32 s9, $0xF7A;
	s5 =	simm.s32 @!p2 $0x0  }
0x1d: {  	s5 =	simm.s32 @p1 $0x1;
	p0 =	seq.s32 s7, s2  }
0x1e: {  	s7 =	smul.u32 @!p0 $0xF7A, s2;
	p2 =	seq.s32 @!p0 s5, $0x0  }
0x1f: {  	s9 =	smul.u32 $0xF7A, s1;
	s8 =	simm.s32 @!p0 $0x1BF5;
	p2 =	por !p2, p0  }
0x20: {  	[sflag:s8] =	ssyncset.s32 @!p0 $0xFFFFF086;
	s6 =	sadd.s32 @!p0 s3, s7;
	s7 =	simm.s32 @!p0 $0x108  }
0x21: {  	s3 =	sadd.s32 s3, s9;
	s6 =	sadd.s32 @!p0 $0x88, s6;
	s7 =	simm.s32 @p2 $0x1082  }
0x22: {  	[simem:s7], [sflag:s8] =	dma.local @!p0 [hbm:s6], $0xF7A  }
0x23: {  	s9 =	sor.u32 $0xD0000000, s2;
	s6 =	simm.s32 $0x108;
	_ =	swait.ge @!p0 [sflag:s8], $0x0  }
0x24: {  	s3 =	sadd.s32 $0x88, s3;
	s6 =	simm.s32 @!p1 $0x1082;
	[sflag:s4] =	ssyncset.s32 $0xFFFFF086  }
0x25: {  	[simem:s6], [sflag:s4] =	dma.local [hbm:s3], $0xF7A  }
0x26: {  	[smem:$0x3F92] =	sst s1;
	(tag) =	ssettag s2;
	_ =	strace s9  }
0x27: {  	s1 =	sld [smem:$0x3FA2]  }
0x28: {  	s2 =	sld [smem:$0x3FA3]  }
0x29: {  	s4 =	sld [smem:$0x3FA5]  }
0x2a: {  	p0 =	seq.s32 s5, $0x0;
	s5 =	sld [smem:$0x3FA6]  }
0x2b: {  	s6 =	sld [smem:$0x3FA7]  }
0x2c: {  	s7 =	sld [smem:$0x3FA8]  }
0x2d: {  	s3 =	simm.s32 $0x108;
	s8 =	sld [smem:$0x3FA9]  }
0x2e: {  	s3 =	simm.s32 @!p0 $0x1082;
	s9 =	sld [smem:$0x3FAA]  }
0x2f: {  	lr =	sadd.s32 s0, s3;
	s0 =	sld [smem:$0x3FA1]  }
0x30: {  	s3 =	sld [smem:$0x3FA4]  }
0x31: {  	[smem:$0x3FAD] =	sst s10  }
0x32: {  	s10 =	sld [smem:$0x3FAB];
	_ =	sdelay $0x3  }
0x33: {  	p0 =	seq.s32 s10, $0x1;
	s10 =	sld [smem:$0x3FAD];
	_ =	sdelay $0x3  }
0x34: {  	[smem:$0x3FAD] =	sst s10  }
0x35: {  	s10 =	sld [smem:$0x3FAC];
	_ =	sdelay $0x3  }
0x36: {  	p1 =	seq.s32 s10, $0x1;
	s10 =	sld [smem:$0x3FAD];
	_ =	sdelay $0x3  }
0x37: {  	[smem:$0x3FAD] =	sst s10  }
0x38: {  	s10 =	sld [smem:$0x3FAE]  }
0x39: {  	_ = 	snop;
	(pc) =	sbr.ind lr, $3  }
0x3a: {  	_ = 	snop  }
0x3b: {  	_ = 	snop  }
0x3c: {  	p2 =	seq.s32 s10, $0x1;
	s10 =	sld [smem:$0x3FAD]  }
0x3d: {  	_ =	shalt  }
0x3e: {  	_ =	shalt  }
0x3f: {  	_ =	shalt  }
0x40: {  	_ =	shalt  }
0x41: {  	_ =	shalt  }
0x42: {  	_ =	shalt  }
0x43: {  	_ =	shalt  }
0x44: {  	_ =	shalt  }
0x45: {  	_ =	shalt  }
0x46: {  	_ =	shalt  }
0x47: {  	_ =	shalt  }
0x48: {  	_ =	shalt  }
0x49: {  	_ =	shalt  }
0x4a: {  	_ =	shalt  }
0x4b: {  	_ =	shalt  }
0x4c: {  	_ =	shalt  }
0x4d: {  	_ =	shalt  }
0x4e: {  	_ =	shalt  }
0x4f: {  	_ =	shalt  }
0x50: {  	_ =	shalt  }
0x51: {  	_ =	shalt  }
0x52: {  	_ =	shalt  }
0x53: {  	_ =	shalt  }
0x54: {  	_ =	shalt  }
0x55: {  	_ =	shalt  }
0x56: {  	_ =	shalt  }
0x57: {  	_ =	shalt  }
0x58: {  	_ =	shalt  }
0x59: {  	_ =	shalt  }
0x5a: {  	_ =	shalt  }
0x5b: {  	_ =	shalt  }
0x5c: {  	_ =	shalt  }
0x5d: {  	_ =	shalt  }
0x5e: {  	_ =	shalt  }
0x5f: {  	_ =	shalt  }
0x60: {  	_ =	shalt  }
0x61: {  	_ =	shalt  }
0x62: {  	_ =	shalt  }
0x63: {  	_ =	shalt  }
0x64: {  	_ =	shalt  }
0x65: {  	_ =	shalt  }
0x66: {  	_ =	shalt  }
0x67: {  	_ =	shalt  }
0x68: {  	_ =	shalt  }
0x69: {  	_ =	shalt  }
0x6a: {  	_ =	shalt  }
0x6b: {  	_ =	shalt  }
0x6c: {  	_ =	shalt  }
0x6d: {  	_ =	shalt  }
0x6e: {  	_ =	shalt  }
0x6f: {  	_ =	shalt  }
0x70: {  	_ =	shalt  }
0x71: {  	_ =	shalt  }
0x72: {  	_ =	shalt  }
0x73: {  	_ =	shalt  }
0x74: {  	_ =	shalt  }
0x75: {  	_ =	shalt  }
0x76: {  	_ =	shalt  }
0x77: {  	_ =	shalt  }
0x78: {  	_ =	shalt  }
0x79: {  	_ =	shalt  }
0x7a: {  	_ =	shalt  }
0x7b: {  	_ =	shalt  }
0x7c: {  	_ =	shalt  }
0x7d: {  	_ =	shalt  }
0x7e: {  	_ =	shalt  }
0x7f: {  	_ =	shalt  }
0x80: {  	_ =	shalt  }
0x81: {  	_ =	shalt  }
0x82: {  	_ =	shalt  }
0x83: {  	_ =	shalt  }
0x84: {  	_ =	shalt  }
0x85: {  	_ =	shalt  }
0x86: {  	_ =	shalt  }
0x87: {  	_ =	shalt  }
.Lfunc_end0:
.L_simem_size_0:
called_computation_lowered:
.L_overlay_start_0:
0x88: {  	s2 =	sld [smem:$0x3FD9]  }
0x89: {  	s3 =	sld [smem:$0x3FFE];
	_ =	sdelay $0x1  }
0x8a: {  	s1 =	srdreg.scid  }
0x8b: {  	s0 =	sand.u32 $0x1, s1  }
0x8c: {  	s17 =	sshll.u32 s0, $0xA;
	s2 =	sadd.s32 s3, s2  }
0x8d: {  	s2 =	sadd.s32 s2, s17  }
0x8e: {  	[smem:$0x3FB9] =	sst s2  }
0x8f: {  	_ = 	snop  }
0x90: {  	s2 =	sld [smem:$0x3FD0];
	(tm) =	ssettm $0x1  }
0x91: {  	s18 =	sld [smem:$0x3FFB];
	_ =	sdelay $0x3  }
0x92: {  	_ =	strace s18  }
0x93: {  	s3 =	sld [smem:$0x3FFC];
	_ =	sdelay $0x3  }
0x94: {  	_ =	strace s3  }
0x95: {  	s3 =	sld [smem:$0x3FFD];
	_ =	sdelay $0x3  }
0x96: {  	_ =	strace s3  }
0x97: {  	_ =	strace $0x8FFFFFFF  }
0x98: {  	s19 =	sld [smem:$0x3FDB];
	_ =	sdelay $0x1  }
0x99: {  	s4 =	simm.s32 $_scs_section_size  }
0x9a: {  	s5 =	simm.s32 $_size__tile_overlayer_lowered;
	s6 =	simm.s32 $_tile_overlayer_lowered  }
0x9b: {  	s22 =	simm.s32 $0x1BFF;
	s21 =	sshll.u32 s6, $0x1;
	s3 =	sadd.s32 s4, s19  }
0x9c: {  	s7 =	simm.s32 $0x0;
	s20 =	sshll.u32 s5, $0x1;
	s5 =	sadd.s32 s21, s3  }
0x9d: {  	[timem:s7], [sflag:s22] =	dma.local [hbm:s5], s20  }
0x9e: {  	_ =	swait.ge [sflag:s22], s20  }
0x9f: {  	s4 =	ssub.s32 $0x0, s20;
	[sflag:s22] =	ssyncset.done $0x0  }
0xa0: {  	[sflag:s22] =	ssyncadd.s32 s4;
	_ =	sdelay $0x1  }
0xa1: {  	s23 =	simm.s32 $0x1B8B  }
0xa2: {  	_ =	swait.ge [sflag:s23], $0x1  }
0xa3: {  	[sflag:s23] =	ssyncset.done $0x0  }
0xa4: {  	s25 =	simm.s32 $0x1B8E;
	s24 =	sld [smem:$0x3FFE];
	[sflag:s23] =	ssyncadd.s32 $0xFFFFFFFF  }
0xa5: {  	s26 =	simm.s32 $execute0_lowered;
	[smem:$0x3FD2] =	sst s25  }
0xa6: {  	s5 =	sshll.u32 s26, $0x1;
	_ =	strace $0x80000046;
	[dreg:$0x1] =	wrdreg $0xFFFFFFFF  }
0xa7: {  	s28 =	simm.s32 $_size_execute0_lowered;
	s3 =	sadd.s32 s3, s5;
	[dreg:$0x0] =	wrdreg $0x0  }
0xa8: {  	s5 =	sshll.u32 s28, $0x1;
	[dreg:$0x2] =	wrdreg s3  }
0xa9: {  	[dreg:$0x3] =	wrdreg s5  }
0xaa: {  	[dreg:$0x4] =	wrdreg $0xC0  }
0xab: {  	_ =	task [dreg:s7], $0x5FFFF  }
0xac: {  	[dreg:$0x1] =	wrdreg $0xFFFFFFFF  }
0xad: {  	[dreg:$0x0] =	wrdreg $0x60  }
0xae: {  	[dreg:$0x2] =	wrdreg s24  }
0xaf: {  	[dreg:$0x3] =	wrdreg s2  }
0xb0: {  	[dreg:$0x4] =	wrdreg $0x48000  }
0xb1: {  	[dreg:$0x5] =	wrdreg $0x9  }
0xb2: {  	_ =	task.clear_ibuf [dreg:s7], $0x6FFFF;
	_ =	strace $0x90000046  }
0xb3: {  	s29 =	simm.s32 $0x9;
	_ =	strace $0x80000048  }
0xb4: {  	_ =	swait.ge [sflag:s29], $0x1  }
0xb5: {  	[sflag:s29] =	ssyncadd.s32 $0xFFFFFFFF  }
0xb6: {  	_ =	strace $0x90000048  }
0xb7: {  	_ =	sfence  }
0xb8: {  	s30 =	sld [smem:$0x0];
	_ =	sdelay $0x2  }
0xb9: {  	s31 =	sshll.u32 s1, $0xD;
	s1 =	sshrl.u32 s1, $0x2  }
0xba: {  	s3 =	sand.u32 $0x4000, s31;
	s1 =	sadd.s32 s1, s30  }
0xbb: {  	s0 =	sor.u32 s3, s0;
	s1 =	sshll.u32 s1, $0x11  }
0xbc: {  	s0 =	sor.u32 s1, s0  }
0xbd: {  	s0 =	sadd.s32 $0x8F2B, s0  }
0xbe: {  	[sflag:s0] =	ssyncadd.remote.s32 $0x1  }
0xbf: {  	_ =	sfence.sel $0xFFFF  }
0xc0: {  	[dreg:$0x0] =	wrdreg $0xFFFFFFFF;
	(pc) =	sbr.abs _section_cstart, $3  }
0xc1: {  	[dreg:$0x1] =	wrdreg $0xFFFFFFFF  }
0xc2: {  	_ =	task.clear_ibuf [dreg:s7], $0x2FFFF;
	_ =	strace $0x9FFFFFFF  }
0xc3: {  	(tm) =	ssettm $0x7FFFFFFF  }
tec
execute0_lowered:
.L_overlay_start_1:
0x0: {  	(tag) =	ssettag $0x1  }
0x1: {  	s0 =	srdreg.scid  }
0x2: {  	s28 =	sand.u32 $0x1, s0  }
0x3: {  	s24 =	stileid.u32;
	s3 =	sshll.u32 s28, $0x4  }
0x4: {  	s1 =	rddreg [dreg:$0x0];
	s3 =	sor.u32 s24, s3  }
0x5: {  	s2 =	rddreg [dreg:$0x1];
	s4 =	smul.u32 $0x500, s3  }
0x6: {  	[dreg:$0x4] =	wrdreg s2  }
0x7: {  	s2 =	rddreg [dreg:$0x2];
	s3 =	simm.s32 $0x0;
	s4 =	sadd.s32 s4, s1  }
0x8: {  	[smem:$0x7FF] =	sst s3;
	s4 =	sadd.s32 $0x4200, s4  }
0x9: {  	_ =	strace $0x80000047;
	[dreg:$0x5] =	wrdreg s4  }
0xa: {  	s4 =	simm.s32 $0x1;
	s5 =	rddreg [dreg:$0x5]  }
0xb: {  	[tilespmem:s3], [sflag:$0x1] =	stream.linear.gather [hbm4b:s5+s3], $0x2800, $0x38;
	[tilespmem:$0x7380] =	vst v63  }
0xc: {  	_ =	swait.ge [sflag:s4], $0x2800  }
0xd: {  	s29 =	smul.u32 $0x2710, s24;
	s26 =	sshll.u32 s24, $0x6;
	[sflag:s4] =	ssyncset.done $0x0  }
0xe: {  	s5 =	simm.s32 $0x2800;
	s6 =	rddreg [dreg:$0x4];
	[sflag:s4] =	ssyncadd.s32 $0xFFFFD800  }
0xf: {  	[tilespmem:s5], [sflag:$0x1] =	stream.linear.gather [hbm4b:s6+s3], $0x2000, $0x38;
	[tilespmem:$0x7380] =	vst v63  }
0x10: {  	s7 =	sshrl.u32 s29, $0x3;
	s8 =	sadd.s32 s29, s2;
	_ =	swait.ge [sflag:s4], $0x2000  }
0x11: {  	s25 =	sadd.s32 s7, s1;
	s7 =	sor.u32 $0x1C01, s26;
	[sflag:s4] =	ssyncset.done $0x0  }
0x12: {  	s8 =	sshrl.u32 s8, $0x3;
	s6 =	sadd.s32 $0x18200, s25;
	[sflag:s4] =	ssyncadd.s32 $0xFFFFE000  }
0x13: {  	[spmem:s8], [sflag:s7] =	dma.local [hbm:s6], $0x4E2  }
0x14: {  	_ =	swait.ge [sflag:s4], $0x4E2  }
0x15: {  	[sflag:s4] =	ssyncset.done $0x0  }
0x16: {  	[sflag:s4] =	ssyncadd.s32 $0xFFFFFB1E  }
0x17: {  	s9 =	simm.s32 $0x200;
	[bflag:$0x0] =	sbarrier.arrive $0xFFFF  }
0x18: {  	[spmem:s2] =	stream.indirect.scatter.add.f32 [tilespmem:s5], [sflag:$0x1], $0x10, s3, s9, $0xb8;
	[tilespmem:$0x7380] =	vst v63  }
0x19: {  	_ =	swait.ge [sflag:s4], $0x2000  }
0x1a: {  	[sflag:s4] =	ssyncset.done $0x0  }
0x1b: {  	[sflag:s4] =	ssyncadd.s32 $0xFFFFE000  }
0x1c: {  	[spmem:s2] =	stream.indirect.scatter.add.f32 [tilespmem:s5], [sflag:$0x1], $0x10, s9, s9, $0xb8;
	[tilespmem:$0x7380] =	vst v63  }
0x1d: {  	_ =	swait.ge [sflag:s4], $0x2000  }
0x1e: {  	[sflag:s4] =	ssyncset.done $0x0  }
0x1f: {  	s10 =	simm.s32 $0x400;
	[sflag:s4] =	ssyncadd.s32 $0xFFFFE000  }
0x20: {  	[spmem:s2] =	stream.indirect.scatter.add.f32 [tilespmem:s5], [sflag:$0x1], $0x10, s10, s9, $0xb8;
	[tilespmem:$0x7380] =	vst v63  }
0x21: {  	_ =	swait.ge [sflag:s4], $0x2000  }
0x22: {  	[sflag:s4] =	ssyncset.done $0x0  }
0x23: {  	s11 =	simm.s32 $0x600;
	[sflag:s4] =	ssyncadd.s32 $0xFFFFE000  }
0x24: {  	[spmem:s2] =	stream.indirect.scatter.add.f32 [tilespmem:s5], [sflag:$0x1], $0x10, s11, s9, $0xb8;
	[tilespmem:$0x7380] =	vst v63  }
0x25: {  	_ =	swait.ge [sflag:s4], $0x2000  }
0x26: {  	[sflag:s4] =	ssyncset.done $0x0  }
0x27: {  	s12 =	simm.s32 $0x800;
	[sflag:s4] =	ssyncadd.s32 $0xFFFFE000  }
0x28: {  	[spmem:s2] =	stream.indirect.scatter.add.f32 [tilespmem:s5], [sflag:$0x1], $0x10, s12, s9, $0xb8;
	[tilespmem:$0x7380] =	vst v63  }
0x29: {  	_ =	swait.ge [sflag:s4], $0x2000  }
0x2a: {  	[sflag:s4] =	ssyncset.done $0x0  }
0x2b: {  	s13 =	simm.s32 $0xA00;
	[sflag:s4] =	ssyncadd.s32 $0xFFFFE000  }
0x2c: {  	[spmem:s2] =	stream.indirect.scatter.add.f32 [tilespmem:s5], [sflag:$0x1], $0x10, s13, s9, $0xb8;
	[tilespmem:$0x7380] =	vst v63  }
0x2d: {  	_ =	swait.ge [sflag:s4], $0x2000  }
0x2e: {  	[sflag:s4] =	ssyncset.done $0x0  }
0x2f: {  	s14 =	simm.s32 $0xC00;
	[sflag:s4] =	ssyncadd.s32 $0xFFFFE000  }
0x30: {  	[spmem:s2] =	stream.indirect.scatter.add.f32 [tilespmem:s5], [sflag:$0x1], $0x10, s14, s9, $0xb8;
	[tilespmem:$0x7380] =	vst v63  }
0x31: {  	_ =	swait.ge [sflag:s4], $0x2000  }
0x32: {  	[sflag:s4] =	ssyncset.done $0x0  }
0x33: {  	s15 =	simm.s32 $0xE00;
	[sflag:s4] =	ssyncadd.s32 $0xFFFFE000  }
0x34: {  	[spmem:s2] =	stream.indirect.scatter.add.f32 [tilespmem:s5], [sflag:$0x1], $0x10, s15, s9, $0xb8;
	[tilespmem:$0x7380] =	vst v63  }
0x35: {  	_ =	swait.ge [sflag:s4], $0x2000  }
0x36: {  	[sflag:s4] =	ssyncset.done $0x0  }
0x37: {  	s16 =	simm.s32 $0x1000;
	[sflag:s4] =	ssyncadd.s32 $0xFFFFE000  }
0x38: {  	[spmem:s2] =	stream.indirect.scatter.add.f32 [tilespmem:s5], [sflag:$0x1], $0x10, s16, s9, $0xb8;
	[tilespmem:$0x7380] =	vst v63  }
0x39: {  	_ =	swait.ge [sflag:s4], $0x2000  }
0x3a: {  	[sflag:s4] =	ssyncset.done $0x0  }
0x3b: {  	s17 =	simm.s32 $0x1200;
	[sflag:s4] =	ssyncadd.s32 $0xFFFFE000  }
0x3c: {  	[spmem:s2] =	stream.indirect.scatter.add.f32 [tilespmem:s5], [sflag:$0x1], $0x10, s17, s9, $0xb8;
	[tilespmem:$0x7380] =	vst v63  }
0x3d: {  	_ =	swait.ge [sflag:s4], $0x2000  }
0x3e: {  	[sflag:s4] =	ssyncset.done $0x0  }
0x3f: {  	s18 =	simm.s32 $0x1400;
	[sflag:s4] =	ssyncadd.s32 $0xFFFFE000  }
0x40: {  	[spmem:s2] =	stream.indirect.scatter.add.f32 [tilespmem:s5], [sflag:$0x1], $0x10, s18, s9, $0xb8;
	[tilespmem:$0x7380] =	vst v63  }
0x41: {  	_ =	swait.ge [sflag:s4], $0x2000  }
0x42: {  	[sflag:s4] =	ssyncset.done $0x0  }
0x43: {  	s19 =	simm.s32 $0x1600;
	[sflag:s4] =	ssyncadd.s32 $0xFFFFE000  }
0x44: {  	[spmem:s2] =	stream.indirect.scatter.add.f32 [tilespmem:s5], [sflag:$0x1], $0x10, s19, s9, $0xb8;
	[tilespmem:$0x7380] =	vst v63  }
0x45: {  	_ =	swait.ge [sflag:s4], $0x2000  }
0x46: {  	[sflag:s4] =	ssyncset.done $0x0  }
0x47: {  	s20 =	simm.s32 $0x1800;
	[sflag:s4] =	ssyncadd.s32 $0xFFFFE000  }
0x48: {  	[spmem:s2] =	stream.indirect.scatter.add.f32 [tilespmem:s5], [sflag:$0x1], $0x10, s20, s9, $0xb8;
	[tilespmem:$0x7380] =	vst v63  }
0x49: {  	_ =	swait.ge [sflag:s4], $0x2000  }
0x4a: {  	[sflag:s4] =	ssyncset.done $0x0  }
0x4b: {  	s21 =	simm.s32 $0x1A00;
	[sflag:s4] =	ssyncadd.s32 $0xFFFFE000  }
0x4c: {  	[spmem:s2] =	stream.indirect.scatter.add.f32 [tilespmem:s5], [sflag:$0x1], $0x10, s21, s9, $0xb8;
	[tilespmem:$0x7380] =	vst v63  }
0x4d: {  	_ =	swait.ge [sflag:s4], $0x2000  }
0x4e: {  	[sflag:s4] =	ssyncset.done $0x0  }
0x4f: {  	s22 =	simm.s32 $0x1C00;
	[sflag:s4] =	ssyncadd.s32 $0xFFFFE000  }
0x50: {  	[spmem:s2] =	stream.indirect.scatter.add.f32 [tilespmem:s5], [sflag:$0x1], $0x10, s22, s9, $0xb8;
	[tilespmem:$0x7380] =	vst v63  }
0x51: {  	_ =	swait.ge [sflag:s4], $0x2000  }
0x52: {  	[sflag:s4] =	ssyncset.done $0x0  }
0x53: {  	s23 =	simm.s32 $0x1E00;
	[sflag:s4] =	ssyncadd.s32 $0xFFFFE000  }
0x54: {  	[spmem:s2] =	stream.indirect.scatter.add.f32 [tilespmem:s5], [sflag:$0x1], $0x10, s23, s9, $0xb8;
	[tilespmem:$0x7380] =	vst v63  }
0x55: {  	_ =	swait.ge [sflag:s4], $0x2000  }
0x56: {  	[sflag:s4] =	ssyncset.done $0x0  }
0x57: {  	s24 =	simm.s32 $0x2000;
	[sflag:s4] =	ssyncadd.s32 $0xFFFFE000  }
0x58: {  	[spmem:s2] =	stream.indirect.scatter.add.f32 [tilespmem:s5], [sflag:$0x1], $0x10, s24, s9, $0xb8;
	[tilespmem:$0x7380] =	vst v63  }
0x59: {  	_ =	swait.ge [sflag:s4], $0x2000  }
0x5a: {  	[sflag:s4] =	ssyncset.done $0x0  }
0x5b: {  	s25 =	simm.s32 $0x2200;
	[sflag:s4] =	ssyncadd.s32 $0xFFFFE000  }
0x5c: {  	[spmem:s2] =	stream.indirect.scatter.add.f32 [tilespmem:s5], [sflag:$0x1], $0x10, s25, s9, $0xb8;
	[tilespmem:$0x7380] =	vst v63  }
0x5d: {  	_ =	swait.ge [sflag:s4], $0x2000  }
0x5e: {  	s30 =	smul.u32 $0x27100, s28;
	[sflag:s4] =	ssyncset.done $0x0  }
0x5f: {  	s31 =	ssub.s32 $0x2, s28;
	s26 =	simm.s32 $0x2400;
	[sflag:s4] =	ssyncadd.s32 $0xFFFFE000  }
0x60: {  	[spmem:s2] =	stream.indirect.scatter.add.f32 [tilespmem:s5], [sflag:$0x1], $0x10, s26, s9, $0xb8;
	[tilespmem:$0x7380] =	vst v63  }
0x61: {  	s29 =	sadd.s32 s29, s30;
	s30 =	sshrl.u32 s31, $0x1;
	_ =	swait.ge [sflag:s4], $0x2000  }
0x62: {  	s30 =	ssub.s32 s31, s30;
	[sflag:s4] =	ssyncset.done $0x0  }
0x63: {  	s28 =	simm.s32 $0x2600;
	s0 =	smax.u32 s30, $0x1;
	[sflag:s4] =	ssyncadd.s32 $0xFFFFE000  }
0x64: {  	[spmem:s2] =	stream.indirect.scatter.add.f32 [tilespmem:s5], [sflag:$0x1], $0x10, s28, s9, $0xb8;
	[tilespmem:$0x7380] =	vst v63  }
0x65: {  	p0 =	sne.s32 s0, $0x1;
	_ =	swait.ge [sflag:s4], $0x2000  }
.Ltmp0:
0x66: {  	[sflag:s4] =	ssyncset.done $0x0;
	(pc) =	sbr.rel @!p0 .LBB2_2-.Ltmp0, $4  }
0x67: {  	s31 =	simm.s32 $0x2;
	s1 =	sadd.s32 s29, s1;
	[sflag:s4] =	ssyncadd.s32 $0xFFFFE000  }
0x68: {  	s30 =	simm.s32 $0x10;
	s29 =	sadd.s32 $0x1D200, s1;
	[bflag:$0x0] =	sbarrier.arrive $0xFFFF  }
0x69: {  	[hbm:s29@s30], [sflag:s7] =	dma.strided [spmem:s8@s31], $0x4E2, s4, $0x2   }
0x6a: {  	s1 =	sadd.s32 $0xFFFFFFFF, s0;
	_ =	swait.ge [sflag:s4], $0x4E2  }
.LBB2_1:
0x6b: {  	[sflag:s4] =	ssyncset.done $0x0  }
0x6c: {  	s0 =	rddreg [dreg:$0x5];
	[sflag:s4] =	ssyncadd.s32 $0xFFFFFB1E  }
0x6d: {  	[tilespmem:s3], [sflag:$0x1] =	stream.linear.gather [hbm4b:s0+s3], $0x2800, $0x38;
	[tilespmem:$0x7380] =	vst v63  }
0x6e: {  	_ =	swait.ge [sflag:s4], $0x2800  }
0x6f: {  	[sflag:s4] =	ssyncset.done $0x0  }
0x70: {  	s0 =	rddreg [dreg:$0x4];
	[sflag:s4] =	ssyncadd.s32 $0xFFFFD800  }
0x71: {  	[tilespmem:s5], [sflag:$0x1] =	stream.linear.gather [hbm4b:s0+s3], $0x2000, $0x38;
	[tilespmem:$0x7380] =	vst v63  }
0x72: {  	_ =	swait.ge [sflag:s4], $0x2000  }
0x73: {  	[sflag:s4] =	ssyncset.done $0x0  }
0x74: {  	[sflag:s4] =	ssyncadd.s32 $0xFFFFE000  }
0x75: {  	[spmem:s8], [sflag:s7] =	dma.local [hbm:s6], $0x4E2  }
0x76: {  	_ =	swait.ge [sflag:s4], $0x4E2  }
0x77: {  	[sflag:s4] =	ssyncset.done $0x0  }
0x78: {  	[sflag:s4] =	ssyncadd.s32 $0xFFFFFB1E  }
0x79: {  	[bflag:$0x0] =	sbarrier.arrive $0xFFFF  }
0x7a: {  	[spmem:s2] =	stream.indirect.scatter.add.f32 [tilespmem:s5], [sflag:$0x1], $0x10, s3, s9, $0xb8;
	[tilespmem:$0x7380] =	vst v63  }
0x7b: {  	_ =	swait.ge [sflag:s4], $0x2000  }
0x7c: {  	[sflag:s4] =	ssyncset.done $0x0  }
0x7d: {  	[sflag:s4] =	ssyncadd.s32 $0xFFFFE000  }
0x7e: {  	[spmem:s2] =	stream.indirect.scatter.add.f32 [tilespmem:s5], [sflag:$0x1], $0x10, s9, s9, $0xb8;
	[tilespmem:$0x7380] =	vst v63  }
0x7f: {  	_ =	swait.ge [sflag:s4], $0x2000  }
0x80: {  	[sflag:s4] =	ssyncset.done $0x0  }
0x81: {  	[sflag:s4] =	ssyncadd.s32 $0xFFFFE000  }
0x82: {  	[spmem:s2] =	stream.indirect.scatter.add.f32 [tilespmem:s5], [sflag:$0x1], $0x10, s10, s9, $0xb8;
	[tilespmem:$0x7380] =	vst v63  }
0x83: {  	_ =	swait.ge [sflag:s4], $0x2000  }
0x84: {  	[sflag:s4] =	ssyncset.done $0x0  }
0x85: {  	[sflag:s4] =	ssyncadd.s32 $0xFFFFE000  }
0x86: {  	[spmem:s2] =	stream.indirect.scatter.add.f32 [tilespmem:s5], [sflag:$0x1], $0x10, s11, s9, $0xb8;
	[tilespmem:$0x7380] =	vst v63  }
0x87: {  	_ =	swait.ge [sflag:s4], $0x2000  }
0x88: {  	[sflag:s4] =	ssyncset.done $0x0  }
0x89: {  	[sflag:s4] =	ssyncadd.s32 $0xFFFFE000  }
0x8a: {  	[spmem:s2] =	stream.indirect.scatter.add.f32 [tilespmem:s5], [sflag:$0x1], $0x10, s12, s9, $0xb8;
	[tilespmem:$0x7380] =	vst v63  }
0x8b: {  	_ =	swait.ge [sflag:s4], $0x2000  }
0x8c: {  	[sflag:s4] =	ssyncset.done $0x0  }
0x8d: {  	[sflag:s4] =	ssyncadd.s32 $0xFFFFE000  }
0x8e: {  	[spmem:s2] =	stream.indirect.scatter.add.f32 [tilespmem:s5], [sflag:$0x1], $0x10, s13, s9, $0xb8;
	[tilespmem:$0x7380] =	vst v63  }
0x8f: {  	_ =	swait.ge [sflag:s4], $0x2000  }
0x90: {  	[sflag:s4] =	ssyncset.done $0x0  }
0x91: {  	[sflag:s4] =	ssyncadd.s32 $0xFFFFE000  }
0x92: {  	[spmem:s2] =	stream.indirect.scatter.add.f32 [tilespmem:s5], [sflag:$0x1], $0x10, s14, s9, $0xb8;
	[tilespmem:$0x7380] =	vst v63  }
0x93: {  	_ =	swait.ge [sflag:s4], $0x2000  }
0x94: {  	[sflag:s4] =	ssyncset.done $0x0  }
0x95: {  	[sflag:s4] =	ssyncadd.s32 $0xFFFFE000  }
0x96: {  	[spmem:s2] =	stream.indirect.scatter.add.f32 [tilespmem:s5], [sflag:$0x1], $0x10, s15, s9, $0xb8;
	[tilespmem:$0x7380] =	vst v63  }
0x97: {  	_ =	swait.ge [sflag:s4], $0x2000  }
0x98: {  	[sflag:s4] =	ssyncset.done $0x0  }
0x99: {  	[sflag:s4] =	ssyncadd.s32 $0xFFFFE000  }
0x9a: {  	[spmem:s2] =	stream.indirect.scatter.add.f32 [tilespmem:s5], [sflag:$0x1], $0x10, s16, s9, $0xb8;
	[tilespmem:$0x7380] =	vst v63  }
0x9b: {  	_ =	swait.ge [sflag:s4], $0x2000  }
0x9c: {  	[sflag:s4] =	ssyncset.done $0x0  }
0x9d: {  	[sflag:s4] =	ssyncadd.s32 $0xFFFFE000  }
0x9e: {  	[spmem:s2] =	stream.indirect.scatter.add.f32 [tilespmem:s5], [sflag:$0x1], $0x10, s17, s9, $0xb8;
	[tilespmem:$0x7380] =	vst v63  }
0x9f: {  	_ =	swait.ge [sflag:s4], $0x2000  }
0xa0: {  	[sflag:s4] =	ssyncset.done $0x0  }
0xa1: {  	[sflag:s4] =	ssyncadd.s32 $0xFFFFE000  }
0xa2: {  	[spmem:s2] =	stream.indirect.scatter.add.f32 [tilespmem:s5], [sflag:$0x1], $0x10, s18, s9, $0xb8;
	[tilespmem:$0x7380] =	vst v63  }
0xa3: {  	_ =	swait.ge [sflag:s4], $0x2000  }
0xa4: {  	[sflag:s4] =	ssyncset.done $0x0  }
0xa5: {  	[sflag:s4] =	ssyncadd.s32 $0xFFFFE000  }
0xa6: {  	[spmem:s2] =	stream.indirect.scatter.add.f32 [tilespmem:s5], [sflag:$0x1], $0x10, s19, s9, $0xb8;
	[tilespmem:$0x7380] =	vst v63  }
0xa7: {  	_ =	swait.ge [sflag:s4], $0x2000  }
0xa8: {  	[sflag:s4] =	ssyncset.done $0x0  }
0xa9: {  	[sflag:s4] =	ssyncadd.s32 $0xFFFFE000  }
0xaa: {  	[spmem:s2] =	stream.indirect.scatter.add.f32 [tilespmem:s5], [sflag:$0x1], $0x10, s20, s9, $0xb8;
	[tilespmem:$0x7380] =	vst v63  }
0xab: {  	_ =	swait.ge [sflag:s4], $0x2000  }
0xac: {  	[sflag:s4] =	ssyncset.done $0x0  }
0xad: {  	[sflag:s4] =	ssyncadd.s32 $0xFFFFE000  }
0xae: {  	[spmem:s2] =	stream.indirect.scatter.add.f32 [tilespmem:s5], [sflag:$0x1], $0x10, s21, s9, $0xb8;
	[tilespmem:$0x7380] =	vst v63  }
0xaf: {  	_ =	swait.ge [sflag:s4], $0x2000  }
0xb0: {  	[sflag:s4] =	ssyncset.done $0x0  }
0xb1: {  	[sflag:s4] =	ssyncadd.s32 $0xFFFFE000  }
0xb2: {  	[spmem:s2] =	stream.indirect.scatter.add.f32 [tilespmem:s5], [sflag:$0x1], $0x10, s22, s9, $0xb8;
	[tilespmem:$0x7380] =	vst v63  }
0xb3: {  	_ =	swait.ge [sflag:s4], $0x2000  }
0xb4: {  	[sflag:s4] =	ssyncset.done $0x0  }
0xb5: {  	[sflag:s4] =	ssyncadd.s32 $0xFFFFE000  }
0xb6: {  	[spmem:s2] =	stream.indirect.scatter.add.f32 [tilespmem:s5], [sflag:$0x1], $0x10, s23, s9, $0xb8;
	[tilespmem:$0x7380] =	vst v63  }
0xb7: {  	_ =	swait.ge [sflag:s4], $0x2000  }
0xb8: {  	[sflag:s4] =	ssyncset.done $0x0  }
0xb9: {  	[sflag:s4] =	ssyncadd.s32 $0xFFFFE000  }
0xba: {  	[spmem:s2] =	stream.indirect.scatter.add.f32 [tilespmem:s5], [sflag:$0x1], $0x10, s24, s9, $0xb8;
	[tilespmem:$0x7380] =	vst v63  }
0xbb: {  	_ =	swait.ge [sflag:s4], $0x2000  }
0xbc: {  	[sflag:s4] =	ssyncset.done $0x0  }
0xbd: {  	[sflag:s4] =	ssyncadd.s32 $0xFFFFE000  }
0xbe: {  	[spmem:s2] =	stream.indirect.scatter.add.f32 [tilespmem:s5], [sflag:$0x1], $0x10, s25, s9, $0xb8;
	[tilespmem:$0x7380] =	vst v63  }
0xbf: {  	_ =	swait.ge [sflag:s4], $0x2000  }
0xc0: {  	[sflag:s4] =	ssyncset.done $0x0  }
0xc1: {  	[sflag:s4] =	ssyncadd.s32 $0xFFFFE000  }
0xc2: {  	[spmem:s2] =	stream.indirect.scatter.add.f32 [tilespmem:s5], [sflag:$0x1], $0x10, s26, s9, $0xb8;
	[tilespmem:$0x7380] =	vst v63  }
0xc3: {  	_ =	swait.ge [sflag:s4], $0x2000  }
0xc4: {  	[sflag:s4] =	ssyncset.done $0x0  }
0xc5: {  	[sflag:s4] =	ssyncadd.s32 $0xFFFFE000  }
0xc6: {  	[spmem:s2] =	stream.indirect.scatter.add.f32 [tilespmem:s5], [sflag:$0x1], $0x10, s28, s9, $0xb8;
	[tilespmem:$0x7380] =	vst v63  }
0xc7: {  	p0 =	sne.s32 s1, $0x1;
	_ =	swait.ge [sflag:s4], $0x2000  }
.Ltmp1:
0xc8: {  	[sflag:s4] =	ssyncset.done $0x0;
	(pc) =	sbr.rel @p0 .LBB2_1-.Ltmp1, $4  }
0xc9: {  	[sflag:s4] =	ssyncadd.s32 $0xFFFFE000  }
0xca: {  	[bflag:$0x0] =	sbarrier.arrive $0xFFFF  }
0xcb: {  	[hbm:s29@s30], [sflag:s7] =	dma.strided [spmem:s8@s31], $0x4E2, s4, $0x2   }
0xcc: {  	s1 =	sadd.s32 $0xFFFFFFFF, s1;
	_ =	swait.ge [sflag:s4], $0x4E2  }
.LBB2_2:
0xcd: {  	[sflag:s4] =	ssyncset.done $0x0  }
0xce: {  	[sflag:s4] =	ssyncadd.s32 $0xFFFFFB1E  }
0xcf: {  	_ =	sfence.sel $0x180000  }
0xd0: {  	[bflag:$0x0] =	sbarrier.arrive $0xFFFF  }
0xd1: {  	_ =	strace $0x90000047  }
0xd2: {  	s0 =	stileid.u32;
	[bflag:$0x2] =	sbarrier.arrive $0xFFFF  }
0xd3: {  	p0 =	sne.s32 s0, $0x0;
	s0 =	rddreg [dreg:$0x3]  }
0xd4: {  	s0 =	sadd.s32 @!p0 $0x100000, s0  }
0xd5: {  	[sflag:s0] =	ssyncadd.tile.s32 @!p0 $0x1;
	_ =	shalt  }
.Lfunc_end2:
_tile_overlayer_lowered:
.L_overlay_start_2:
0xd6: {  	(tag) =	ssettag $0x2  }
0xd7: {  	s0 =	rddreg [dreg:$0x0];
	s2 =	stileid.u32  }
0xd8: {  	s1 =	rddreg [dreg:$0x1];
	p0 =	sne.s32 s2, $0x0  }
0xd9: {  	s3 =	rddreg [dreg:$0x2];
	[bflag:$0x3] =	sbarrier.arrive $0xFFFF;
	s2 =	simm.s32 @!p0 $0x1C01  }
0xda: {  	[timem:s3], [sflag:s2] =	dma.local @!p0 [hbm:s0], s1  }
0xdb: {  	s0 =	simm.s32 @!p0 $0x1  }
0xdc: {  	_ =	swait.ge @!p0 [sflag:s0], s1  }
0xdd: {  	s1 =	ssub.s32 @!p0 $0x0, s1;
	[sflag:s0] =	ssyncset.done @!p0 $0x0  }
0xde: {  	[sflag:s0] =	ssyncadd.s32 @!p0 s1  }
0xdf: {  	[bflag:$0x3] =	sbarrier.arrive $0xFFFF  }
0xe0: {  	_ =	shalt  }

</sc_bundles>
